<compile_context>
chip_gen: v7x
topology: tpu7x:2x2x1
jax: 0.10.2.dev20260603
libtpu: 0.0.44.dev20260713+nightly
codegen_flags: <defaults>
</compile_context>

<pallas_src>
import functools

import jax
import jax.numpy as jnp
from jax import lax
from jax.experimental import pallas as pl
from jax.experimental.pallas import tpu as pltpu
from jax.experimental.pallas import tpu_sc as plsc

N_NODES = 10000
N_TILES = 16
ROWS_T = 640
NPAD = N_TILES * ROWS_T
DH = 128
CH = 96
NSLOT = 2


def _agg_factory(nchunks: int, compute_deg: bool):
  assert nchunks % NSLOT == 0 and nchunks // NSLOT >= 3
  ngroups = nchunks // NSLOT
  mesh = plsc.VectorSubcoreMesh(core_axis_name="c", subcore_axis_name="s")
  out_type = [
      jax.ShapeDtypeStruct((NPAD, DH), jnp.float32),
      jax.ShapeDtypeStruct((NPAD, DH), jnp.float32),
  ]
  if compute_deg:
    out_type.append(jax.ShapeDtypeStruct((NPAD,), jnp.float32))
  scratch = [
      pltpu.VMEM_SHARED((NPAD, DH), jnp.float32),
      pltpu.VMEM_SHARED((NPAD,), jnp.float32),
      pltpu.VMEM((nchunks, CH), jnp.int32),
      pltpu.VMEM((nchunks, CH), jnp.int32),
      [pltpu.SemaphoreType.DMA] * NSLOT,
      [pltpu.SemaphoreType.DMA] * NSLOT,
  ]

  def body(x0, x1, src3, dst3, *rest):
    if compute_deg:
      a0_out, a1_out, deg_out = rest[:3]
      acc, dacc, srcs, dsts, gsem, ssem = rest[3:]
    else:
      a0_out, a1_out = rest[:2]
      deg_out = None
      acc, dacc, srcs, dsts, gsem, ssem = rest[2:]
    c = lax.axis_index("c")
    t = lax.axis_index("s")
    base = t * ROWS_T

    def scoped(rows, ones, zvec):
      zero16 = jnp.zeros((16,), jnp.float32)

      def zrow(i, carry):
        for k in range(DH // 16):
          rows[0][i, pl.ds(k * 16, 16)] = zero16
        return carry
      lax.fori_loop(0, CH, zrow, 0)
      for m in range(ROWS_T // CH):
        pltpu.sync_copy(rows[0], acc.at[pl.ds(base + m * CH, CH)])
      rem = ROWS_T % CH
      if rem:
        pltpu.sync_copy(rows[0].at[pl.ds(0, rem)],
                        acc.at[pl.ds(base + ROWS_T - rem, rem)])
      if compute_deg:
        def zvrow(i, carry):
          zvec[pl.ds(i * 16, 16)] = zero16
          return carry
        lax.fori_loop(0, ROWS_T // 16, zvrow, 0)
        @pl.when(c == 1)
        def _():
          pltpu.sync_copy(zvec, dacc.at[pl.ds(base, ROWS_T)])
      pltpu.sync_copy(src3.at[t], srcs)
      pltpu.sync_copy(dst3.at[t], dsts)
      if compute_deg:
        for k in range(CH // 16):
          ones[pl.ds(k * 16, 16)] = jnp.full((16,), 1.0, jnp.float32)

      def pipeline(xh, do_deg):
        def gather(j, s):
          pltpu.async_copy(xh.at[srcs.at[j]], rows[s], gsem[s])

        def wait_gather(s):
          pltpu.make_async_copy(xh.at[srcs.at[0]], rows[s], gsem[s]).wait()

        def scatter(j, s):
          pltpu.async_copy(rows[s], acc.at[dsts.at[j]], ssem[s], add=True)
          if do_deg:
            pltpu.async_copy(ones, dacc.at[dsts.at[j]], ssem[s], add=True)

        def wait_scatter(s):
          pltpu.make_async_copy(rows[s], acc.at[dsts.at[0]], ssem[s]).wait()
          if do_deg:
            pltpu.make_async_copy(ones, dacc.at[dsts.at[0]], ssem[s]).wait()

        def step(j, s, do_ws, do_refill):
          wait_gather(s)
          scatter(j, s)
          if do_refill:
            s1 = (s + 1) % NSLOT
            if do_ws:
              wait_scatter(s1)
            gather(j + 1, s1)

        gather(0, 0)
        for s in range(NSLOT):
          step(s, s, do_ws=(s == NSLOT - 1), do_refill=True)

        def grp(g, carry):
          j0 = g * NSLOT
          for s in range(NSLOT):
            step(j0 + s, s, do_ws=True, do_refill=True)
          return carry
        lax.fori_loop(1, ngroups - 1, grp, 0)

        j0 = (ngroups - 1) * NSLOT
        for s in range(NSLOT):
          step(j0 + s, s, do_ws=True, do_refill=(s < NSLOT - 1))
        for s in range(NSLOT):
          wait_scatter(s)

      plsc.subcore_barrier()

      @pl.when(c == 0)
      def _():
        pipeline(x0, False)

      @pl.when(c == 1)
      def _():
        pipeline(x1, compute_deg)

    pl.run_scoped(
        scoped,
        [pltpu.VMEM((CH, DH), jnp.float32)] * NSLOT,
        pltpu.VMEM((CH,), jnp.float32),
        pltpu.VMEM((ROWS_T,), jnp.float32),
    )

    plsc.subcore_barrier()

    @pl.when(c == 0)
    def _():
      pltpu.sync_copy(acc.at[pl.ds(base, ROWS_T)], a0_out.at[pl.ds(base, ROWS_T)])

    @pl.when(c == 1)
    def _():
      pltpu.sync_copy(acc.at[pl.ds(base, ROWS_T)], a1_out.at[pl.ds(base, ROWS_T)])
      if compute_deg:
        pltpu.sync_copy(dacc.at[pl.ds(base, ROWS_T)],
                        deg_out.at[pl.ds(base, ROWS_T)])

  return pl.kernel(body, out_type=tuple(out_type), mesh=mesh,
                   scratch_types=scratch,
                   compiler_params=pltpu.CompilerParams(
                       use_tc_tiling_on_sc=False))


BR = 400


def _tc1_body(a0, a1, dg, x, wl1, bl1, wr1, wl2, wr2, bl2, q0, q1, r_out):
  r = 1.0 / jnp.maximum(dg[...], 1.0)
  a = jnp.concatenate([a0[...], a1[...]], axis=1) * r
  h = (jnp.dot(a, wl1[...], preferred_element_type=jnp.float32)
       + jnp.dot(x[...], wr1[...], preferred_element_type=jnp.float32)
       + bl1[...])
  h = jnp.maximum(h, 0.0)
  q = jnp.dot(h, wl2[...], preferred_element_type=jnp.float32)
  q0[...] = q[:, :DH]
  q1[...] = q[:, DH:]
  r_out[...] = (jnp.dot(h, wr2[...], preferred_element_type=jnp.float32)
                + bl2[...])


def _tc2_body(s0, s1, dg, r_in, o):
  r = 1.0 / jnp.maximum(dg[...], 1.0)
  s = jnp.concatenate([s0[...], s1[...]], axis=1) * r
  o[...] = jnp.maximum(s + r_in[...], 0.0)


@functools.cache
def _tc1(d_in, d_hid, d_out):
  row_spec = lambda w: pl.BlockSpec((BR, w), lambda i: (i, 0))
  full = lambda s: pl.BlockSpec(s, lambda i: (0, 0))
  return pl.pallas_call(
      _tc1_body,
      grid=(N_NODES // BR,),
      in_specs=[
          row_spec(DH), row_spec(DH), row_spec(1), row_spec(d_in),
          full((d_in, d_hid)), full((1, d_hid)), full((d_in, d_hid)),
          full((d_hid, d_out)), full((d_hid, d_out)), full((1, d_out)),
      ],
      out_specs=[row_spec(DH), row_spec(DH), row_spec(d_out)],
      out_shape=[
          jax.ShapeDtypeStruct((N_NODES, DH), jnp.float32),
          jax.ShapeDtypeStruct((N_NODES, DH), jnp.float32),
          jax.ShapeDtypeStruct((N_NODES, d_out), jnp.float32),
      ],
  )


@functools.cache
def _tc2(d_out):
  row_spec = lambda w: pl.BlockSpec((BR, w), lambda i: (i, 0))
  return pl.pallas_call(
      _tc2_body,
      grid=(N_NODES // BR,),
      in_specs=[row_spec(DH), row_spec(DH), row_spec(1), row_spec(d_out)],
      out_specs=row_spec(d_out),
      out_shape=jax.ShapeDtypeStruct((N_NODES, d_out), jnp.float32),
  )


@functools.cache
def _agg(nchunks, compute_deg):
  return _agg_factory(nchunks, compute_deg)


def kernel(x, edge_index, Wl1, bl1, Wr1, Wl2, bl2, Wr2):
  src = edge_index[0].astype(jnp.int32)
  dst = edge_index[1].astype(jnp.int32)
  e = src.shape[0]
  ept = e // N_TILES
  nch = (ept + CH - 1) // CH
  nch = -(-nch // NSLOT) * NSLOT
  pad = nch * CH - ept
  src3 = jnp.concatenate(
      [src.reshape(N_TILES, ept),
       jnp.zeros((N_TILES, pad), jnp.int32)],
      axis=1).reshape(N_TILES, nch, CH)
  dst3 = jnp.concatenate(
      [dst.reshape(N_TILES, ept),
       jnp.full((N_TILES, pad), N_NODES, jnp.int32)],
      axis=1).reshape(N_TILES, nch, CH)
  a0, a1, degp = _agg(nch, True)(x[:, :DH], x[:, DH:], src3, dst3)
  deg2 = degp.reshape(NPAD, 1)

  d_in, d_hid = Wl1.shape
  d_out = Wl2.shape[1]
  q0, q1, r_mat = _tc1(d_in, d_hid, d_out)(
      a0, a1, deg2, x, Wl1, bl1.reshape(1, -1), Wr1, Wl2, Wr2,
      bl2.reshape(1, -1))

  s0, s1 = _agg(nch, False)(q0, q1, src3, dst3)
  return _tc2(d_out)(s0, s1, deg2, r_mat)

# --- scband reference (transcript-rebuilt; emitter-appended) ---
"""Pipeline reference for scband-two-layer-graph-sage-16965120819894 (READ-ONLY COPY).

The authoritative reference and input builder live on the scoring server;
editing this copy changes nothing except your own understanding.
"""

import jax, jax.numpy as jnp
import numpy as np

N_NODES = 10000
N_EDGES = 160000
D_IN = 256
D_HID = 512
D_OUT = 256


def setup_inputs(seed: int = 0) -> dict:
    key = jax.random.key(seed)
    ks = jax.random.split(key, 8)
    x = jax.random.normal(ks[0], (N_NODES, D_IN), dtype=jnp.float32)
    edge_index = jax.random.randint(ks[1], (2, N_EDGES), 0, N_NODES, dtype=jnp.int64)
    s1 = 1.0 / np.sqrt(D_IN)
    s2 = 1.0 / np.sqrt(D_HID)
    # SAGEConv layer 1: lin_l (on aggregated neighbors, with bias) + lin_r (on self, no bias)
    Wl1 = jax.random.uniform(ks[2], (D_IN, D_HID), dtype=jnp.float32, minval=-s1, maxval=s1)
    bl1 = jnp.zeros((D_HID,), dtype=jnp.float32)
    Wr1 = jax.random.uniform(ks[3], (D_IN, D_HID), dtype=jnp.float32, minval=-s1, maxval=s1)
    # SAGEConv layer 2
    Wl2 = jax.random.uniform(ks[4], (D_HID, D_OUT), dtype=jnp.float32, minval=-s2, maxval=s2)
    bl2 = jnp.zeros((D_OUT,), dtype=jnp.float32)
    Wr2 = jax.random.uniform(ks[5], (D_HID, D_OUT), dtype=jnp.float32, minval=-s2, maxval=s2)
    return {"x": x, "edge_index": edge_index, "Wl1": Wl1, "bl1": bl1, "Wr1": Wr1,
            "Wl2": Wl2, "bl2": bl2, "Wr2": Wr2}


def _sage_conv(x, edge_index, Wl, bl, Wr):
    src = edge_index[0]
    dst = edge_index[1]
    n = x.shape[0]
    msgs = jnp.take(x, src, axis=0)                      # gather source node features
    agg = jax.ops.segment_sum(msgs, dst, num_segments=n)  # scatter-add by destination
    ones = jnp.ones((edge_index.shape[1],), dtype=x.dtype)
    deg = jax.ops.segment_sum(ones, dst, num_segments=n)
    agg = agg / jnp.clip(deg, 1.0, None)[:, None]          # mean aggregation
    return agg @ Wl + bl + x @ Wr


def reference(x, edge_index, Wl1, bl1, Wr1, Wl2, bl2, Wr2):
    h = _sage_conv(x, edge_index, Wl1, bl1, Wr1)
    h = jax.nn.relu(h)
    # dropout p=0 (drpt=drpt2=0) -> identity
    out = _sage_conv(h, edge_index, Wl2, bl2, Wr2)
    out = jax.nn.relu(out)
    return out

if __name__ == "__main__":
    import jax
    _d = setup_inputs()
    print(jax.jit(kernel)(*tuple(_d.values())))

</pallas_src>

<mosaic_0001>
#map = affine_map<(d0, d1) -> (0, 0)>
#map1 = affine_map<(d0, d1) -> (0, 0, 0)>
#map2 = affine_map<(d0, d1) -> (0)>
module attributes {stable_mosaic.version = 14 : i64} {
  func.func @body(%arg0: i32, %arg1: i32, %arg2: memref<10000x128xf32, #tpu.memory_space<hbm>>, %arg3: memref<10000x128xf32, #tpu.memory_space<hbm>>, %arg4: memref<16x106x96xi32, #tpu.memory_space<hbm>>, %arg5: memref<16x106x96xi32, #tpu.memory_space<hbm>>, %arg6: memref<10240x128xf32, #tpu.memory_space<hbm>>, %arg7: memref<10240x128xf32, #tpu.memory_space<hbm>>, %arg8: memref<10240xf32, #tpu.memory_space<hbm>>, %arg9: memref<10240x128xf32, #tpu.memory_space<vmem_shared>>, %arg10: memref<10240xf32, #tpu.memory_space<vmem_shared>>, %arg11: memref<106x96xi32, #tpu.memory_space<vmem>>, %arg12: memref<106x96xi32, #tpu.memory_space<vmem>>, %arg13: memref<!tpu.dma_semaphore, #tpu.memory_space<semaphore_mem>>, %arg14: memref<!tpu.dma_semaphore, #tpu.memory_space<semaphore_mem>>, %arg15: memref<!tpu.dma_semaphore, #tpu.memory_space<semaphore_mem>>, %arg16: memref<!tpu.dma_semaphore, #tpu.memory_space<semaphore_mem>>) attributes {dimension_semantics = [#tpu.dimension_semantics<core_parallel>, #tpu.dimension_semantics<subcore_parallel>], iteration_bounds = array<i64: 2, 16>, scalar_prefetch = 0 : i64, scratch_operands = 8 : i64, tpu.core_type = #tpu.core_type<sc_vector_subcore>, window_params = [{transform_indices = #map}, {transform_indices = #map}, {transform_indices = #map1}, {transform_indices = #map1}, {transform_indices = #map}, {transform_indices = #map}, {transform_indices = #map2}]} {
    %mul3A = arith.constant 640 : i32
    %mul3A_0 = arith.muli %arg1, %mul3A : i32
    "tpu.region"() ({
      %run_scoped3A = memref.alloca() : memref<96x128xf32, #tpu.memory_space<vmem>>
      %run_scoped3A_8 = memref.alloca() : memref<96x128xf32, #tpu.memory_space<vmem>>
      %run_scoped3A_9 = memref.alloca() : memref<96xf32, #tpu.memory_space<vmem>>
      %run_scoped3A_10 = memref.alloca() : memref<640xf32, #tpu.memory_space<vmem>>
      %broadcast_in_dim3A = arith.constant 0.000000e+00 : f32
      %broadcast_in_dim3A_11 = vector.broadcast %broadcast_in_dim3A : f32 to vector<16xf32>
      %scan3A = arith.constant 0 : i32
      %scan3A_12 = arith.constant 0 : i32
      %scan3A_13 = arith.constant 96 : i32
      %scan3A_14 = arith.addi %scan3A_12, %scan3A_13 : i32
      %scan3A_15 = arith.constant 1 : i32
      scf.for %scan3A_88 = %scan3A_12 to %scan3A_14 step %scan3A_15  : i32 {
        %swap3A_89 = arith.index_cast %scan3A_88 : i32 to index
        %swap3A_90 = arith.constant 0 : index
        %swap3A_91 = tpu.vector_load %run_scoped3A[%swap3A_89, %swap3A_90] {strides = array<i32>} : memref<96x128xf32, #tpu.memory_space<vmem>>, vector<1x16xf32>,
        %swap3A_92 = vector.shape_cast %swap3A_91 : vector<1x16xf32> to vector<16xf32>
        %swap3A_93 = vector.shape_cast %broadcast_in_dim3A_11 : vector<16xf32> to vector<1x16xf32>
        tpu.vector_store %run_scoped3A[%swap3A_89, %swap3A_90], %swap3A_93 {strides = array<i32>} : memref<96x128xf32, #tpu.memory_space<vmem>>, vector<1x16xf32>,
        %swap3A_94 = arith.index_cast %scan3A_88 : i32 to index
        %swap3A_95 = arith.constant 16 : index
        %swap3A_96 = tpu.vector_load %run_scoped3A[%swap3A_94, %swap3A_95] {strides = array<i32>} : memref<96x128xf32, #tpu.memory_space<vmem>>, vector<1x16xf32>,
        %swap3A_97 = vector.shape_cast %swap3A_96 : vector<1x16xf32> to vector<16xf32>
        %swap3A_98 = vector.shape_cast %broadcast_in_dim3A_11 : vector<16xf32> to vector<1x16xf32>
        tpu.vector_store %run_scoped3A[%swap3A_94, %swap3A_95], %swap3A_98 {strides = array<i32>} : memref<96x128xf32, #tpu.memory_space<vmem>>, vector<1x16xf32>,
        %swap3A_99 = arith.index_cast %scan3A_88 : i32 to index
        %swap3A_100 = arith.constant 32 : index
        %swap3A_101 = tpu.vector_load %run_scoped3A[%swap3A_99, %swap3A_100] {strides = array<i32>} : memref<96x128xf32, #tpu.memory_space<vmem>>, vector<1x16xf32>,
        %swap3A_102 = vector.shape_cast %swap3A_101 : vector<1x16xf32> to vector<16xf32>
        %swap3A_103 = vector.shape_cast %broadcast_in_dim3A_11 : vector<16xf32> to vector<1x16xf32>
        tpu.vector_store %run_scoped3A[%swap3A_99, %swap3A_100], %swap3A_103 {strides = array<i32>} : memref<96x128xf32, #tpu.memory_space<vmem>>, vector<1x16xf32>,
        %swap3A_104 = arith.index_cast %scan3A_88 : i32 to index
        %swap3A_105 = arith.constant 48 : index
        %swap3A_106 = tpu.vector_load %run_scoped3A[%swap3A_104, %swap3A_105] {strides = array<i32>} : memref<96x128xf32, #tpu.memory_space<vmem>>, vector<1x16xf32>,
        %swap3A_107 = vector.shape_cast %swap3A_106 : vector<1x16xf32> to vector<16xf32>
        %swap3A_108 = vector.shape_cast %broadcast_in_dim3A_11 : vector<16xf32> to vector<1x16xf32>
        tpu.vector_store %run_scoped3A[%swap3A_104, %swap3A_105], %swap3A_108 {strides = array<i32>} : memref<96x128xf32, #tpu.memory_space<vmem>>, vector<1x16xf32>,
        %swap3A_109 = arith.index_cast %scan3A_88 : i32 to index
        %swap3A_110 = arith.constant 64 : index
        %swap3A_111 = tpu.vector_load %run_scoped3A[%swap3A_109, %swap3A_110] {strides = array<i32>} : memref<96x128xf32, #tpu.memory_space<vmem>>, vector<1x16xf32>,
        %swap3A_112 = vector.shape_cast %swap3A_111 : vector<1x16xf32> to vector<16xf32>
        %swap3A_113 = vector.shape_cast %broadcast_in_dim3A_11 : vector<16xf32> to vector<1x16xf32>
        tpu.vector_store %run_scoped3A[%swap3A_109, %swap3A_110], %swap3A_113 {strides = array<i32>} : memref<96x128xf32, #tpu.memory_space<vmem>>, vector<1x16xf32>,
        %swap3A_114 = arith.index_cast %scan3A_88 : i32 to index
        %swap3A_115 = arith.constant 80 : index
        %swap3A_116 = tpu.vector_load %run_scoped3A[%swap3A_114, %swap3A_115] {strides = array<i32>} : memref<96x128xf32, #tpu.memory_space<vmem>>, vector<1x16xf32>,
        %swap3A_117 = vector.shape_cast %swap3A_116 : vector<1x16xf32> to vector<16xf32>
        %swap3A_118 = vector.shape_cast %broadcast_in_dim3A_11 : vector<16xf32> to vector<1x16xf32>
        tpu.vector_store %run_scoped3A[%swap3A_114, %swap3A_115], %swap3A_118 {strides = array<i32>} : memref<96x128xf32, #tpu.memory_space<vmem>>, vector<1x16xf32>,
        %swap3A_119 = arith.index_cast %scan3A_88 : i32 to index
        %swap3A_120 = arith.constant 96 : index
        %swap3A_121 = tpu.vector_load %run_scoped3A[%swap3A_119, %swap3A_120] {strides = array<i32>} : memref<96x128xf32, #tpu.memory_space<vmem>>, vector<1x16xf32>,
        %swap3A_122 = vector.shape_cast %swap3A_121 : vector<1x16xf32> to vector<16xf32>
        %swap3A_123 = vector.shape_cast %broadcast_in_dim3A_11 : vector<16xf32> to vector<1x16xf32>
        tpu.vector_store %run_scoped3A[%swap3A_119, %swap3A_120], %swap3A_123 {strides = array<i32>} : memref<96x128xf32, #tpu.memory_space<vmem>>, vector<1x16xf32>,
        %swap3A_124 = arith.index_cast %scan3A_88 : i32 to index
        %swap3A_125 = arith.constant 112 : index
        %swap3A_126 = tpu.vector_load %run_scoped3A[%swap3A_124, %swap3A_125] {strides = array<i32>} : memref<96x128xf32, #tpu.memory_space<vmem>>, vector<1x16xf32>,
        %swap3A_127 = vector.shape_cast %swap3A_126 : vector<1x16xf32> to vector<16xf32>
        %swap3A_128 = vector.shape_cast %broadcast_in_dim3A_11 : vector<16xf32> to vector<1x16xf32>
        tpu.vector_store %run_scoped3A[%swap3A_124, %swap3A_125], %swap3A_128 {strides = array<i32>} : memref<96x128xf32, #tpu.memory_space<vmem>>, vector<1x16xf32>,
      }
      %scan3A_16 = arith.constant 96 : i32
      %add3A = arith.constant 0 : i32
      %add3A_17 = arith.addi %mul3A_0, %add3A : i32
      "tpu.region"() ({
        %run_scoped3A_88 = tpu.sem_alloc : memref<!tpu.dma_semaphore, #tpu.memory_space<semaphore_mem>>
        %dma_start3A = arith.constant 0 : i32
        %dma_start3A_89 = tpu.memref_slice %arg9[%add3A_17, %dma_start3A] : memref<10240x128xf32, #tpu.memory_space<vmem_shared>> -> memref<96x128xf32, #tpu.memory_space<vmem_shared>>
        %dma_start3A_90 = arith.constant 0 : i32
        %dma_start3A_91 = tpu.memref_slice %arg9[%add3A_17, %dma_start3A_90] : memref<10240x128xf32, #tpu.memory_space<vmem_shared>> -> memref<96x128xf32, #tpu.memory_space<vmem_shared>>
        tpu.enqueue_dma source(%run_scoped3A : memref<96x128xf32, #tpu.memory_space<vmem>>) target(%dma_start3A_91 : memref<96x128xf32, #tpu.memory_space<vmem_shared>>) target_semaphore(%run_scoped3A_88 : memref<!tpu.dma_semaphore, #tpu.memory_space<semaphore_mem>>)
        %dma_wait3A = arith.constant 0 : i32
        %dma_wait3A_92 = tpu.memref_slice %arg9[%add3A_17, %dma_wait3A] : memref<10240x128xf32, #tpu.memory_space<vmem_shared>> -> memref<96x128xf32, #tpu.memory_space<vmem_shared>>
        %dma_wait3A_93 = arith.constant 0 : i32
        %dma_wait3A_94 = tpu.memref_slice %arg9[%add3A_17, %dma_wait3A_93] : memref<10240x128xf32, #tpu.memory_space<vmem_shared>> -> memref<96x128xf32, #tpu.memory_space<vmem_shared>>
        tpu.wait_dma2 semaphore(%run_scoped3A_88 : memref<!tpu.dma_semaphore, #tpu.memory_space<semaphore_mem>>) src(%run_scoped3A : memref<96x128xf32, #tpu.memory_space<vmem>>) dst(%dma_wait3A_94 : memref<96x128xf32, #tpu.memory_space<vmem_shared>>)
        tpu.yield
      }) : () -> ()
      %add3A_18 = arith.constant 96 : i32
      %add3A_19 = arith.addi %mul3A_0, %add3A_18 : i32
      "tpu.region"() ({
        %run_scoped3A_88 = tpu.sem_alloc : memref<!tpu.dma_semaphore, #tpu.memory_space<semaphore_mem>>
        %dma_start3A = arith.constant 0 : i32
        %dma_start3A_89 = tpu.memref_slice %arg9[%add3A_19, %dma_start3A] : memref<10240x128xf32, #tpu.memory_space<vmem_shared>> -> memref<96x128xf32, #tpu.memory_space<vmem_shared>>
        %dma_start3A_90 = arith.constant 0 : i32
        %dma_start3A_91 = tpu.memref_slice %arg9[%add3A_19, %dma_start3A_90] : memref<10240x128xf32, #tpu.memory_space<vmem_shared>> -> memref<96x128xf32, #tpu.memory_space<vmem_shared>>
        tpu.enqueue_dma source(%run_scoped3A : memref<96x128xf32, #tpu.memory_space<vmem>>) target(%dma_start3A_91 : memref<96x128xf32, #tpu.memory_space<vmem_shared>>) target_semaphore(%run_scoped3A_88 : memref<!tpu.dma_semaphore, #tpu.memory_space<semaphore_mem>>)
        %dma_wait3A = arith.constant 0 : i32
        %dma_wait3A_92 = tpu.memref_slice %arg9[%add3A_19, %dma_wait3A] : memref<10240x128xf32, #tpu.memory_space<vmem_shared>> -> memref<96x128xf32, #tpu.memory_space<vmem_shared>>
        %dma_wait3A_93 = arith.constant 0 : i32
        %dma_wait3A_94 = tpu.memref_slice %arg9[%add3A_19, %dma_wait3A_93] : memref<10240x128xf32, #tpu.memory_space<vmem_shared>> -> memref<96x128xf32, #tpu.memory_space<vmem_shared>>
        tpu.wait_dma2 semaphore(%run_scoped3A_88 : memref<!tpu.dma_semaphore, #tpu.memory_space<semaphore_mem>>) src(%run_scoped3A : memref<96x128xf32, #tpu.memory_space<vmem>>) dst(%dma_wait3A_94 : memref<96x128xf32, #tpu.memory_space<vmem_shared>>)
        tpu.yield
      }) : () -> ()
      %add3A_20 = arith.constant 192 : i32
      %add3A_21 = arith.addi %mul3A_0, %add3A_20 : i32
      "tpu.region"() ({
        %run_scoped3A_88 = tpu.sem_alloc : memref<!tpu.dma_semaphore, #tpu.memory_space<semaphore_mem>>
        %dma_start3A = arith.constant 0 : i32
        %dma_start3A_89 = tpu.memref_slice %arg9[%add3A_21, %dma_start3A] : memref<10240x128xf32, #tpu.memory_space<vmem_shared>> -> memref<96x128xf32, #tpu.memory_space<vmem_shared>>
        %dma_start3A_90 = arith.constant 0 : i32
        %dma_start3A_91 = tpu.memref_slice %arg9[%add3A_21, %dma_start3A_90] : memref<10240x128xf32, #tpu.memory_space<vmem_shared>> -> memref<96x128xf32, #tpu.memory_space<vmem_shared>>
        tpu.enqueue_dma source(%run_scoped3A : memref<96x128xf32, #tpu.memory_space<vmem>>) target(%dma_start3A_91 : memref<96x128xf32, #tpu.memory_space<vmem_shared>>) target_semaphore(%run_scoped3A_88 : memref<!tpu.dma_semaphore, #tpu.memory_space<semaphore_mem>>)
        %dma_wait3A = arith.constant 0 : i32
        %dma_wait3A_92 = tpu.memref_slice %arg9[%add3A_21, %dma_wait3A] : memref<10240x128xf32, #tpu.memory_space<vmem_shared>> -> memref<96x128xf32, #tpu.memory_space<vmem_shared>>
        %dma_wait3A_93 = arith.constant 0 : i32
        %dma_wait3A_94 = tpu.memref_slice %arg9[%add3A_21, %dma_wait3A_93] : memref<10240x128xf32, #tpu.memory_space<vmem_shared>> -> memref<96x128xf32, #tpu.memory_space<vmem_shared>>
        tpu.wait_dma2 semaphore(%run_scoped3A_88 : memref<!tpu.dma_semaphore, #tpu.memory_space<semaphore_mem>>) src(%run_scoped3A : memref<96x128xf32, #tpu.memory_space<vmem>>) dst(%dma_wait3A_94 : memref<96x128xf32, #tpu.memory_space<vmem_shared>>)
        tpu.yield
      }) : () -> ()
      %add3A_22 = arith.constant 288 : i32
      %add3A_23 = arith.addi %mul3A_0, %add3A_22 : i32
      "tpu.region"() ({
        %run_scoped3A_88 = tpu.sem_alloc : memref<!tpu.dma_semaphore, #tpu.memory_space<semaphore_mem>>
        %dma_start3A = arith.constant 0 : i32
        %dma_start3A_89 = tpu.memref_slice %arg9[%add3A_23, %dma_start3A] : memref<10240x128xf32, #tpu.memory_space<vmem_shared>> -> memref<96x128xf32, #tpu.memory_space<vmem_shared>>
        %dma_start3A_90 = arith.constant 0 : i32
        %dma_start3A_91 = tpu.memref_slice %arg9[%add3A_23, %dma_start3A_90] : memref<10240x128xf32, #tpu.memory_space<vmem_shared>> -> memref<96x128xf32, #tpu.memory_space<vmem_shared>>
        tpu.enqueue_dma source(%run_scoped3A : memref<96x128xf32, #tpu.memory_space<vmem>>) target(%dma_start3A_91 : memref<96x128xf32, #tpu.memory_space<vmem_shared>>) target_semaphore(%run_scoped3A_88 : memref<!tpu.dma_semaphore, #tpu.memory_space<semaphore_mem>>)
        %dma_wait3A = arith.constant 0 : i32
        %dma_wait3A_92 = tpu.memref_slice %arg9[%add3A_23, %dma_wait3A] : memref<10240x128xf32, #tpu.memory_space<vmem_shared>> -> memref<96x128xf32, #tpu.memory_space<vmem_shared>>
        %dma_wait3A_93 = arith.constant 0 : i32
        %dma_wait3A_94 = tpu.memref_slice %arg9[%add3A_23, %dma_wait3A_93] : memref<10240x128xf32, #tpu.memory_space<vmem_shared>> -> memref<96x128xf32, #tpu.memory_space<vmem_shared>>
        tpu.wait_dma2 semaphore(%run_scoped3A_88 : memref<!tpu.dma_semaphore, #tpu.memory_space<semaphore_mem>>) src(%run_scoped3A : memref<96x128xf32, #tpu.memory_space<vmem>>) dst(%dma_wait3A_94 : memref<96x128xf32, #tpu.memory_space<vmem_shared>>)
        tpu.yield
      }) : () -> ()
      %add3A_24 = arith.constant 384 : i32
      %add3A_25 = arith.addi %mul3A_0, %add3A_24 : i32
      "tpu.region"() ({
        %run_scoped3A_88 = tpu.sem_alloc : memref<!tpu.dma_semaphore, #tpu.memory_space<semaphore_mem>>
        %dma_start3A = arith.constant 0 : i32
        %dma_start3A_89 = tpu.memref_slice %arg9[%add3A_25, %dma_start3A] : memref<10240x128xf32, #tpu.memory_space<vmem_shared>> -> memref<96x128xf32, #tpu.memory_space<vmem_shared>>
        %dma_start3A_90 = arith.constant 0 : i32
        %dma_start3A_91 = tpu.memref_slice %arg9[%add3A_25, %dma_start3A_90] : memref<10240x128xf32, #tpu.memory_space<vmem_shared>> -> memref<96x128xf32, #tpu.memory_space<vmem_shared>>
        tpu.enqueue_dma source(%run_scoped3A : memref<96x128xf32, #tpu.memory_space<vmem>>) target(%dma_start3A_91 : memref<96x128xf32, #tpu.memory_space<vmem_shared>>) target_semaphore(%run_scoped3A_88 : memref<!tpu.dma_semaphore, #tpu.memory_space<semaphore_mem>>)
        %dma_wait3A = arith.constant 0 : i32
        %dma_wait3A_92 = tpu.memref_slice %arg9[%add3A_25, %dma_wait3A] : memref<10240x128xf32, #tpu.memory_space<vmem_shared>> -> memref<96x128xf32, #tpu.memory_space<vmem_shared>>
        %dma_wait3A_93 = arith.constant 0 : i32
        %dma_wait3A_94 = tpu.memref_slice %arg9[%add3A_25, %dma_wait3A_93] : memref<10240x128xf32, #tpu.memory_space<vmem_shared>> -> memref<96x128xf32, #tpu.memory_space<vmem_shared>>
        tpu.wait_dma2 semaphore(%run_scoped3A_88 : memref<!tpu.dma_semaphore, #tpu.memory_space<semaphore_mem>>) src(%run_scoped3A : memref<96x128xf32, #tpu.memory_space<vmem>>) dst(%dma_wait3A_94 : memref<96x128xf32, #tpu.memory_space<vmem_shared>>)
        tpu.yield
      }) : () -> ()
      %add3A_26 = arith.constant 480 : i32
      %add3A_27 = arith.addi %mul3A_0, %add3A_26 : i32
      "tpu.region"() ({
        %run_scoped3A_88 = tpu.sem_alloc : memref<!tpu.dma_semaphore, #tpu.memory_space<semaphore_mem>>
        %dma_start3A = arith.constant 0 : i32
        %dma_start3A_89 = tpu.memref_slice %arg9[%add3A_27, %dma_start3A] : memref<10240x128xf32, #tpu.memory_space<vmem_shared>> -> memref<96x128xf32, #tpu.memory_space<vmem_shared>>
        %dma_start3A_90 = arith.constant 0 : i32
        %dma_start3A_91 = tpu.memref_slice %arg9[%add3A_27, %dma_start3A_90] : memref<10240x128xf32, #tpu.memory_space<vmem_shared>> -> memref<96x128xf32, #tpu.memory_space<vmem_shared>>
        tpu.enqueue_dma source(%run_scoped3A : memref<96x128xf32, #tpu.memory_space<vmem>>) target(%dma_start3A_91 : memref<96x128xf32, #tpu.memory_space<vmem_shared>>) target_semaphore(%run_scoped3A_88 : memref<!tpu.dma_semaphore, #tpu.memory_space<semaphore_mem>>)
        %dma_wait3A = arith.constant 0 : i32
        %dma_wait3A_92 = tpu.memref_slice %arg9[%add3A_27, %dma_wait3A] : memref<10240x128xf32, #tpu.memory_space<vmem_shared>> -> memref<96x128xf32, #tpu.memory_space<vmem_shared>>
        %dma_wait3A_93 = arith.constant 0 : i32
        %dma_wait3A_94 = tpu.memref_slice %arg9[%add3A_27, %dma_wait3A_93] : memref<10240x128xf32, #tpu.memory_space<vmem_shared>> -> memref<96x128xf32, #tpu.memory_space<vmem_shared>>
        tpu.wait_dma2 semaphore(%run_scoped3A_88 : memref<!tpu.dma_semaphore, #tpu.memory_space<semaphore_mem>>) src(%run_scoped3A : memref<96x128xf32, #tpu.memory_space<vmem>>) dst(%dma_wait3A_94 : memref<96x128xf32, #tpu.memory_space<vmem_shared>>)
        tpu.yield
      }) : () -> ()
      %add3A_28 = arith.constant 640 : i32
      %add3A_29 = arith.addi %mul3A_0, %add3A_28 : i32
      %sub3A = arith.constant 64 : i32
      %sub3A_30 = arith.subi %add3A_29, %sub3A : i32
      "tpu.region"() ({
        %run_scoped3A_88 = tpu.sem_alloc : memref<!tpu.dma_semaphore, #tpu.memory_space<semaphore_mem>>
        %dma_start3A = arith.constant 0 : i32
        %dma_start3A_89 = arith.constant 0 : i32
        %dma_start3A_90 = tpu.memref_slice %run_scoped3A[%dma_start3A, %dma_start3A_89] : memref<96x128xf32, #tpu.memory_space<vmem>> -> memref<64x128xf32, #tpu.memory_space<vmem>>
        %dma_start3A_91 = arith.constant 0 : i32
        %dma_start3A_92 = tpu.memref_slice %arg9[%sub3A_30, %dma_start3A_91] : memref<10240x128xf32, #tpu.memory_space<vmem_shared>> -> memref<64x128xf32, #tpu.memory_space<vmem_shared>>
        %dma_start3A_93 = arith.constant 0 : i32
        %dma_start3A_94 = tpu.memref_slice %arg9[%sub3A_30, %dma_start3A_93] : memref<10240x128xf32, #tpu.memory_space<vmem_shared>> -> memref<64x128xf32, #tpu.memory_space<vmem_shared>>
        %dma_start3A_95 = arith.constant 0 : i32
        %dma_start3A_96 = arith.constant 0 : i32
        %dma_start3A_97 = tpu.memref_slice %run_scoped3A[%dma_start3A_95, %dma_start3A_96] : memref<96x128xf32, #tpu.memory_space<vmem>> -> memref<64x128xf32, #tpu.memory_space<vmem>>
        tpu.enqueue_dma source(%dma_start3A_97 : memref<64x128xf32, #tpu.memory_space<vmem>>) target(%dma_start3A_94 : memref<64x128xf32, #tpu.memory_space<vmem_shared>>) target_semaphore(%run_scoped3A_88 : memref<!tpu.dma_semaphore, #tpu.memory_space<semaphore_mem>>)
        %dma_wait3A = arith.constant 0 : i32
        %dma_wait3A_98 = arith.constant 0 : i32
        %dma_wait3A_99 = tpu.memref_slice %run_scoped3A[%dma_wait3A, %dma_wait3A_98] : memref<96x128xf32, #tpu.memory_space<vmem>> -> memref<64x128xf32, #tpu.memory_space<vmem>>
        %dma_wait3A_100 = arith.constant 0 : i32
        %dma_wait3A_101 = tpu.memref_slice %arg9[%sub3A_30, %dma_wait3A_100] : memref<10240x128xf32, #tpu.memory_space<vmem_shared>> -> memref<64x128xf32, #tpu.memory_space<vmem_shared>>
        %dma_wait3A_102 = arith.constant 0 : i32
        %dma_wait3A_103 = tpu.memref_slice %arg9[%sub3A_30, %dma_wait3A_102] : memref<10240x128xf32, #tpu.memory_space<vmem_shared>> -> memref<64x128xf32, #tpu.memory_space<vmem_shared>>
        %dma_wait3A_104 = arith.constant 0 : i32
        %dma_wait3A_105 = arith.constant 0 : i32
        %dma_wait3A_106 = tpu.memref_slice %run_scoped3A[%dma_wait3A_104, %dma_wait3A_105] : memref<96x128xf32, #tpu.memory_space<vmem>> -> memref<64x128xf32, #tpu.memory_space<vmem>>
        tpu.wait_dma2 semaphore(%run_scoped3A_88 : memref<!tpu.dma_semaphore, #tpu.memory_space<semaphore_mem>>) src(%dma_wait3A_106 : memref<64x128xf32, #tpu.memory_space<vmem>>) dst(%dma_wait3A_103 : memref<64x128xf32, #tpu.memory_space<vmem_shared>>)
        tpu.yield
      }) : () -> ()
      %scan3A_31 = arith.constant 0 : i32
      %scan3A_32 = arith.constant 0 : i32
      %scan3A_33 = arith.constant 40 : i32
      %scan3A_34 = arith.addi %scan3A_32, %scan3A_33 : i32
      %scan3A_35 = arith.constant 1 : i32
      scf.for %scan3A_88 = %scan3A_32 to %scan3A_34 step %scan3A_35  : i32 {
        %mul3A_89 = arith.constant 16 : i32
        %mul3A_90 = arith.muli %scan3A_88, %mul3A_89 : i32
        %swap3A_91 = arith.index_cast %mul3A_90 : i32 to index
        %swap3A_92 = tpu.vector_load %run_scoped3A_10[%swap3A_91] {strides = array<i32>} : memref<640xf32, #tpu.memory_space<vmem>>, vector<16xf32>,
        %swap3A_93 = vector.shape_cast %swap3A_92 : vector<16xf32> to vector<16xf32>
        %swap3A_94 = vector.shape_cast %broadcast_in_dim3A_11 : vector<16xf32> to vector<16xf32>
        tpu.vector_store %run_scoped3A_10[%swap3A_91], %swap3A_94 {strides = array<i32>} : memref<640xf32, #tpu.memory_space<vmem>>, vector<16xf32>,
      }
      %scan3A_36 = arith.constant 40 : i32
      %eq3A_37 = arith.constant 1 : i32
      %eq3A_38 = arith.cmpi eq, %arg0, %eq3A_37 : i32
      %convert_element_type3A_39 = arith.extui %eq3A_38 : i1 to i32
      %cond3A_40 = arith.constant 0 : i32
      %cond3A_41 = arith.cmpi ne, %convert_element_type3A_39, %cond3A_40 : i32
      scf.if %cond3A_41 {
        "tpu.region"() ({
          %run_scoped3A_88 = tpu.sem_alloc : memref<!tpu.dma_semaphore, #tpu.memory_space<semaphore_mem>>
          %dma_start3A = tpu.memref_slice %arg10[%mul3A_0] : memref<10240xf32, #tpu.memory_space<vmem_shared>> -> memref<640xf32, #tpu.memory_space<vmem_shared>>
          %dma_start3A_89 = tpu.memref_slice %arg10[%mul3A_0] : memref<10240xf32, #tpu.memory_space<vmem_shared>> -> memref<640xf32, #tpu.memory_space<vmem_shared>>
          tpu.enqueue_dma source(%run_scoped3A_10 : memref<640xf32, #tpu.memory_space<vmem>>) target(%dma_start3A_89 : memref<640xf32, #tpu.memory_space<vmem_shared>>) target_semaphore(%run_scoped3A_88 : memref<!tpu.dma_semaphore, #tpu.memory_space<semaphore_mem>>)
          %dma_wait3A = tpu.memref_slice %arg10[%mul3A_0] : memref<10240xf32, #tpu.memory_space<vmem_shared>> -> memref<640xf32, #tpu.memory_space<vmem_shared>>
          %dma_wait3A_90 = tpu.memref_slice %arg10[%mul3A_0] : memref<10240xf32, #tpu.memory_space<vmem_shared>> -> memref<640xf32, #tpu.memory_space<vmem_shared>>
          tpu.wait_dma2 semaphore(%run_scoped3A_88 : memref<!tpu.dma_semaphore, #tpu.memory_space<semaphore_mem>>) src(%run_scoped3A_10 : memref<640xf32, #tpu.memory_space<vmem>>) dst(%dma_wait3A_90 : memref<640xf32, #tpu.memory_space<vmem_shared>>)
          tpu.yield
        }) : () -> ()
      } else {
      }
      "tpu.region"() ({
        %run_scoped3A_88 = tpu.sem_alloc : memref<!tpu.dma_semaphore, #tpu.memory_space<semaphore_mem>>
        %dma_start3A = arith.constant 0 : i32
        %dma_start3A_89 = arith.constant 0 : i32
        %dma_start3A_90 = tpu.memref_slice %arg4[%arg1, %dma_start3A, %dma_start3A_89] : memref<16x106x96xi32, #tpu.memory_space<hbm>> -> memref<1x106x96xi32, #tpu.memory_space<hbm>>
        %dma_start3A_91 = tpu.memref_squeeze %dma_start3A_90 : memref<1x106x96xi32, #tpu.memory_space<hbm>> -> memref<106x96xi32, #tpu.memory_space<hbm>>
        %dma_start3A_92 = arith.constant 0 : i32
        %dma_start3A_93 = arith.constant 0 : i32
        %dma_start3A_94 = tpu.memref_slice %arg4[%arg1, %dma_start3A_92, %dma_start3A_93] : memref<16x106x96xi32, #tpu.memory_space<hbm>> -> memref<1x106x96xi32, #tpu.memory_space<hbm>>
        %dma_start3A_95 = tpu.memref_squeeze %dma_start3A_94 : memref<1x106x96xi32, #tpu.memory_space<hbm>> -> memref<106x96xi32, #tpu.memory_space<hbm>>
        tpu.enqueue_dma source(%dma_start3A_95 : memref<106x96xi32, #tpu.memory_space<hbm>>) target(%arg11 : memref<106x96xi32, #tpu.memory_space<vmem>>) target_semaphore(%run_scoped3A_88 : memref<!tpu.dma_semaphore, #tpu.memory_space<semaphore_mem>>)
        %dma_wait3A = arith.constant 0 : i32
        %dma_wait3A_96 = arith.constant 0 : i32
        %dma_wait3A_97 = tpu.memref_slice %arg4[%arg1, %dma_wait3A, %dma_wait3A_96] : memref<16x106x96xi32, #tpu.memory_space<hbm>> -> memref<1x106x96xi32, #tpu.memory_space<hbm>>
        %dma_wait3A_98 = tpu.memref_squeeze %dma_wait3A_97 : memref<1x106x96xi32, #tpu.memory_space<hbm>> -> memref<106x96xi32, #tpu.memory_space<hbm>>
        %dma_wait3A_99 = arith.constant 0 : i32
        %dma_wait3A_100 = arith.constant 0 : i32
        %dma_wait3A_101 = tpu.memref_slice %arg4[%arg1, %dma_wait3A_99, %dma_wait3A_100] : memref<16x106x96xi32, #tpu.memory_space<hbm>> -> memref<1x106x96xi32, #tpu.memory_space<hbm>>
        %dma_wait3A_102 = tpu.memref_squeeze %dma_wait3A_101 : memref<1x106x96xi32, #tpu.memory_space<hbm>> -> memref<106x96xi32, #tpu.memory_space<hbm>>
        tpu.wait_dma2 semaphore(%run_scoped3A_88 : memref<!tpu.dma_semaphore, #tpu.memory_space<semaphore_mem>>) src(%dma_wait3A_102 : memref<106x96xi32, #tpu.memory_space<hbm>>) dst(%arg11 : memref<106x96xi32, #tpu.memory_space<vmem>>)
        tpu.yield
      }) : () -> ()
      "tpu.region"() ({
        %run_scoped3A_88 = tpu.sem_alloc : memref<!tpu.dma_semaphore, #tpu.memory_space<semaphore_mem>>
        %dma_start3A = arith.constant 0 : i32
        %dma_start3A_89 = arith.constant 0 : i32
        %dma_start3A_90 = tpu.memref_slice %arg5[%arg1, %dma_start3A, %dma_start3A_89] : memref<16x106x96xi32, #tpu.memory_space<hbm>> -> memref<1x106x96xi32, #tpu.memory_space<hbm>>
        %dma_start3A_91 = tpu.memref_squeeze %dma_start3A_90 : memref<1x106x96xi32, #tpu.memory_space<hbm>> -> memref<106x96xi32, #tpu.memory_space<hbm>>
        %dma_start3A_92 = arith.constant 0 : i32
        %dma_start3A_93 = arith.constant 0 : i32
        %dma_start3A_94 = tpu.memref_slice %arg5[%arg1, %dma_start3A_92, %dma_start3A_93] : memref<16x106x96xi32, #tpu.memory_space<hbm>> -> memref<1x106x96xi32, #tpu.memory_space<hbm>>
        %dma_start3A_95 = tpu.memref_squeeze %dma_start3A_94 : memref<1x106x96xi32, #tpu.memory_space<hbm>> -> memref<106x96xi32, #tpu.memory_space<hbm>>
        tpu.enqueue_dma source(%dma_start3A_95 : memref<106x96xi32, #tpu.memory_space<hbm>>) target(%arg12 : memref<106x96xi32, #tpu.memory_space<vmem>>) target_semaphore(%run_scoped3A_88 : memref<!tpu.dma_semaphore, #tpu.memory_space<semaphore_mem>>)
        %dma_wait3A = arith.constant 0 : i32
        %dma_wait3A_96 = arith.constant 0 : i32
        %dma_wait3A_97 = tpu.memref_slice %arg5[%arg1, %dma_wait3A, %dma_wait3A_96] : memref<16x106x96xi32, #tpu.memory_space<hbm>> -> memref<1x106x96xi32, #tpu.memory_space<hbm>>
        %dma_wait3A_98 = tpu.memref_squeeze %dma_wait3A_97 : memref<1x106x96xi32, #tpu.memory_space<hbm>> -> memref<106x96xi32, #tpu.memory_space<hbm>>
        %dma_wait3A_99 = arith.constant 0 : i32
        %dma_wait3A_100 = arith.constant 0 : i32
        %dma_wait3A_101 = tpu.memref_slice %arg5[%arg1, %dma_wait3A_99, %dma_wait3A_100] : memref<16x106x96xi32, #tpu.memory_space<hbm>> -> memref<1x106x96xi32, #tpu.memory_space<hbm>>
        %dma_wait3A_102 = tpu.memref_squeeze %dma_wait3A_101 : memref<1x106x96xi32, #tpu.memory_space<hbm>> -> memref<106x96xi32, #tpu.memory_space<hbm>>
        tpu.wait_dma2 semaphore(%run_scoped3A_88 : memref<!tpu.dma_semaphore, #tpu.memory_space<semaphore_mem>>) src(%dma_wait3A_102 : memref<106x96xi32, #tpu.memory_space<hbm>>) dst(%arg12 : memref<106x96xi32, #tpu.memory_space<vmem>>)
        tpu.yield
      }) : () -> ()
      %broadcast_in_dim3A_42 = arith.constant 1.000000e+00 : f32
      %broadcast_in_dim3A_43 = vector.broadcast %broadcast_in_dim3A_42 : f32 to vector<16xf32>
      %swap3A = arith.constant 0 : index
      %swap3A_44 = tpu.vector_load %run_scoped3A_9[%swap3A] {strides = array<i32>} : memref<96xf32, #tpu.memory_space<vmem>>, vector<16xf32>,
      %swap3A_45 = vector.shape_cast %swap3A_44 : vector<16xf32> to vector<16xf32>
      %swap3A_46 = vector.shape_cast %broadcast_in_dim3A_43 : vector<16xf32> to vector<16xf32>
      tpu.vector_store %run_scoped3A_9[%swap3A], %swap3A_46 {strides = array<i32>} : memref<96xf32, #tpu.memory_space<vmem>>, vector<16xf32>,
      %broadcast_in_dim3A_47 = arith.constant 1.000000e+00 : f32
      %broadcast_in_dim3A_48 = vector.broadcast %broadcast_in_dim3A_47 : f32 to vector<16xf32>
      %swap3A_49 = arith.constant 16 : index
      %swap3A_50 = tpu.vector_load %run_scoped3A_9[%swap3A_49] {strides = array<i32>} : memref<96xf32, #tpu.memory_space<vmem>>, vector<16xf32>,
      %swap3A_51 = vector.shape_cast %swap3A_50 : vector<16xf32> to vector<16xf32>
      %swap3A_52 = vector.shape_cast %broadcast_in_dim3A_48 : vector<16xf32> to vector<16xf32>
      tpu.vector_store %run_scoped3A_9[%swap3A_49], %swap3A_52 {strides = array<i32>} : memref<96xf32, #tpu.memory_space<vmem>>, vector<16xf32>,
      %broadcast_in_dim3A_53 = arith.constant 1.000000e+00 : f32
      %broadcast_in_dim3A_54 = vector.broadcast %broadcast_in_dim3A_53 : f32 to vector<16xf32>
      %swap3A_55 = arith.constant 32 : index
      %swap3A_56 = tpu.vector_load %run_scoped3A_9[%swap3A_55] {strides = array<i32>} : memref<96xf32, #tpu.memory_space<vmem>>, vector<16xf32>,
      %swap3A_57 = vector.shape_cast %swap3A_56 : vector<16xf32> to vector<16xf32>
      %swap3A_58 = vector.shape_cast %broadcast_in_dim3A_54 : vector<16xf32> to vector<16xf32>
      tpu.vector_store %run_scoped3A_9[%swap3A_55], %swap3A_58 {strides = array<i32>} : memref<96xf32, #tpu.memory_space<vmem>>, vector<16xf32>,
      %broadcast_in_dim3A_59 = arith.constant 1.000000e+00 : f32
      %broadcast_in_dim3A_60 = vector.broadcast %broadcast_in_dim3A_59 : f32 to vector<16xf32>
      %swap3A_61 = arith.constant 48 : index
      %swap3A_62 = tpu.vector_load %run_scoped3A_9[%swap3A_61] {strides = array<i32>} : memref<96xf32, #tpu.memory_space<vmem>>, vector<16xf32>,
      %swap3A_63 = vector.shape_cast %swap3A_62 : vector<16xf32> to vector<16xf32>
      %swap3A_64 = vector.shape_cast %broadcast_in_dim3A_60 : vector<16xf32> to vector<16xf32>
      tpu.vector_store %run_scoped3A_9[%swap3A_61], %swap3A_64 {strides = array<i32>} : memref<96xf32, #tpu.memory_space<vmem>>, vector<16xf32>,
      %broadcast_in_dim3A_65 = arith.constant 1.000000e+00 : f32
      %broadcast_in_dim3A_66 = vector.broadcast %broadcast_in_dim3A_65 : f32 to vector<16xf32>
      %swap3A_67 = arith.constant 64 : index
      %swap3A_68 = tpu.vector_load %run_scoped3A_9[%swap3A_67] {strides = array<i32>} : memref<96xf32, #tpu.memory_space<vmem>>, vector<16xf32>,
      %swap3A_69 = vector.shape_cast %swap3A_68 : vector<16xf32> to vector<16xf32>
      %swap3A_70 = vector.shape_cast %broadcast_in_dim3A_66 : vector<16xf32> to vector<16xf32>
      tpu.vector_store %run_scoped3A_9[%swap3A_67], %swap3A_70 {strides = array<i32>} : memref<96xf32, #tpu.memory_space<vmem>>, vector<16xf32>,
      %broadcast_in_dim3A_71 = arith.constant 1.000000e+00 : f32
      %broadcast_in_dim3A_72 = vector.broadcast %broadcast_in_dim3A_71 : f32 to vector<16xf32>
      %swap3A_73 = arith.constant 80 : index
      %swap3A_74 = tpu.vector_load %run_scoped3A_9[%swap3A_73] {strides = array<i32>} : memref<96xf32, #tpu.memory_space<vmem>>, vector<16xf32>,
      %swap3A_75 = vector.shape_cast %swap3A_74 : vector<16xf32> to vector<16xf32>
      %swap3A_76 = vector.shape_cast %broadcast_in_dim3A_72 : vector<16xf32> to vector<16xf32>
      tpu.vector_store %run_scoped3A_9[%swap3A_73], %swap3A_76 {strides = array<i32>} : memref<96xf32, #tpu.memory_space<vmem>>, vector<16xf32>,
      %barrier3A_77 = arith.constant 0 : index
      tpu.barrier barrier_id(%barrier3A_77)
      %eq3A_78 = arith.constant 0 : i32
      %eq3A_79 = arith.cmpi eq, %arg0, %eq3A_78 : i32
      %convert_element_type3A_80 = arith.extui %eq3A_79 : i1 to i32
      %cond3A_81 = arith.constant 0 : i32
      %cond3A_82 = arith.cmpi ne, %convert_element_type3A_80, %cond3A_81 : i32
      scf.if %cond3A_82 {
        %dma_start3A = arith.constant 0 : i32
        %dma_start3A_88 = arith.constant 0 : i32
        %dma_start3A_89 = tpu.memref_slice %arg11[%dma_start3A, %dma_start3A_88] : memref<106x96xi32, #tpu.memory_space<vmem>> -> memref<1x96xi32, #tpu.memory_space<vmem>>
        %dma_start3A_90 = tpu.memref_squeeze %dma_start3A_89 : memref<1x96xi32, #tpu.memory_space<vmem>> -> memref<96xi32, #tpu.memory_space<vmem>>
        %dma_start3A_91 = arith.constant 0 : i32
        %dma_start3A_92 = arith.constant 0 : i32
        %dma_start3A_93 = tpu.memref_slice %arg2[%dma_start3A_91, %dma_start3A_92] : memref<10000x128xf32, #tpu.memory_space<hbm>> -> memref<10000x128xf32, #tpu.memory_space<hbm>>
        tpu.enqueue_indirect_dma source(%dma_start3A_93 : memref<10000x128xf32, #tpu.memory_space<hbm>>) target(%run_scoped3A : memref<96x128xf32, #tpu.memory_space<vmem>>) offsets(%dma_start3A_90 : memref<96xi32, #tpu.memory_space<vmem>>) semaphore(%arg13 : memref<!tpu.dma_semaphore, #tpu.memory_space<semaphore_mem>>)
        %dma_wait3A = arith.constant 0 : i32
        %dma_wait3A_94 = arith.constant 0 : i32
        %dma_wait3A_95 = tpu.memref_slice %arg11[%dma_wait3A, %dma_wait3A_94] : memref<106x96xi32, #tpu.memory_space<vmem>> -> memref<1x96xi32, #tpu.memory_space<vmem>>
        %dma_wait3A_96 = tpu.memref_squeeze %dma_wait3A_95 : memref<1x96xi32, #tpu.memory_space<vmem>> -> memref<96xi32, #tpu.memory_space<vmem>>
        %dma_wait3A_97 = arith.constant 0 : i32
        %dma_wait3A_98 = arith.constant 0 : i32
        %dma_wait3A_99 = tpu.memref_slice %arg2[%dma_wait3A_97, %dma_wait3A_98] : memref<10000x128xf32, #tpu.memory_space<hbm>> -> memref<10000x128xf32, #tpu.memory_space<hbm>>
        tpu.wait_indirect_dma semaphore(%arg13 : memref<!tpu.dma_semaphore, #tpu.memory_space<semaphore_mem>>) src(%dma_wait3A_99 : memref<10000x128xf32, #tpu.memory_space<hbm>>) dst(%run_scoped3A : memref<96x128xf32, #tpu.memory_space<vmem>>)
        %dma_start3A_100 = arith.constant 0 : i32
        %dma_start3A_101 = arith.constant 0 : i32
        %dma_start3A_102 = tpu.memref_slice %arg12[%dma_start3A_100, %dma_start3A_101] : memref<106x96xi32, #tpu.memory_space<vmem>> -> memref<1x96xi32, #tpu.memory_space<vmem>>
        %dma_start3A_103 = tpu.memref_squeeze %dma_start3A_102 : memref<1x96xi32, #tpu.memory_space<vmem>> -> memref<96xi32, #tpu.memory_space<vmem>>
        %dma_start3A_104 = arith.constant 0 : i32
        %dma_start3A_105 = arith.constant 0 : i32
        %dma_start3A_106 = tpu.memref_slice %arg9[%dma_start3A_104, %dma_start3A_105] : memref<10240x128xf32, #tpu.memory_space<vmem_shared>> -> memref<10240x128xf32, #tpu.memory_space<vmem_shared>>
        tpu.enqueue_indirect_dma source(%run_scoped3A : memref<96x128xf32, #tpu.memory_space<vmem>>) target(%dma_start3A_106 : memref<10240x128xf32, #tpu.memory_space<vmem_shared>>) offsets(%dma_start3A_103 : memref<96xi32, #tpu.memory_space<vmem>>) semaphore(%arg15 : memref<!tpu.dma_semaphore, #tpu.memory_space<semaphore_mem>>) {add = true}
        %dma_start3A_107 = arith.constant 1 : i32
        %dma_start3A_108 = arith.constant 0 : i32
        %dma_start3A_109 = tpu.memref_slice %arg11[%dma_start3A_107, %dma_start3A_108] : memref<106x96xi32, #tpu.memory_space<vmem>> -> memref<1x96xi32, #tpu.memory_space<vmem>>
        %dma_start3A_110 = tpu.memref_squeeze %dma_start3A_109 : memref<1x96xi32, #tpu.memory_space<vmem>> -> memref<96xi32, #tpu.memory_space<vmem>>
        %dma_start3A_111 = arith.constant 0 : i32
        %dma_start3A_112 = arith.constant 0 : i32
        %dma_start3A_113 = tpu.memref_slice %arg2[%dma_start3A_111, %dma_start3A_112] : memref<10000x128xf32, #tpu.memory_space<hbm>> -> memref<10000x128xf32, #tpu.memory_space<hbm>>
        tpu.enqueue_indirect_dma source(%dma_start3A_113 : memref<10000x128xf32, #tpu.memory_space<hbm>>) target(%run_scoped3A_8 : memref<96x128xf32, #tpu.memory_space<vmem>>) offsets(%dma_start3A_110 : memref<96xi32, #tpu.memory_space<vmem>>) semaphore(%arg14 : memref<!tpu.dma_semaphore, #tpu.memory_space<semaphore_mem>>)
        %dma_wait3A_114 = arith.constant 0 : i32
        %dma_wait3A_115 = arith.constant 0 : i32
        %dma_wait3A_116 = tpu.memref_slice %arg11[%dma_wait3A_114, %dma_wait3A_115] : memref<106x96xi32, #tpu.memory_space<vmem>> -> memref<1x96xi32, #tpu.memory_space<vmem>>
        %dma_wait3A_117 = tpu.memref_squeeze %dma_wait3A_116 : memref<1x96xi32, #tpu.memory_space<vmem>> -> memref<96xi32, #tpu.memory_space<vmem>>
        %dma_wait3A_118 = arith.constant 0 : i32
        %dma_wait3A_119 = arith.constant 0 : i32
        %dma_wait3A_120 = tpu.memref_slice %arg2[%dma_wait3A_118, %dma_wait3A_119] : memref<10000x128xf32, #tpu.memory_space<hbm>> -> memref<10000x128xf32, #tpu.memory_space<hbm>>
        tpu.wait_indirect_dma semaphore(%arg14 : memref<!tpu.dma_semaphore, #tpu.memory_space<semaphore_mem>>) src(%dma_wait3A_120 : memref<10000x128xf32, #tpu.memory_space<hbm>>) dst(%run_scoped3A_8 : memref<96x128xf32, #tpu.memory_space<vmem>>)
        %dma_start3A_121 = arith.constant 1 : i32
        %dma_start3A_122 = arith.constant 0 : i32
        %dma_start3A_123 = tpu.memref_slice %arg12[%dma_start3A_121, %dma_start3A_122] : memref<106x96xi32, #tpu.memory_space<vmem>> -> memref<1x96xi32, #tpu.memory_space<vmem>>
        %dma_start3A_124 = tpu.memref_squeeze %dma_start3A_123 : memref<1x96xi32, #tpu.memory_space<vmem>> -> memref<96xi32, #tpu.memory_space<vmem>>
        %dma_start3A_125 = arith.constant 0 : i32
        %dma_start3A_126 = arith.constant 0 : i32
        %dma_start3A_127 = tpu.memref_slice %arg9[%dma_start3A_125, %dma_start3A_126] : memref<10240x128xf32, #tpu.memory_space<vmem_shared>> -> memref<10240x128xf32, #tpu.memory_space<vmem_shared>>
        tpu.enqueue_indirect_dma source(%run_scoped3A_8 : memref<96x128xf32, #tpu.memory_space<vmem>>) target(%dma_start3A_127 : memref<10240x128xf32, #tpu.memory_space<vmem_shared>>) offsets(%dma_start3A_124 : memref<96xi32, #tpu.memory_space<vmem>>) semaphore(%arg16 : memref<!tpu.dma_semaphore, #tpu.memory_space<semaphore_mem>>) {add = true}
        %dma_wait3A_128 = arith.constant 0 : i32
        %dma_wait3A_129 = arith.constant 0 : i32
        %dma_wait3A_130 = tpu.memref_slice %arg12[%dma_wait3A_128, %dma_wait3A_129] : memref<106x96xi32, #tpu.memory_space<vmem>> -> memref<1x96xi32, #tpu.memory_space<vmem>>
        %dma_wait3A_131 = tpu.memref_squeeze %dma_wait3A_130 : memref<1x96xi32, #tpu.memory_space<vmem>> -> memref<96xi32, #tpu.memory_space<vmem>>
        %dma_wait3A_132 = arith.constant 0 : i32
        %dma_wait3A_133 = arith.constant 0 : i32
        %dma_wait3A_134 = tpu.memref_slice %arg9[%dma_wait3A_132, %dma_wait3A_133] : memref<10240x128xf32, #tpu.memory_space<vmem_shared>> -> memref<10240x128xf32, #tpu.memory_space<vmem_shared>>
        tpu.wait_indirect_dma semaphore(%arg15 : memref<!tpu.dma_semaphore, #tpu.memory_space<semaphore_mem>>) src(%run_scoped3A : memref<96x128xf32, #tpu.memory_space<vmem>>) dst(%dma_wait3A_134 : memref<10240x128xf32, #tpu.memory_space<vmem_shared>>)
        %dma_start3A_135 = arith.constant 2 : i32
        %dma_start3A_136 = arith.constant 0 : i32
        %dma_start3A_137 = tpu.memref_slice %arg11[%dma_start3A_135, %dma_start3A_136] : memref<106x96xi32, #tpu.memory_space<vmem>> -> memref<1x96xi32, #tpu.memory_space<vmem>>
        %dma_start3A_138 = tpu.memref_squeeze %dma_start3A_137 : memref<1x96xi32, #tpu.memory_space<vmem>> -> memref<96xi32, #tpu.memory_space<vmem>>
        %dma_start3A_139 = arith.constant 0 : i32
        %dma_start3A_140 = arith.constant 0 : i32
        %dma_start3A_141 = tpu.memref_slice %arg2[%dma_start3A_139, %dma_start3A_140] : memref<10000x128xf32, #tpu.memory_space<hbm>> -> memref<10000x128xf32, #tpu.memory_space<hbm>>
        tpu.enqueue_indirect_dma source(%dma_start3A_141 : memref<10000x128xf32, #tpu.memory_space<hbm>>) target(%run_scoped3A : memref<96x128xf32, #tpu.memory_space<vmem>>) offsets(%dma_start3A_138 : memref<96xi32, #tpu.memory_space<vmem>>) semaphore(%arg13 : memref<!tpu.dma_semaphore, #tpu.memory_space<semaphore_mem>>)
        %scan3A_142 = arith.constant 0 : i32
        %scan3A_143 = arith.constant 1 : i32
        %scan3A_144 = arith.constant 51 : i32
        %scan3A_145 = arith.addi %scan3A_143, %scan3A_144 : i32
        %scan3A_146 = arith.constant 1 : i32
        scf.for %scan3A_204 = %scan3A_143 to %scan3A_145 step %scan3A_146  : i32 {
          %mul3A_205 = arith.constant 2 : i32
          %mul3A_206 = arith.muli %scan3A_204, %mul3A_205 : i32
          %add3A_207 = arith.constant 0 : i32
          %add3A_208 = arith.addi %mul3A_206, %add3A_207 : i32
          %dma_wait3A_209 = arith.constant 0 : i32
          %dma_wait3A_210 = arith.constant 0 : i32
          %dma_wait3A_211 = tpu.memref_slice %arg11[%dma_wait3A_209, %dma_wait3A_210] : memref<106x96xi32, #tpu.memory_space<vmem>> -> memref<1x96xi32, #tpu.memory_space<vmem>>
          %dma_wait3A_212 = tpu.memref_squeeze %dma_wait3A_211 : memref<1x96xi32, #tpu.memory_space<vmem>> -> memref<96xi32, #tpu.memory_space<vmem>>
          %dma_wait3A_213 = arith.constant 0 : i32
          %dma_wait3A_214 = arith.constant 0 : i32
          %dma_wait3A_215 = tpu.memref_slice %arg2[%dma_wait3A_213, %dma_wait3A_214] : memref<10000x128xf32, #tpu.memory_space<hbm>> -> memref<10000x128xf32, #tpu.memory_space<hbm>>
          tpu.wait_indirect_dma semaphore(%arg13 : memref<!tpu.dma_semaphore, #tpu.memory_space<semaphore_mem>>) src(%dma_wait3A_215 : memref<10000x128xf32, #tpu.memory_space<hbm>>) dst(%run_scoped3A : memref<96x128xf32, #tpu.memory_space<vmem>>)
          %dma_start3A_216 = arith.constant 0 : i32
          %dma_start3A_217 = tpu.memref_slice %arg12[%add3A_208, %dma_start3A_216] : memref<106x96xi32, #tpu.memory_space<vmem>> -> memref<1x96xi32, #tpu.memory_space<vmem>>
          %dma_start3A_218 = tpu.memref_squeeze %dma_start3A_217 : memref<1x96xi32, #tpu.memory_space<vmem>> -> memref<96xi32, #tpu.memory_space<vmem>>
          %dma_start3A_219 = arith.constant 0 : i32
          %dma_start3A_220 = arith.constant 0 : i32
          %dma_start3A_221 = tpu.memref_slice %arg9[%dma_start3A_219, %dma_start3A_220] : memref<10240x128xf32, #tpu.memory_space<vmem_shared>> -> memref<10240x128xf32, #tpu.memory_space<vmem_shared>>
          tpu.enqueue_indirect_dma source(%run_scoped3A : memref<96x128xf32, #tpu.memory_space<vmem>>) target(%dma_start3A_221 : memref<10240x128xf32, #tpu.memory_space<vmem_shared>>) offsets(%dma_start3A_218 : memref<96xi32, #tpu.memory_space<vmem>>) semaphore(%arg15 : memref<!tpu.dma_semaphore, #tpu.memory_space<semaphore_mem>>) {add = true}
          %dma_wait3A_222 = arith.constant 0 : i32
          %dma_wait3A_223 = arith.constant 0 : i32
          %dma_wait3A_224 = tpu.memref_slice %arg12[%dma_wait3A_222, %dma_wait3A_223] : memref<106x96xi32, #tpu.memory_space<vmem>> -> memref<1x96xi32, #tpu.memory_space<vmem>>
          %dma_wait3A_225 = tpu.memref_squeeze %dma_wait3A_224 : memref<1x96xi32, #tpu.memory_space<vmem>> -> memref<96xi32, #tpu.memory_space<vmem>>
          %dma_wait3A_226 = arith.constant 0 : i32
          %dma_wait3A_227 = arith.constant 0 : i32
          %dma_wait3A_228 = tpu.memref_slice %arg9[%dma_wait3A_226, %dma_wait3A_227] : memref<10240x128xf32, #tpu.memory_space<vmem_shared>> -> memref<10240x128xf32, #tpu.memory_space<vmem_shared>>
          tpu.wait_indirect_dma semaphore(%arg16 : memref<!tpu.dma_semaphore, #tpu.memory_space<semaphore_mem>>) src(%run_scoped3A_8 : memref<96x128xf32, #tpu.memory_space<vmem>>) dst(%dma_wait3A_228 : memref<10240x128xf32, #tpu.memory_space<vmem_shared>>)
          %add3A_229 = arith.constant 1 : i32
          %add3A_230 = arith.addi %add3A_208, %add3A_229 : i32
          %dma_start3A_231 = arith.constant 0 : i32
          %dma_start3A_232 = tpu.memref_slice %arg11[%add3A_230, %dma_start3A_231] : memref<106x96xi32, #tpu.memory_space<vmem>> -> memref<1x96xi32, #tpu.memory_space<vmem>>
          %dma_start3A_233 = tpu.memref_squeeze %dma_start3A_232 : memref<1x96xi32, #tpu.memory_space<vmem>> -> memref<96xi32, #tpu.memory_space<vmem>>
          %dma_start3A_234 = arith.constant 0 : i32
          %dma_start3A_235 = arith.constant 0 : i32
          %dma_start3A_236 = tpu.memref_slice %arg2[%dma_start3A_234, %dma_start3A_235] : memref<10000x128xf32, #tpu.memory_space<hbm>> -> memref<10000x128xf32, #tpu.memory_space<hbm>>
          tpu.enqueue_indirect_dma source(%dma_start3A_236 : memref<10000x128xf32, #tpu.memory_space<hbm>>) target(%run_scoped3A_8 : memref<96x128xf32, #tpu.memory_space<vmem>>) offsets(%dma_start3A_233 : memref<96xi32, #tpu.memory_space<vmem>>) semaphore(%arg14 : memref<!tpu.dma_semaphore, #tpu.memory_space<semaphore_mem>>)
          %add3A_237 = arith.constant 1 : i32
          %add3A_238 = arith.addi %mul3A_206, %add3A_237 : i32
          %dma_wait3A_239 = arith.constant 0 : i32
          %dma_wait3A_240 = arith.constant 0 : i32
          %dma_wait3A_241 = tpu.memref_slice %arg11[%dma_wait3A_239, %dma_wait3A_240] : memref<106x96xi32, #tpu.memory_space<vmem>> -> memref<1x96xi32, #tpu.memory_space<vmem>>
          %dma_wait3A_242 = tpu.memref_squeeze %dma_wait3A_241 : memref<1x96xi32, #tpu.memory_space<vmem>> -> memref<96xi32, #tpu.memory_space<vmem>>
          %dma_wait3A_243 = arith.constant 0 : i32
          %dma_wait3A_244 = arith.constant 0 : i32
          %dma_wait3A_245 = tpu.memref_slice %arg2[%dma_wait3A_243, %dma_wait3A_244] : memref<10000x128xf32, #tpu.memory_space<hbm>> -> memref<10000x128xf32, #tpu.memory_space<hbm>>
          tpu.wait_indirect_dma semaphore(%arg14 : memref<!tpu.dma_semaphore, #tpu.memory_space<semaphore_mem>>) src(%dma_wait3A_245 : memref<10000x128xf32, #tpu.memory_space<hbm>>) dst(%run_scoped3A_8 : memref<96x128xf32, #tpu.memory_space<vmem>>)
          %dma_start3A_246 = arith.constant 0 : i32
          %dma_start3A_247 = tpu.memref_slice %arg12[%add3A_238, %dma_start3A_246] : memref<106x96xi32, #tpu.memory_space<vmem>> -> memref<1x96xi32, #tpu.memory_space<vmem>>
          %dma_start3A_248 = tpu.memref_squeeze %dma_start3A_247 : memref<1x96xi32, #tpu.memory_space<vmem>> -> memref<96xi32, #tpu.memory_space<vmem>>
          %dma_start3A_249 = arith.constant 0 : i32
          %dma_start3A_250 = arith.constant 0 : i32
          %dma_start3A_251 = tpu.memref_slice %arg9[%dma_start3A_249, %dma_start3A_250] : memref<10240x128xf32, #tpu.memory_space<vmem_shared>> -> memref<10240x128xf32, #tpu.memory_space<vmem_shared>>
          tpu.enqueue_indirect_dma source(%run_scoped3A_8 : memref<96x128xf32, #tpu.memory_space<vmem>>) target(%dma_start3A_251 : memref<10240x128xf32, #tpu.memory_space<vmem_shared>>) offsets(%dma_start3A_248 : memref<96xi32, #tpu.memory_space<vmem>>) semaphore(%arg16 : memref<!tpu.dma_semaphore, #tpu.memory_space<semaphore_mem>>) {add = true}
          %dma_wait3A_252 = arith.constant 0 : i32
          %dma_wait3A_253 = arith.constant 0 : i32
          %dma_wait3A_254 = tpu.memref_slice %arg12[%dma_wait3A_252, %dma_wait3A_253] : memref<106x96xi32, #tpu.memory_space<vmem>> -> memref<1x96xi32, #tpu.memory_space<vmem>>
          %dma_wait3A_255 = tpu.memref_squeeze %dma_wait3A_254 : memref<1x96xi32, #tpu.memory_space<vmem>> -> memref<96xi32, #tpu.memory_space<vmem>>
          %dma_wait3A_256 = arith.constant 0 : i32
          %dma_wait3A_257 = arith.constant 0 : i32
          %dma_wait3A_258 = tpu.memref_slice %arg9[%dma_wait3A_256, %dma_wait3A_257] : memref<10240x128xf32, #tpu.memory_space<vmem_shared>> -> memref<10240x128xf32, #tpu.memory_space<vmem_shared>>
          tpu.wait_indirect_dma semaphore(%arg15 : memref<!tpu.dma_semaphore, #tpu.memory_space<semaphore_mem>>) src(%run_scoped3A : memref<96x128xf32, #tpu.memory_space<vmem>>) dst(%dma_wait3A_258 : memref<10240x128xf32, #tpu.memory_space<vmem_shared>>)
          %add3A_259 = arith.constant 1 : i32
          %add3A_260 = arith.addi %add3A_238, %add3A_259 : i32
          %dma_start3A_261 = arith.constant 0 : i32
          %dma_start3A_262 = tpu.memref_slice %arg11[%add3A_260, %dma_start3A_261] : memref<106x96xi32, #tpu.memory_space<vmem>> -> memref<1x96xi32, #tpu.memory_space<vmem>>
          %dma_start3A_263 = tpu.memref_squeeze %dma_start3A_262 : memref<1x96xi32, #tpu.memory_space<vmem>> -> memref<96xi32, #tpu.memory_space<vmem>>
          %dma_start3A_264 = arith.constant 0 : i32
          %dma_start3A_265 = arith.constant 0 : i32
          %dma_start3A_266 = tpu.memref_slice %arg2[%dma_start3A_264, %dma_start3A_265] : memref<10000x128xf32, #tpu.memory_space<hbm>> -> memref<10000x128xf32, #tpu.memory_space<hbm>>
          tpu.enqueue_indirect_dma source(%dma_start3A_266 : memref<10000x128xf32, #tpu.memory_space<hbm>>) target(%run_scoped3A : memref<96x128xf32, #tpu.memory_space<vmem>>) offsets(%dma_start3A_263 : memref<96xi32, #tpu.memory_space<vmem>>) semaphore(%arg13 : memref<!tpu.dma_semaphore, #tpu.memory_space<semaphore_mem>>)
        }
        %scan3A_147 = arith.constant 51 : i32
        %dma_wait3A_148 = arith.constant 0 : i32
        %dma_wait3A_149 = arith.constant 0 : i32
        %dma_wait3A_150 = tpu.memref_slice %arg11[%dma_wait3A_148, %dma_wait3A_149] : memref<106x96xi32, #tpu.memory_space<vmem>> -> memref<1x96xi32, #tpu.memory_space<vmem>>
        %dma_wait3A_151 = tpu.memref_squeeze %dma_wait3A_150 : memref<1x96xi32, #tpu.memory_space<vmem>> -> memref<96xi32, #tpu.memory_space<vmem>>
        %dma_wait3A_152 = arith.constant 0 : i32
        %dma_wait3A_153 = arith.constant 0 : i32
        %dma_wait3A_154 = tpu.memref_slice %arg2[%dma_wait3A_152, %dma_wait3A_153] : memref<10000x128xf32, #tpu.memory_space<hbm>> -> memref<10000x128xf32, #tpu.memory_space<hbm>>
        tpu.wait_indirect_dma semaphore(%arg13 : memref<!tpu.dma_semaphore, #tpu.memory_space<semaphore_mem>>) src(%dma_wait3A_154 : memref<10000x128xf32, #tpu.memory_space<hbm>>) dst(%run_scoped3A : memref<96x128xf32, #tpu.memory_space<vmem>>)
        %dma_start3A_155 = arith.constant 104 : i32
        %dma_start3A_156 = arith.constant 0 : i32
        %dma_start3A_157 = tpu.memref_slice %arg12[%dma_start3A_155, %dma_start3A_156] : memref<106x96xi32, #tpu.memory_space<vmem>> -> memref<1x96xi32, #tpu.memory_space<vmem>>
        %dma_start3A_158 = tpu.memref_squeeze %dma_start3A_157 : memref<1x96xi32, #tpu.memory_space<vmem>> -> memref<96xi32, #tpu.memory_space<vmem>>
        %dma_start3A_159 = arith.constant 0 : i32
        %dma_start3A_160 = arith.constant 0 : i32
        %dma_start3A_161 = tpu.memref_slice %arg9[%dma_start3A_159, %dma_start3A_160] : memref<10240x128xf32, #tpu.memory_space<vmem_shared>> -> memref<10240x128xf32, #tpu.memory_space<vmem_shared>>
        tpu.enqueue_indirect_dma source(%run_scoped3A : memref<96x128xf32, #tpu.memory_space<vmem>>) target(%dma_start3A_161 : memref<10240x128xf32, #tpu.memory_space<vmem_shared>>) offsets(%dma_start3A_158 : memref<96xi32, #tpu.memory_space<vmem>>) semaphore(%arg15 : memref<!tpu.dma_semaphore, #tpu.memory_space<semaphore_mem>>) {add = true}
        %dma_wait3A_162 = arith.constant 0 : i32
        %dma_wait3A_163 = arith.constant 0 : i32
        %dma_wait3A_164 = tpu.memref_slice %arg12[%dma_wait3A_162, %dma_wait3A_163] : memref<106x96xi32, #tpu.memory_space<vmem>> -> memref<1x96xi32, #tpu.memory_space<vmem>>
        %dma_wait3A_165 = tpu.memref_squeeze %dma_wait3A_164 : memref<1x96xi32, #tpu.memory_space<vmem>> -> memref<96xi32, #tpu.memory_space<vmem>>
        %dma_wait3A_166 = arith.constant 0 : i32
        %dma_wait3A_167 = arith.constant 0 : i32
        %dma_wait3A_168 = tpu.memref_slice %arg9[%dma_wait3A_166, %dma_wait3A_167] : memref<10240x128xf32, #tpu.memory_space<vmem_shared>> -> memref<10240x128xf32, #tpu.memory_space<vmem_shared>>
        tpu.wait_indirect_dma semaphore(%arg16 : memref<!tpu.dma_semaphore, #tpu.memory_space<semaphore_mem>>) src(%run_scoped3A_8 : memref<96x128xf32, #tpu.memory_space<vmem>>) dst(%dma_wait3A_168 : memref<10240x128xf32, #tpu.memory_space<vmem_shared>>)
        %dma_start3A_169 = arith.constant 105 : i32
        %dma_start3A_170 = arith.constant 0 : i32
        %dma_start3A_171 = tpu.memref_slice %arg11[%dma_start3A_169, %dma_start3A_170] : memref<106x96xi32, #tpu.memory_space<vmem>> -> memref<1x96xi32, #tpu.memory_space<vmem>>
        %dma_start3A_172 = tpu.memref_squeeze %dma_start3A_171 : memref<1x96xi32, #tpu.memory_space<vmem>> -> memref<96xi32, #tpu.memory_space<vmem>>
        %dma_start3A_173 = arith.constant 0 : i32
        %dma_start3A_174 = arith.constant 0 : i32
        %dma_start3A_175 = tpu.memref_slice %arg2[%dma_start3A_173, %dma_start3A_174] : memref<10000x128xf32, #tpu.memory_space<hbm>> -> memref<10000x128xf32, #tpu.memory_space<hbm>>
        tpu.enqueue_indirect_dma source(%dma_start3A_175 : memref<10000x128xf32, #tpu.memory_space<hbm>>) target(%run_scoped3A_8 : memref<96x128xf32, #tpu.memory_space<vmem>>) offsets(%dma_start3A_172 : memref<96xi32, #tpu.memory_space<vmem>>) semaphore(%arg14 : memref<!tpu.dma_semaphore, #tpu.memory_space<semaphore_mem>>)
        %dma_wait3A_176 = arith.constant 0 : i32
        %dma_wait3A_177 = arith.constant 0 : i32
        %dma_wait3A_178 = tpu.memref_slice %arg11[%dma_wait3A_176, %dma_wait3A_177] : memref<106x96xi32, #tpu.memory_space<vmem>> -> memref<1x96xi32, #tpu.memory_space<vmem>>
        %dma_wait3A_179 = tpu.memref_squeeze %dma_wait3A_178 : memref<1x96xi32, #tpu.memory_space<vmem>> -> memref<96xi32, #tpu.memory_space<vmem>>
        %dma_wait3A_180 = arith.constant 0 : i32
        %dma_wait3A_181 = arith.constant 0 : i32
        %dma_wait3A_182 = tpu.memref_slice %arg2[%dma_wait3A_180, %dma_wait3A_181] : memref<10000x128xf32, #tpu.memory_space<hbm>> -> memref<10000x128xf32, #tpu.memory_space<hbm>>
        tpu.wait_indirect_dma semaphore(%arg14 : memref<!tpu.dma_semaphore, #tpu.memory_space<semaphore_mem>>) src(%dma_wait3A_182 : memref<10000x128xf32, #tpu.memory_space<hbm>>) dst(%run_scoped3A_8 : memref<96x128xf32, #tpu.memory_space<vmem>>)
        %dma_start3A_183 = arith.constant 105 : i32
        %dma_start3A_184 = arith.constant 0 : i32
        %dma_start3A_185 = tpu.memref_slice %arg12[%dma_start3A_183, %dma_start3A_184] : memref<106x96xi32, #tpu.memory_space<vmem>> -> memref<1x96xi32, #tpu.memory_space<vmem>>
        %dma_start3A_186 = tpu.memref_squeeze %dma_start3A_185 : memref<1x96xi32, #tpu.memory_space<vmem>> -> memref<96xi32, #tpu.memory_space<vmem>>
        %dma_start3A_187 = arith.constant 0 : i32
        %dma_start3A_188 = arith.constant 0 : i32
        %dma_start3A_189 = tpu.memref_slice %arg9[%dma_start3A_187, %dma_start3A_188] : memref<10240x128xf32, #tpu.memory_space<vmem_shared>> -> memref<10240x128xf32, #tpu.memory_space<vmem_shared>>
        tpu.enqueue_indirect_dma source(%run_scoped3A_8 : memref<96x128xf32, #tpu.memory_space<vmem>>) target(%dma_start3A_189 : memref<10240x128xf32, #tpu.memory_space<vmem_shared>>) offsets(%dma_start3A_186 : memref<96xi32, #tpu.memory_space<vmem>>) semaphore(%arg16 : memref<!tpu.dma_semaphore, #tpu.memory_space<semaphore_mem>>) {add = true}
        %dma_wait3A_190 = arith.constant 0 : i32
        %dma_wait3A_191 = arith.constant 0 : i32
        %dma_wait3A_192 = tpu.memref_slice %arg12[%dma_wait3A_190, %dma_wait3A_191] : memref<106x96xi32, #tpu.memory_space<vmem>> -> memref<1x96xi32, #tpu.memory_space<vmem>>
        %dma_wait3A_193 = tpu.memref_squeeze %dma_wait3A_192 : memref<1x96xi32, #tpu.memory_space<vmem>> -> memref<96xi32, #tpu.memory_space<vmem>>
        %dma_wait3A_194 = arith.constant 0 : i32
        %dma_wait3A_195 = arith.constant 0 : i32
        %dma_wait3A_196 = tpu.memref_slice %arg9[%dma_wait3A_194, %dma_wait3A_195] : memref<10240x128xf32, #tpu.memory_space<vmem_shared>> -> memref<10240x128xf32, #tpu.memory_space<vmem_shared>>
        tpu.wait_indirect_dma semaphore(%arg15 : memref<!tpu.dma_semaphore, #tpu.memory_space<semaphore_mem>>) src(%run_scoped3A : memref<96x128xf32, #tpu.memory_space<vmem>>) dst(%dma_wait3A_196 : memref<10240x128xf32, #tpu.memory_space<vmem_shared>>)
        %dma_wait3A_197 = arith.constant 0 : i32
        %dma_wait3A_198 = arith.constant 0 : i32
        %dma_wait3A_199 = tpu.memref_slice %arg12[%dma_wait3A_197, %dma_wait3A_198] : memref<106x96xi32, #tpu.memory_space<vmem>> -> memref<1x96xi32, #tpu.memory_space<vmem>>
        %dma_wait3A_200 = tpu.memref_squeeze %dma_wait3A_199 : memref<1x96xi32, #tpu.memory_space<vmem>> -> memref<96xi32, #tpu.memory_space<vmem>>
        %dma_wait3A_201 = arith.constant 0 : i32
        %dma_wait3A_202 = arith.constant 0 : i32
        %dma_wait3A_203 = tpu.memref_slice %arg9[%dma_wait3A_201, %dma_wait3A_202] : memref<10240x128xf32, #tpu.memory_space<vmem_shared>> -> memref<10240x128xf32, #tpu.memory_space<vmem_shared>>
        tpu.wait_indirect_dma semaphore(%arg16 : memref<!tpu.dma_semaphore, #tpu.memory_space<semaphore_mem>>) src(%run_scoped3A_8 : memref<96x128xf32, #tpu.memory_space<vmem>>) dst(%dma_wait3A_203 : memref<10240x128xf32, #tpu.memory_space<vmem_shared>>)
      } else {
      }
      %eq3A_83 = arith.constant 1 : i32
      %eq3A_84 = arith.cmpi eq, %arg0, %eq3A_83 : i32
      %convert_element_type3A_85 = arith.extui %eq3A_84 : i1 to i32
      %cond3A_86 = arith.constant 0 : i32
      %cond3A_87 = arith.cmpi ne, %convert_element_type3A_85, %cond3A_86 : i32
      scf.if %cond3A_87 {
        %dma_start3A = arith.constant 0 : i32
        %dma_start3A_88 = arith.constant 0 : i32
        %dma_start3A_89 = tpu.memref_slice %arg11[%dma_start3A, %dma_start3A_88] : memref<106x96xi32, #tpu.memory_space<vmem>> -> memref<1x96xi32, #tpu.memory_space<vmem>>
        %dma_start3A_90 = tpu.memref_squeeze %dma_start3A_89 : memref<1x96xi32, #tpu.memory_space<vmem>> -> memref<96xi32, #tpu.memory_space<vmem>>
        %dma_start3A_91 = arith.constant 0 : i32
        %dma_start3A_92 = arith.constant 0 : i32
        %dma_start3A_93 = tpu.memref_slice %arg3[%dma_start3A_91, %dma_start3A_92] : memref<10000x128xf32, #tpu.memory_space<hbm>> -> memref<10000x128xf32, #tpu.memory_space<hbm>>
        tpu.enqueue_indirect_dma source(%dma_start3A_93 : memref<10000x128xf32, #tpu.memory_space<hbm>>) target(%run_scoped3A : memref<96x128xf32, #tpu.memory_space<vmem>>) offsets(%dma_start3A_90 : memref<96xi32, #tpu.memory_space<vmem>>) semaphore(%arg13 : memref<!tpu.dma_semaphore, #tpu.memory_space<semaphore_mem>>)
        %dma_wait3A = arith.constant 0 : i32
        %dma_wait3A_94 = arith.constant 0 : i32
        %dma_wait3A_95 = tpu.memref_slice %arg11[%dma_wait3A, %dma_wait3A_94] : memref<106x96xi32, #tpu.memory_space<vmem>> -> memref<1x96xi32, #tpu.memory_space<vmem>>
        %dma_wait3A_96 = tpu.memref_squeeze %dma_wait3A_95 : memref<1x96xi32, #tpu.memory_space<vmem>> -> memref<96xi32, #tpu.memory_space<vmem>>
        %dma_wait3A_97 = arith.constant 0 : i32
        %dma_wait3A_98 = arith.constant 0 : i32
        %dma_wait3A_99 = tpu.memref_slice %arg3[%dma_wait3A_97, %dma_wait3A_98] : memref<10000x128xf32, #tpu.memory_space<hbm>> -> memref<10000x128xf32, #tpu.memory_space<hbm>>
        tpu.wait_indirect_dma semaphore(%arg13 : memref<!tpu.dma_semaphore, #tpu.memory_space<semaphore_mem>>) src(%dma_wait3A_99 : memref<10000x128xf32, #tpu.memory_space<hbm>>) dst(%run_scoped3A : memref<96x128xf32, #tpu.memory_space<vmem>>)
        %dma_start3A_100 = arith.constant 0 : i32
        %dma_start3A_101 = arith.constant 0 : i32
        %dma_start3A_102 = tpu.memref_slice %arg12[%dma_start3A_100, %dma_start3A_101] : memref<106x96xi32, #tpu.memory_space<vmem>> -> memref<1x96xi32, #tpu.memory_space<vmem>>
        %dma_start3A_103 = tpu.memref_squeeze %dma_start3A_102 : memref<1x96xi32, #tpu.memory_space<vmem>> -> memref<96xi32, #tpu.memory_space<vmem>>
        %dma_start3A_104 = arith.constant 0 : i32
        %dma_start3A_105 = arith.constant 0 : i32
        %dma_start3A_106 = tpu.memref_slice %arg9[%dma_start3A_104, %dma_start3A_105] : memref<10240x128xf32, #tpu.memory_space<vmem_shared>> -> memref<10240x128xf32, #tpu.memory_space<vmem_shared>>
        tpu.enqueue_indirect_dma source(%run_scoped3A : memref<96x128xf32, #tpu.memory_space<vmem>>) target(%dma_start3A_106 : memref<10240x128xf32, #tpu.memory_space<vmem_shared>>) offsets(%dma_start3A_103 : memref<96xi32, #tpu.memory_space<vmem>>) semaphore(%arg15 : memref<!tpu.dma_semaphore, #tpu.memory_space<semaphore_mem>>) {add = true}
        %dma_start3A_107 = arith.constant 0 : i32
        %dma_start3A_108 = arith.constant 0 : i32
        %dma_start3A_109 = tpu.memref_slice %arg12[%dma_start3A_107, %dma_start3A_108] : memref<106x96xi32, #tpu.memory_space<vmem>> -> memref<1x96xi32, #tpu.memory_space<vmem>>
        %dma_start3A_110 = tpu.memref_squeeze %dma_start3A_109 : memref<1x96xi32, #tpu.memory_space<vmem>> -> memref<96xi32, #tpu.memory_space<vmem>>
        %dma_start3A_111 = arith.constant 0 : i32
        %dma_start3A_112 = tpu.memref_slice %arg10[%dma_start3A_111] : memref<10240xf32, #tpu.memory_space<vmem_shared>> -> memref<10240xf32, #tpu.memory_space<vmem_shared>>
        tpu.enqueue_indirect_dma source(%run_scoped3A_9 : memref<96xf32, #tpu.memory_space<vmem>>) target(%dma_start3A_112 : memref<10240xf32, #tpu.memory_space<vmem_shared>>) offsets(%dma_start3A_110 : memref<96xi32, #tpu.memory_space<vmem>>) semaphore(%arg15 : memref<!tpu.dma_semaphore, #tpu.memory_space<semaphore_mem>>) {add = true}
        %dma_start3A_113 = arith.constant 1 : i32
        %dma_start3A_114 = arith.constant 0 : i32
        %dma_start3A_115 = tpu.memref_slice %arg11[%dma_start3A_113, %dma_start3A_114] : memref<106x96xi32, #tpu.memory_space<vmem>> -> memref<1x96xi32, #tpu.memory_space<vmem>>
        %dma_start3A_116 = tpu.memref_squeeze %dma_start3A_115 : memref<1x96xi32, #tpu.memory_space<vmem>> -> memref<96xi32, #tpu.memory_space<vmem>>
        %dma_start3A_117 = arith.constant 0 : i32
        %dma_start3A_118 = arith.constant 0 : i32
        %dma_start3A_119 = tpu.memref_slice %arg3[%dma_start3A_117, %dma_start3A_118] : memref<10000x128xf32, #tpu.memory_space<hbm>> -> memref<10000x128xf32, #tpu.memory_space<hbm>>
        tpu.enqueue_indirect_dma source(%dma_start3A_119 : memref<10000x128xf32, #tpu.memory_space<hbm>>) target(%run_scoped3A_8 : memref<96x128xf32, #tpu.memory_space<vmem>>) offsets(%dma_start3A_116 : memref<96xi32, #tpu.memory_space<vmem>>) semaphore(%arg14 : memref<!tpu.dma_semaphore, #tpu.memory_space<semaphore_mem>>)
        %dma_wait3A_120 = arith.constant 0 : i32
        %dma_wait3A_121 = arith.constant 0 : i32
        %dma_wait3A_122 = tpu.memref_slice %arg11[%dma_wait3A_120, %dma_wait3A_121] : memref<106x96xi32, #tpu.memory_space<vmem>> -> memref<1x96xi32, #tpu.memory_space<vmem>>
        %dma_wait3A_123 = tpu.memref_squeeze %dma_wait3A_122 : memref<1x96xi32, #tpu.memory_space<vmem>> -> memref<96xi32, #tpu.memory_space<vmem>>
        %dma_wait3A_124 = arith.constant 0 : i32
        %dma_wait3A_125 = arith.constant 0 : i32
        %dma_wait3A_126 = tpu.memref_slice %arg3[%dma_wait3A_124, %dma_wait3A_125] : memref<10000x128xf32, #tpu.memory_space<hbm>> -> memref<10000x128xf32, #tpu.memory_space<hbm>>
        tpu.wait_indirect_dma semaphore(%arg14 : memref<!tpu.dma_semaphore, #tpu.memory_space<semaphore_mem>>) src(%dma_wait3A_126 : memref<10000x128xf32, #tpu.memory_space<hbm>>) dst(%run_scoped3A_8 : memref<96x128xf32, #tpu.memory_space<vmem>>)
        %dma_start3A_127 = arith.constant 1 : i32
        %dma_start3A_128 = arith.constant 0 : i32
        %dma_start3A_129 = tpu.memref_slice %arg12[%dma_start3A_127, %dma_start3A_128] : memref<106x96xi32, #tpu.memory_space<vmem>> -> memref<1x96xi32, #tpu.memory_space<vmem>>
        %dma_start3A_130 = tpu.memref_squeeze %dma_start3A_129 : memref<1x96xi32, #tpu.memory_space<vmem>> -> memref<96xi32, #tpu.memory_space<vmem>>
        %dma_start3A_131 = arith.constant 0 : i32
        %dma_start3A_132 = arith.constant 0 : i32
        %dma_start3A_133 = tpu.memref_slice %arg9[%dma_start3A_131, %dma_start3A_132] : memref<10240x128xf32, #tpu.memory_space<vmem_shared>> -> memref<10240x128xf32, #tpu.memory_space<vmem_shared>>
        tpu.enqueue_indirect_dma source(%run_scoped3A_8 : memref<96x128xf32, #tpu.memory_space<vmem>>) target(%dma_start3A_133 : memref<10240x128xf32, #tpu.memory_space<vmem_shared>>) offsets(%dma_start3A_130 : memref<96xi32, #tpu.memory_space<vmem>>) semaphore(%arg16 : memref<!tpu.dma_semaphore, #tpu.memory_space<semaphore_mem>>) {add = true}
        %dma_start3A_134 = arith.constant 1 : i32
        %dma_start3A_135 = arith.constant 0 : i32
        %dma_start3A_136 = tpu.memref_slice %arg12[%dma_start3A_134, %dma_start3A_135] : memref<106x96xi32, #tpu.memory_space<vmem>> -> memref<1x96xi32, #tpu.memory_space<vmem>>
        %dma_start3A_137 = tpu.memref_squeeze %dma_start3A_136 : memref<1x96xi32, #tpu.memory_space<vmem>> -> memref<96xi32, #tpu.memory_space<vmem>>
        %dma_start3A_138 = arith.constant 0 : i32
        %dma_start3A_139 = tpu.memref_slice %arg10[%dma_start3A_138] : memref<10240xf32, #tpu.memory_space<vmem_shared>> -> memref<10240xf32, #tpu.memory_space<vmem_shared>>
        tpu.enqueue_indirect_dma source(%run_scoped3A_9 : memref<96xf32, #tpu.memory_space<vmem>>) target(%dma_start3A_139 : memref<10240xf32, #tpu.memory_space<vmem_shared>>) offsets(%dma_start3A_137 : memref<96xi32, #tpu.memory_space<vmem>>) semaphore(%arg16 : memref<!tpu.dma_semaphore, #tpu.memory_space<semaphore_mem>>) {add = true}
        %dma_wait3A_140 = arith.constant 0 : i32
        %dma_wait3A_141 = arith.constant 0 : i32
        %dma_wait3A_142 = tpu.memref_slice %arg12[%dma_wait3A_140, %dma_wait3A_141] : memref<106x96xi32, #tpu.memory_space<vmem>> -> memref<1x96xi32, #tpu.memory_space<vmem>>
        %dma_wait3A_143 = tpu.memref_squeeze %dma_wait3A_142 : memref<1x96xi32, #tpu.memory_space<vmem>> -> memref<96xi32, #tpu.memory_space<vmem>>
        %dma_wait3A_144 = arith.constant 0 : i32
        %dma_wait3A_145 = arith.constant 0 : i32
        %dma_wait3A_146 = tpu.memref_slice %arg9[%dma_wait3A_144, %dma_wait3A_145] : memref<10240x128xf32, #tpu.memory_space<vmem_shared>> -> memref<10240x128xf32, #tpu.memory_space<vmem_shared>>
        tpu.wait_indirect_dma semaphore(%arg15 : memref<!tpu.dma_semaphore, #tpu.memory_space<semaphore_mem>>) src(%run_scoped3A : memref<96x128xf32, #tpu.memory_space<vmem>>) dst(%dma_wait3A_146 : memref<10240x128xf32, #tpu.memory_space<vmem_shared>>)
        %dma_wait3A_147 = arith.constant 0 : i32
        %dma_wait3A_148 = arith.constant 0 : i32
        %dma_wait3A_149 = tpu.memref_slice %arg12[%dma_wait3A_147, %dma_wait3A_148] : memref<106x96xi32, #tpu.memory_space<vmem>> -> memref<1x96xi32, #tpu.memory_space<vmem>>
        %dma_wait3A_150 = tpu.memref_squeeze %dma_wait3A_149 : memref<1x96xi32, #tpu.memory_space<vmem>> -> memref<96xi32, #tpu.memory_space<vmem>>
        %dma_wait3A_151 = arith.constant 0 : i32
        %dma_wait3A_152 = tpu.memref_slice %arg10[%dma_wait3A_151] : memref<10240xf32, #tpu.memory_space<vmem_shared>> -> memref<10240xf32, #tpu.memory_space<vmem_shared>>
        tpu.wait_indirect_dma semaphore(%arg15 : memref<!tpu.dma_semaphore, #tpu.memory_space<semaphore_mem>>) src(%run_scoped3A_9 : memref<96xf32, #tpu.memory_space<vmem>>) dst(%dma_wait3A_152 : memref<10240xf32, #tpu.memory_space<vmem_shared>>)
        %dma_start3A_153 = arith.constant 2 : i32
        %dma_start3A_154 = arith.constant 0 : i32
        %dma_start3A_155 = tpu.memref_slice %arg11[%dma_start3A_153, %dma_start3A_154] : memref<106x96xi32, #tpu.memory_space<vmem>> -> memref<1x96xi32, #tpu.memory_space<vmem>>
        %dma_start3A_156 = tpu.memref_squeeze %dma_start3A_155 : memref<1x96xi32, #tpu.memory_space<vmem>> -> memref<96xi32, #tpu.memory_space<vmem>>
        %dma_start3A_157 = arith.constant 0 : i32
        %dma_start3A_158 = arith.constant 0 : i32
        %dma_start3A_159 = tpu.memref_slice %arg3[%dma_start3A_157, %dma_start3A_158] : memref<10000x128xf32, #tpu.memory_space<hbm>> -> memref<10000x128xf32, #tpu.memory_space<hbm>>
        tpu.enqueue_indirect_dma source(%dma_start3A_159 : memref<10000x128xf32, #tpu.memory_space<hbm>>) target(%run_scoped3A : memref<96x128xf32, #tpu.memory_space<vmem>>) offsets(%dma_start3A_156 : memref<96xi32, #tpu.memory_space<vmem>>) semaphore(%arg13 : memref<!tpu.dma_semaphore, #tpu.memory_space<semaphore_mem>>)
        %scan3A_160 = arith.constant 0 : i32
        %scan3A_161 = arith.constant 1 : i32
        %scan3A_162 = arith.constant 51 : i32
        %scan3A_163 = arith.addi %scan3A_161, %scan3A_162 : i32
        %scan3A_164 = arith.constant 1 : i32
        scf.for %scan3A_252 = %scan3A_161 to %scan3A_163 step %scan3A_164  : i32 {
          %mul3A_253 = arith.constant 2 : i32
          %mul3A_254 = arith.muli %scan3A_252, %mul3A_253 : i32
          %add3A_255 = arith.constant 0 : i32
          %add3A_256 = arith.addi %mul3A_254, %add3A_255 : i32
          %dma_wait3A_257 = arith.constant 0 : i32
          %dma_wait3A_258 = arith.constant 0 : i32
          %dma_wait3A_259 = tpu.memref_slice %arg11[%dma_wait3A_257, %dma_wait3A_258] : memref<106x96xi32, #tpu.memory_space<vmem>> -> memref<1x96xi32, #tpu.memory_space<vmem>>
          %dma_wait3A_260 = tpu.memref_squeeze %dma_wait3A_259 : memref<1x96xi32, #tpu.memory_space<vmem>> -> memref<96xi32, #tpu.memory_space<vmem>>
          %dma_wait3A_261 = arith.constant 0 : i32
          %dma_wait3A_262 = arith.constant 0 : i32
          %dma_wait3A_263 = tpu.memref_slice %arg3[%dma_wait3A_261, %dma_wait3A_262] : memref<10000x128xf32, #tpu.memory_space<hbm>> -> memref<10000x128xf32, #tpu.memory_space<hbm>>
          tpu.wait_indirect_dma semaphore(%arg13 : memref<!tpu.dma_semaphore, #tpu.memory_space<semaphore_mem>>) src(%dma_wait3A_263 : memref<10000x128xf32, #tpu.memory_space<hbm>>) dst(%run_scoped3A : memref<96x128xf32, #tpu.memory_space<vmem>>)
          %dma_start3A_264 = arith.constant 0 : i32
          %dma_start3A_265 = tpu.memref_slice %arg12[%add3A_256, %dma_start3A_264] : memref<106x96xi32, #tpu.memory_space<vmem>> -> memref<1x96xi32, #tpu.memory_space<vmem>>
          %dma_start3A_266 = tpu.memref_squeeze %dma_start3A_265 : memref<1x96xi32, #tpu.memory_space<vmem>> -> memref<96xi32, #tpu.memory_space<vmem>>
          %dma_start3A_267 = arith.constant 0 : i32
          %dma_start3A_268 = arith.constant 0 : i32
          %dma_start3A_269 = tpu.memref_slice %arg9[%dma_start3A_267, %dma_start3A_268] : memref<10240x128xf32, #tpu.memory_space<vmem_shared>> -> memref<10240x128xf32, #tpu.memory_space<vmem_shared>>
          tpu.enqueue_indirect_dma source(%run_scoped3A : memref<96x128xf32, #tpu.memory_space<vmem>>) target(%dma_start3A_269 : memref<10240x128xf32, #tpu.memory_space<vmem_shared>>) offsets(%dma_start3A_266 : memref<96xi32, #tpu.memory_space<vmem>>) semaphore(%arg15 : memref<!tpu.dma_semaphore, #tpu.memory_space<semaphore_mem>>) {add = true}
          %dma_start3A_270 = arith.constant 0 : i32
          %dma_start3A_271 = tpu.memref_slice %arg12[%add3A_256, %dma_start3A_270] : memref<106x96xi32, #tpu.memory_space<vmem>> -> memref<1x96xi32, #tpu.memory_space<vmem>>
          %dma_start3A_272 = tpu.memref_squeeze %dma_start3A_271 : memref<1x96xi32, #tpu.memory_space<vmem>> -> memref<96xi32, #tpu.memory_space<vmem>>
          %dma_start3A_273 = arith.constant 0 : i32
          %dma_start3A_274 = tpu.memref_slice %arg10[%dma_start3A_273] : memref<10240xf32, #tpu.memory_space<vmem_shared>> -> memref<10240xf32, #tpu.memory_space<vmem_shared>>
          tpu.enqueue_indirect_dma source(%run_scoped3A_9 : memref<96xf32, #tpu.memory_space<vmem>>) target(%dma_start3A_274 : memref<10240xf32, #tpu.memory_space<vmem_shared>>) offsets(%dma_start3A_272 : memref<96xi32, #tpu.memory_space<vmem>>) semaphore(%arg15 : memref<!tpu.dma_semaphore, #tpu.memory_space<semaphore_mem>>) {add = true}
          %dma_wait3A_275 = arith.constant 0 : i32
          %dma_wait3A_276 = arith.constant 0 : i32
          %dma_wait3A_277 = tpu.memref_slice %arg12[%dma_wait3A_275, %dma_wait3A_276] : memref<106x96xi32, #tpu.memory_space<vmem>> -> memref<1x96xi32, #tpu.memory_space<vmem>>
          %dma_wait3A_278 = tpu.memref_squeeze %dma_wait3A_277 : memref<1x96xi32, #tpu.memory_space<vmem>> -> memref<96xi32, #tpu.memory_space<vmem>>
          %dma_wait3A_279 = arith.constant 0 : i32
          %dma_wait3A_280 = arith.constant 0 : i32
          %dma_wait3A_281 = tpu.memref_slice %arg9[%dma_wait3A_279, %dma_wait3A_280] : memref<10240x128xf32, #tpu.memory_space<vmem_shared>> -> memref<10240x128xf32, #tpu.memory_space<vmem_shared>>
          tpu.wait_indirect_dma semaphore(%arg16 : memref<!tpu.dma_semaphore, #tpu.memory_space<semaphore_mem>>) src(%run_scoped3A_8 : memref<96x128xf32, #tpu.memory_space<vmem>>) dst(%dma_wait3A_281 : memref<10240x128xf32, #tpu.memory_space<vmem_shared>>)
          %dma_wait3A_282 = arith.constant 0 : i32
          %dma_wait3A_283 = arith.constant 0 : i32
          %dma_wait3A_284 = tpu.memref_slice %arg12[%dma_wait3A_282, %dma_wait3A_283] : memref<106x96xi32, #tpu.memory_space<vmem>> -> memref<1x96xi32, #tpu.memory_space<vmem>>
          %dma_wait3A_285 = tpu.memref_squeeze %dma_wait3A_284 : memref<1x96xi32, #tpu.memory_space<vmem>> -> memref<96xi32, #tpu.memory_space<vmem>>
          %dma_wait3A_286 = arith.constant 0 : i32
          %dma_wait3A_287 = tpu.memref_slice %arg10[%dma_wait3A_286] : memref<10240xf32, #tpu.memory_space<vmem_shared>> -> memref<10240xf32, #tpu.memory_space<vmem_shared>>
          tpu.wait_indirect_dma semaphore(%arg16 : memref<!tpu.dma_semaphore, #tpu.memory_space<semaphore_mem>>) src(%run_scoped3A_9 : memref<96xf32, #tpu.memory_space<vmem>>) dst(%dma_wait3A_287 : memref<10240xf32, #tpu.memory_space<vmem_shared>>)
          %add3A_288 = arith.constant 1 : i32
          %add3A_289 = arith.addi %add3A_256, %add3A_288 : i32
          %dma_start3A_290 = arith.constant 0 : i32
          %dma_start3A_291 = tpu.memref_slice %arg11[%add3A_289, %dma_start3A_290] : memref<106x96xi32, #tpu.memory_space<vmem>> -> memref<1x96xi32, #tpu.memory_space<vmem>>
          %dma_start3A_292 = tpu.memref_squeeze %dma_start3A_291 : memref<1x96xi32, #tpu.memory_space<vmem>> -> memref<96xi32, #tpu.memory_space<vmem>>
          %dma_start3A_293 = arith.constant 0 : i32
          %dma_start3A_294 = arith.constant 0 : i32
          %dma_start3A_295 = tpu.memref_slice %arg3[%dma_start3A_293, %dma_start3A_294] : memref<10000x128xf32, #tpu.memory_space<hbm>> -> memref<10000x128xf32, #tpu.memory_space<hbm>>
          tpu.enqueue_indirect_dma source(%dma_start3A_295 : memref<10000x128xf32, #tpu.memory_space<hbm>>) target(%run_scoped3A_8 : memref<96x128xf32, #tpu.memory_space<vmem>>) offsets(%dma_start3A_292 : memref<96xi32, #tpu.memory_space<vmem>>) semaphore(%arg14 : memref<!tpu.dma_semaphore, #tpu.memory_space<semaphore_mem>>)
          %add3A_296 = arith.constant 1 : i32
          %add3A_297 = arith.addi %mul3A_254, %add3A_296 : i32
          %dma_wait3A_298 = arith.constant 0 : i32
          %dma_wait3A_299 = arith.constant 0 : i32
          %dma_wait3A_300 = tpu.memref_slice %arg11[%dma_wait3A_298, %dma_wait3A_299] : memref<106x96xi32, #tpu.memory_space<vmem>> -> memref<1x96xi32, #tpu.memory_space<vmem>>
          %dma_wait3A_301 = tpu.memref_squeeze %dma_wait3A_300 : memref<1x96xi32, #tpu.memory_space<vmem>> -> memref<96xi32, #tpu.memory_space<vmem>>
          %dma_wait3A_302 = arith.constant 0 : i32
          %dma_wait3A_303 = arith.constant 0 : i32
          %dma_wait3A_304 = tpu.memref_slice %arg3[%dma_wait3A_302, %dma_wait3A_303] : memref<10000x128xf32, #tpu.memory_space<hbm>> -> memref<10000x128xf32, #tpu.memory_space<hbm>>
          tpu.wait_indirect_dma semaphore(%arg14 : memref<!tpu.dma_semaphore, #tpu.memory_space<semaphore_mem>>) src(%dma_wait3A_304 : memref<10000x128xf32, #tpu.memory_space<hbm>>) dst(%run_scoped3A_8 : memref<96x128xf32, #tpu.memory_space<vmem>>)
          %dma_start3A_305 = arith.constant 0 : i32
          %dma_start3A_306 = tpu.memref_slice %arg12[%add3A_297, %dma_start3A_305] : memref<106x96xi32, #tpu.memory_space<vmem>> -> memref<1x96xi32, #tpu.memory_space<vmem>>
          %dma_start3A_307 = tpu.memref_squeeze %dma_start3A_306 : memref<1x96xi32, #tpu.memory_space<vmem>> -> memref<96xi32, #tpu.memory_space<vmem>>
          %dma_start3A_308 = arith.constant 0 : i32
          %dma_start3A_309 = arith.constant 0 : i32
          %dma_start3A_310 = tpu.memref_slice %arg9[%dma_start3A_308, %dma_start3A_309] : memref<10240x128xf32, #tpu.memory_space<vmem_shared>> -> memref<10240x128xf32, #tpu.memory_space<vmem_shared>>
          tpu.enqueue_indirect_dma source(%run_scoped3A_8 : memref<96x128xf32, #tpu.memory_space<vmem>>) target(%dma_start3A_310 : memref<10240x128xf32, #tpu.memory_space<vmem_shared>>) offsets(%dma_start3A_307 : memref<96xi32, #tpu.memory_space<vmem>>) semaphore(%arg16 : memref<!tpu.dma_semaphore, #tpu.memory_space<semaphore_mem>>) {add = true}
          %dma_start3A_311 = arith.constant 0 : i32
          %dma_start3A_312 = tpu.memref_slice %arg12[%add3A_297, %dma_start3A_311] : memref<106x96xi32, #tpu.memory_space<vmem>> -> memref<1x96xi32, #tpu.memory_space<vmem>>
          %dma_start3A_313 = tpu.memref_squeeze %dma_start3A_312 : memref<1x96xi32, #tpu.memory_space<vmem>> -> memref<96xi32, #tpu.memory_space<vmem>>
          %dma_start3A_314 = arith.constant 0 : i32
          %dma_start3A_315 = tpu.memref_slice %arg10[%dma_start3A_314] : memref<10240xf32, #tpu.memory_space<vmem_shared>> -> memref<10240xf32, #tpu.memory_space<vmem_shared>>
          tpu.enqueue_indirect_dma source(%run_scoped3A_9 : memref<96xf32, #tpu.memory_space<vmem>>) target(%dma_start3A_315 : memref<10240xf32, #tpu.memory_space<vmem_shared>>) offsets(%dma_start3A_313 : memref<96xi32, #tpu.memory_space<vmem>>) semaphore(%arg16 : memref<!tpu.dma_semaphore, #tpu.memory_space<semaphore_mem>>) {add = true}
          %dma_wait3A_316 = arith.constant 0 : i32
          %dma_wait3A_317 = arith.constant 0 : i32
          %dma_wait3A_318 = tpu.memref_slice %arg12[%dma_wait3A_316, %dma_wait3A_317] : memref<106x96xi32, #tpu.memory_space<vmem>> -> memref<1x96xi32, #tpu.memory_space<vmem>>
          %dma_wait3A_319 = tpu.memref_squeeze %dma_wait3A_318 : memref<1x96xi32, #tpu.memory_space<vmem>> -> memref<96xi32, #tpu.memory_space<vmem>>
          %dma_wait3A_320 = arith.constant 0 : i32
          %dma_wait3A_321 = arith.constant 0 : i32
          %dma_wait3A_322 = tpu.memref_slice %arg9[%dma_wait3A_320, %dma_wait3A_321] : memref<10240x128xf32, #tpu.memory_space<vmem_shared>> -> memref<10240x128xf32, #tpu.memory_space<vmem_shared>>
          tpu.wait_indirect_dma semaphore(%arg15 : memref<!tpu.dma_semaphore, #tpu.memory_space<semaphore_mem>>) src(%run_scoped3A : memref<96x128xf32, #tpu.memory_space<vmem>>) dst(%dma_wait3A_322 : memref<10240x128xf32, #tpu.memory_space<vmem_shared>>)
          %dma_wait3A_323 = arith.constant 0 : i32
          %dma_wait3A_324 = arith.constant 0 : i32
          %dma_wait3A_325 = tpu.memref_slice %arg12[%dma_wait3A_323, %dma_wait3A_324] : memref<106x96xi32, #tpu.memory_space<vmem>> -> memref<1x96xi32, #tpu.memory_space<vmem>>
          %dma_wait3A_326 = tpu.memref_squeeze %dma_wait3A_325 : memref<1x96xi32, #tpu.memory_space<vmem>> -> memref<96xi32, #tpu.memory_space<vmem>>
          %dma_wait3A_327 = arith.constant 0 : i32
          %dma_wait3A_328 = tpu.memref_slice %arg10[%dma_wait3A_327] : memref<10240xf32, #tpu.memory_space<vmem_shared>> -> memref<10240xf32, #tpu.memory_space<vmem_shared>>
          tpu.wait_indirect_dma semaphore(%arg15 : memref<!tpu.dma_semaphore, #tpu.memory_space<semaphore_mem>>) src(%run_scoped3A_9 : memref<96xf32, #tpu.memory_space<vmem>>) dst(%dma_wait3A_328 : memref<10240xf32, #tpu.memory_space<vmem_shared>>)
          %add3A_329 = arith.constant 1 : i32
          %add3A_330 = arith.addi %add3A_297, %add3A_329 : i32
          %dma_start3A_331 = arith.constant 0 : i32
          %dma_start3A_332 = tpu.memref_slice %arg11[%add3A_330, %dma_start3A_331] : memref<106x96xi32, #tpu.memory_space<vmem>> -> memref<1x96xi32, #tpu.memory_space<vmem>>
          %dma_start3A_333 = tpu.memref_squeeze %dma_start3A_332 : memref<1x96xi32, #tpu.memory_space<vmem>> -> memref<96xi32, #tpu.memory_space<vmem>>
          %dma_start3A_334 = arith.constant 0 : i32
          %dma_start3A_335 = arith.constant 0 : i32
          %dma_start3A_336 = tpu.memref_slice %arg3[%dma_start3A_334, %dma_start3A_335] : memref<10000x128xf32, #tpu.memory_space<hbm>> -> memref<10000x128xf32, #tpu.memory_space<hbm>>
          tpu.enqueue_indirect_dma source(%dma_start3A_336 : memref<10000x128xf32, #tpu.memory_space<hbm>>) target(%run_scoped3A : memref<96x128xf32, #tpu.memory_space<vmem>>) offsets(%dma_start3A_333 : memref<96xi32, #tpu.memory_space<vmem>>) semaphore(%arg13 : memref<!tpu.dma_semaphore, #tpu.memory_space<semaphore_mem>>)
        }
        %scan3A_165 = arith.constant 51 : i32
        %dma_wait3A_166 = arith.constant 0 : i32
        %dma_wait3A_167 = arith.constant 0 : i32
        %dma_wait3A_168 = tpu.memref_slice %arg11[%dma_wait3A_166, %dma_wait3A_167] : memref<106x96xi32, #tpu.memory_space<vmem>> -> memref<1x96xi32, #tpu.memory_space<vmem>>
        %dma_wait3A_169 = tpu.memref_squeeze %dma_wait3A_168 : memref<1x96xi32, #tpu.memory_space<vmem>> -> memref<96xi32, #tpu.memory_space<vmem>>
        %dma_wait3A_170 = arith.constant 0 : i32
        %dma_wait3A_171 = arith.constant 0 : i32
        %dma_wait3A_172 = tpu.memref_slice %arg3[%dma_wait3A_170, %dma_wait3A_171] : memref<10000x128xf32, #tpu.memory_space<hbm>> -> memref<10000x128xf32, #tpu.memory_space<hbm>>
        tpu.wait_indirect_dma semaphore(%arg13 : memref<!tpu.dma_semaphore, #tpu.memory_space<semaphore_mem>>) src(%dma_wait3A_172 : memref<10000x128xf32, #tpu.memory_space<hbm>>) dst(%run_scoped3A : memref<96x128xf32, #tpu.memory_space<vmem>>)
        %dma_start3A_173 = arith.constant 104 : i32
        %dma_start3A_174 = arith.constant 0 : i32
        %dma_start3A_175 = tpu.memref_slice %arg12[%dma_start3A_173, %dma_start3A_174] : memref<106x96xi32, #tpu.memory_space<vmem>> -> memref<1x96xi32, #tpu.memory_space<vmem>>
        %dma_start3A_176 = tpu.memref_squeeze %dma_start3A_175 : memref<1x96xi32, #tpu.memory_space<vmem>> -> memref<96xi32, #tpu.memory_space<vmem>>
        %dma_start3A_177 = arith.constant 0 : i32
        %dma_start3A_178 = arith.constant 0 : i32
        %dma_start3A_179 = tpu.memref_slice %arg9[%dma_start3A_177, %dma_start3A_178] : memref<10240x128xf32, #tpu.memory_space<vmem_shared>> -> memref<10240x128xf32, #tpu.memory_space<vmem_shared>>
        tpu.enqueue_indirect_dma source(%run_scoped3A : memref<96x128xf32, #tpu.memory_space<vmem>>) target(%dma_start3A_179 : memref<10240x128xf32, #tpu.memory_space<vmem_shared>>) offsets(%dma_start3A_176 : memref<96xi32, #tpu.memory_space<vmem>>) semaphore(%arg15 : memref<!tpu.dma_semaphore, #tpu.memory_space<semaphore_mem>>) {add = true}
        %dma_start3A_180 = arith.constant 104 : i32
        %dma_start3A_181 = arith.constant 0 : i32
        %dma_start3A_182 = tpu.memref_slice %arg12[%dma_start3A_180, %dma_start3A_181] : memref<106x96xi32, #tpu.memory_space<vmem>> -> memref<1x96xi32, #tpu.memory_space<vmem>>
        %dma_start3A_183 = tpu.memref_squeeze %dma_start3A_182 : memref<1x96xi32, #tpu.memory_space<vmem>> -> memref<96xi32, #tpu.memory_space<vmem>>
        %dma_start3A_184 = arith.constant 0 : i32
        %dma_start3A_185 = tpu.memref_slice %arg10[%dma_start3A_184] : memref<10240xf32, #tpu.memory_space<vmem_shared>> -> memref<10240xf32, #tpu.memory_space<vmem_shared>>
        tpu.enqueue_indirect_dma source(%run_scoped3A_9 : memref<96xf32, #tpu.memory_space<vmem>>) target(%dma_start3A_185 : memref<10240xf32, #tpu.memory_space<vmem_shared>>) offsets(%dma_start3A_183 : memref<96xi32, #tpu.memory_space<vmem>>) semaphore(%arg15 : memref<!tpu.dma_semaphore, #tpu.memory_space<semaphore_mem>>) {add = true}
        %dma_wait3A_186 = arith.constant 0 : i32
        %dma_wait3A_187 = arith.constant 0 : i32
        %dma_wait3A_188 = tpu.memref_slice %arg12[%dma_wait3A_186, %dma_wait3A_187] : memref<106x96xi32, #tpu.memory_space<vmem>> -> memref<1x96xi32, #tpu.memory_space<vmem>>
        %dma_wait3A_189 = tpu.memref_squeeze %dma_wait3A_188 : memref<1x96xi32, #tpu.memory_space<vmem>> -> memref<96xi32, #tpu.memory_space<vmem>>
        %dma_wait3A_190 = arith.constant 0 : i32
        %dma_wait3A_191 = arith.constant 0 : i32
        %dma_wait3A_192 = tpu.memref_slice %arg9[%dma_wait3A_190, %dma_wait3A_191] : memref<10240x128xf32, #tpu.memory_space<vmem_shared>> -> memref<10240x128xf32, #tpu.memory_space<vmem_shared>>
        tpu.wait_indirect_dma semaphore(%arg16 : memref<!tpu.dma_semaphore, #tpu.memory_space<semaphore_mem>>) src(%run_scoped3A_8 : memref<96x128xf32, #tpu.memory_space<vmem>>) dst(%dma_wait3A_192 : memref<10240x128xf32, #tpu.memory_space<vmem_shared>>)
        %dma_wait3A_193 = arith.constant 0 : i32
        %dma_wait3A_194 = arith.constant 0 : i32
        %dma_wait3A_195 = tpu.memref_slice %arg12[%dma_wait3A_193, %dma_wait3A_194] : memref<106x96xi32, #tpu.memory_space<vmem>> -> memref<1x96xi32, #tpu.memory_space<vmem>>
        %dma_wait3A_196 = tpu.memref_squeeze %dma_wait3A_195 : memref<1x96xi32, #tpu.memory_space<vmem>> -> memref<96xi32, #tpu.memory_space<vmem>>
        %dma_wait3A_197 = arith.constant 0 : i32
        %dma_wait3A_198 = tpu.memref_slice %arg10[%dma_wait3A_197] : memref<10240xf32, #tpu.memory_space<vmem_shared>> -> memref<10240xf32, #tpu.memory_space<vmem_shared>>
        tpu.wait_indirect_dma semaphore(%arg16 : memref<!tpu.dma_semaphore, #tpu.memory_space<semaphore_mem>>) src(%run_scoped3A_9 : memref<96xf32, #tpu.memory_space<vmem>>) dst(%dma_wait3A_198 : memref<10240xf32, #tpu.memory_space<vmem_shared>>)
        %dma_start3A_199 = arith.constant 105 : i32
        %dma_start3A_200 = arith.constant 0 : i32
        %dma_start3A_201 = tpu.memref_slice %arg11[%dma_start3A_199, %dma_start3A_200] : memref<106x96xi32, #tpu.memory_space<vmem>> -> memref<1x96xi32, #tpu.memory_space<vmem>>
        %dma_start3A_202 = tpu.memref_squeeze %dma_start3A_201 : memref<1x96xi32, #tpu.memory_space<vmem>> -> memref<96xi32, #tpu.memory_space<vmem>>
        %dma_start3A_203 = arith.constant 0 : i32
        %dma_start3A_204 = arith.constant 0 : i32
        %dma_start3A_205 = tpu.memref_slice %arg3[%dma_start3A_203, %dma_start3A_204] : memref<10000x128xf32, #tpu.memory_space<hbm>> -> memref<10000x128xf32, #tpu.memory_space<hbm>>
        tpu.enqueue_indirect_dma source(%dma_start3A_205 : memref<10000x128xf32, #tpu.memory_space<hbm>>) target(%run_scoped3A_8 : memref<96x128xf32, #tpu.memory_space<vmem>>) offsets(%dma_start3A_202 : memref<96xi32, #tpu.memory_space<vmem>>) semaphore(%arg14 : memref<!tpu.dma_semaphore, #tpu.memory_space<semaphore_mem>>)
        %dma_wait3A_206 = arith.constant 0 : i32
        %dma_wait3A_207 = arith.constant 0 : i32
        %dma_wait3A_208 = tpu.memref_slice %arg11[%dma_wait3A_206, %dma_wait3A_207] : memref<106x96xi32, #tpu.memory_space<vmem>> -> memref<1x96xi32, #tpu.memory_space<vmem>>
        %dma_wait3A_209 = tpu.memref_squeeze %dma_wait3A_208 : memref<1x96xi32, #tpu.memory_space<vmem>> -> memref<96xi32, #tpu.memory_space<vmem>>
        %dma_wait3A_210 = arith.constant 0 : i32
        %dma_wait3A_211 = arith.constant 0 : i32
        %dma_wait3A_212 = tpu.memref_slice %arg3[%dma_wait3A_210, %dma_wait3A_211] : memref<10000x128xf32, #tpu.memory_space<hbm>> -> memref<10000x128xf32, #tpu.memory_space<hbm>>
        tpu.wait_indirect_dma semaphore(%arg14 : memref<!tpu.dma_semaphore, #tpu.memory_space<semaphore_mem>>) src(%dma_wait3A_212 : memref<10000x128xf32, #tpu.memory_space<hbm>>) dst(%run_scoped3A_8 : memref<96x128xf32, #tpu.memory_space<vmem>>)
        %dma_start3A_213 = arith.constant 105 : i32
        %dma_start3A_214 = arith.constant 0 : i32
        %dma_start3A_215 = tpu.memref_slice %arg12[%dma_start3A_213, %dma_start3A_214] : memref<106x96xi32, #tpu.memory_space<vmem>> -> memref<1x96xi32, #tpu.memory_space<vmem>>
        %dma_start3A_216 = tpu.memref_squeeze %dma_start3A_215 : memref<1x96xi32, #tpu.memory_space<vmem>> -> memref<96xi32, #tpu.memory_space<vmem>>
        %dma_start3A_217 = arith.constant 0 : i32
        %dma_start3A_218 = arith.constant 0 : i32
        %dma_start3A_219 = tpu.memref_slice %arg9[%dma_start3A_217, %dma_start3A_218] : memref<10240x128xf32, #tpu.memory_space<vmem_shared>> -> memref<10240x128xf32, #tpu.memory_space<vmem_shared>>
        tpu.enqueue_indirect_dma source(%run_scoped3A_8 : memref<96x128xf32, #tpu.memory_space<vmem>>) target(%dma_start3A_219 : memref<10240x128xf32, #tpu.memory_space<vmem_shared>>) offsets(%dma_start3A_216 : memref<96xi32, #tpu.memory_space<vmem>>) semaphore(%arg16 : memref<!tpu.dma_semaphore, #tpu.memory_space<semaphore_mem>>) {add = true}
        %dma_start3A_220 = arith.constant 105 : i32
        %dma_start3A_221 = arith.constant 0 : i32
        %dma_start3A_222 = tpu.memref_slice %arg12[%dma_start3A_220, %dma_start3A_221] : memref<106x96xi32, #tpu.memory_space<vmem>> -> memref<1x96xi32, #tpu.memory_space<vmem>>
        %dma_start3A_223 = tpu.memref_squeeze %dma_start3A_222 : memref<1x96xi32, #tpu.memory_space<vmem>> -> memref<96xi32, #tpu.memory_space<vmem>>
        %dma_start3A_224 = arith.constant 0 : i32
        %dma_start3A_225 = tpu.memref_slice %arg10[%dma_start3A_224] : memref<10240xf32, #tpu.memory_space<vmem_shared>> -> memref<10240xf32, #tpu.memory_space<vmem_shared>>
        tpu.enqueue_indirect_dma source(%run_scoped3A_9 : memref<96xf32, #tpu.memory_space<vmem>>) target(%dma_start3A_225 : memref<10240xf32, #tpu.memory_space<vmem_shared>>) offsets(%dma_start3A_223 : memref<96xi32, #tpu.memory_space<vmem>>) semaphore(%arg16 : memref<!tpu.dma_semaphore, #tpu.memory_space<semaphore_mem>>) {add = true}
        %dma_wait3A_226 = arith.constant 0 : i32
        %dma_wait3A_227 = arith.constant 0 : i32
        %dma_wait3A_228 = tpu.memref_slice %arg12[%dma_wait3A_226, %dma_wait3A_227] : memref<106x96xi32, #tpu.memory_space<vmem>> -> memref<1x96xi32, #tpu.memory_space<vmem>>
        %dma_wait3A_229 = tpu.memref_squeeze %dma_wait3A_228 : memref<1x96xi32, #tpu.memory_space<vmem>> -> memref<96xi32, #tpu.memory_space<vmem>>
        %dma_wait3A_230 = arith.constant 0 : i32
        %dma_wait3A_231 = arith.constant 0 : i32
        %dma_wait3A_232 = tpu.memref_slice %arg9[%dma_wait3A_230, %dma_wait3A_231] : memref<10240x128xf32, #tpu.memory_space<vmem_shared>> -> memref<10240x128xf32, #tpu.memory_space<vmem_shared>>
        tpu.wait_indirect_dma semaphore(%arg15 : memref<!tpu.dma_semaphore, #tpu.memory_space<semaphore_mem>>) src(%run_scoped3A : memref<96x128xf32, #tpu.memory_space<vmem>>) dst(%dma_wait3A_232 : memref<10240x128xf32, #tpu.memory_space<vmem_shared>>)
        %dma_wait3A_233 = arith.constant 0 : i32
        %dma_wait3A_234 = arith.constant 0 : i32
        %dma_wait3A_235 = tpu.memref_slice %arg12[%dma_wait3A_233, %dma_wait3A_234] : memref<106x96xi32, #tpu.memory_space<vmem>> -> memref<1x96xi32, #tpu.memory_space<vmem>>
        %dma_wait3A_236 = tpu.memref_squeeze %dma_wait3A_235 : memref<1x96xi32, #tpu.memory_space<vmem>> -> memref<96xi32, #tpu.memory_space<vmem>>
        %dma_wait3A_237 = arith.constant 0 : i32
        %dma_wait3A_238 = tpu.memref_slice %arg10[%dma_wait3A_237] : memref<10240xf32, #tpu.memory_space<vmem_shared>> -> memref<10240xf32, #tpu.memory_space<vmem_shared>>
        tpu.wait_indirect_dma semaphore(%arg15 : memref<!tpu.dma_semaphore, #tpu.memory_space<semaphore_mem>>) src(%run_scoped3A_9 : memref<96xf32, #tpu.memory_space<vmem>>) dst(%dma_wait3A_238 : memref<10240xf32, #tpu.memory_space<vmem_shared>>)
        %dma_wait3A_239 = arith.constant 0 : i32
        %dma_wait3A_240 = arith.constant 0 : i32
        %dma_wait3A_241 = tpu.memref_slice %arg12[%dma_wait3A_239, %dma_wait3A_240] : memref<106x96xi32, #tpu.memory_space<vmem>> -> memref<1x96xi32, #tpu.memory_space<vmem>>
        %dma_wait3A_242 = tpu.memref_squeeze %dma_wait3A_241 : memref<1x96xi32, #tpu.memory_space<vmem>> -> memref<96xi32, #tpu.memory_space<vmem>>
        %dma_wait3A_243 = arith.constant 0 : i32
        %dma_wait3A_244 = arith.constant 0 : i32
        %dma_wait3A_245 = tpu.memref_slice %arg9[%dma_wait3A_243, %dma_wait3A_244] : memref<10240x128xf32, #tpu.memory_space<vmem_shared>> -> memref<10240x128xf32, #tpu.memory_space<vmem_shared>>
        tpu.wait_indirect_dma semaphore(%arg16 : memref<!tpu.dma_semaphore, #tpu.memory_space<semaphore_mem>>) src(%run_scoped3A_8 : memref<96x128xf32, #tpu.memory_space<vmem>>) dst(%dma_wait3A_245 : memref<10240x128xf32, #tpu.memory_space<vmem_shared>>)
        %dma_wait3A_246 = arith.constant 0 : i32
        %dma_wait3A_247 = arith.constant 0 : i32
        %dma_wait3A_248 = tpu.memref_slice %arg12[%dma_wait3A_246, %dma_wait3A_247] : memref<106x96xi32, #tpu.memory_space<vmem>> -> memref<1x96xi32, #tpu.memory_space<vmem>>
        %dma_wait3A_249 = tpu.memref_squeeze %dma_wait3A_248 : memref<1x96xi32, #tpu.memory_space<vmem>> -> memref<96xi32, #tpu.memory_space<vmem>>
        %dma_wait3A_250 = arith.constant 0 : i32
        %dma_wait3A_251 = tpu.memref_slice %arg10[%dma_wait3A_250] : memref<10240xf32, #tpu.memory_space<vmem_shared>> -> memref<10240xf32, #tpu.memory_space<vmem_shared>>
        tpu.wait_indirect_dma semaphore(%arg16 : memref<!tpu.dma_semaphore, #tpu.memory_space<semaphore_mem>>) src(%run_scoped3A_9 : memref<96xf32, #tpu.memory_space<vmem>>) dst(%dma_wait3A_251 : memref<10240xf32, #tpu.memory_space<vmem_shared>>)
      } else {
      }
      tpu.yield
    }) : () -> ()
    %barrier3A = arith.constant 0 : index
    tpu.barrier barrier_id(%barrier3A)
    %eq3A = arith.constant 0 : i32
    %eq3A_1 = arith.cmpi eq, %arg0, %eq3A : i32
    %convert_element_type3A = arith.extui %eq3A_1 : i1 to i32
    %cond3A = arith.constant 0 : i32
    %cond3A_2 = arith.cmpi ne, %convert_element_type3A, %cond3A : i32
    scf.if %cond3A_2 {
      "tpu.region"() ({
        %run_scoped3A = tpu.sem_alloc : memref<!tpu.dma_semaphore, #tpu.memory_space<semaphore_mem>>
        %dma_start3A = arith.constant 0 : i32
        %dma_start3A_8 = tpu.memref_slice %arg6[%mul3A_0, %dma_start3A] : memref<10240x128xf32, #tpu.memory_space<hbm>> -> memref<640x128xf32, #tpu.memory_space<hbm>>
        %dma_start3A_9 = arith.constant 0 : i32
        %dma_start3A_10 = tpu.memref_slice %arg9[%mul3A_0, %dma_start3A_9] : memref<10240x128xf32, #tpu.memory_space<vmem_shared>> -> memref<640x128xf32, #tpu.memory_space<vmem_shared>>
        tpu.enqueue_dma source(%dma_start3A_10 : memref<640x128xf32, #tpu.memory_space<vmem_shared>>) target(%dma_start3A_8 : memref<640x128xf32, #tpu.memory_space<hbm>>) target_semaphore(%run_scoped3A : memref<!tpu.dma_semaphore, #tpu.memory_space<semaphore_mem>>)
        %dma_wait3A = arith.constant 0 : i32
        %dma_wait3A_11 = tpu.memref_slice %arg6[%mul3A_0, %dma_wait3A] : memref<10240x128xf32, #tpu.memory_space<hbm>> -> memref<640x128xf32, #tpu.memory_space<hbm>>
        %dma_wait3A_12 = arith.constant 0 : i32
        %dma_wait3A_13 = tpu.memref_slice %arg9[%mul3A_0, %dma_wait3A_12] : memref<10240x128xf32, #tpu.memory_space<vmem_shared>> -> memref<640x128xf32, #tpu.memory_space<vmem_shared>>
        tpu.wait_dma2 semaphore(%run_scoped3A : memref<!tpu.dma_semaphore, #tpu.memory_space<semaphore_mem>>) src(%dma_wait3A_13 : memref<640x128xf32, #tpu.memory_space<vmem_shared>>) dst(%dma_wait3A_11 : memref<640x128xf32, #tpu.memory_space<hbm>>)
        tpu.yield
      }) : () -> ()
    } else {
    }
    %eq3A_3 = arith.constant 1 : i32
    %eq3A_4 = arith.cmpi eq, %arg0, %eq3A_3 : i32
    %convert_element_type3A_5 = arith.extui %eq3A_4 : i1 to i32
    %cond3A_6 = arith.constant 0 : i32
    %cond3A_7 = arith.cmpi ne, %convert_element_type3A_5, %cond3A_6 : i32
    scf.if %cond3A_7 {
      "tpu.region"() ({
        %run_scoped3A = tpu.sem_alloc : memref<!tpu.dma_semaphore, #tpu.memory_space<semaphore_mem>>
        %dma_start3A = arith.constant 0 : i32
        %dma_start3A_8 = tpu.memref_slice %arg7[%mul3A_0, %dma_start3A] : memref<10240x128xf32, #tpu.memory_space<hbm>> -> memref<640x128xf32, #tpu.memory_space<hbm>>
        %dma_start3A_9 = arith.constant 0 : i32
        %dma_start3A_10 = tpu.memref_slice %arg9[%mul3A_0, %dma_start3A_9] : memref<10240x128xf32, #tpu.memory_space<vmem_shared>> -> memref<640x128xf32, #tpu.memory_space<vmem_shared>>
        tpu.enqueue_dma source(%dma_start3A_10 : memref<640x128xf32, #tpu.memory_space<vmem_shared>>) target(%dma_start3A_8 : memref<640x128xf32, #tpu.memory_space<hbm>>) target_semaphore(%run_scoped3A : memref<!tpu.dma_semaphore, #tpu.memory_space<semaphore_mem>>)
        %dma_wait3A = arith.constant 0 : i32
        %dma_wait3A_11 = tpu.memref_slice %arg7[%mul3A_0, %dma_wait3A] : memref<10240x128xf32, #tpu.memory_space<hbm>> -> memref<640x128xf32, #tpu.memory_space<hbm>>
        %dma_wait3A_12 = arith.constant 0 : i32
        %dma_wait3A_13 = tpu.memref_slice %arg9[%mul3A_0, %dma_wait3A_12] : memref<10240x128xf32, #tpu.memory_space<vmem_shared>> -> memref<640x128xf32, #tpu.memory_space<vmem_shared>>
        tpu.wait_dma2 semaphore(%run_scoped3A : memref<!tpu.dma_semaphore, #tpu.memory_space<semaphore_mem>>) src(%dma_wait3A_13 : memref<640x128xf32, #tpu.memory_space<vmem_shared>>) dst(%dma_wait3A_11 : memref<640x128xf32, #tpu.memory_space<hbm>>)
        tpu.yield
      }) : () -> ()
      "tpu.region"() ({
        %run_scoped3A = tpu.sem_alloc : memref<!tpu.dma_semaphore, #tpu.memory_space<semaphore_mem>>
        %dma_start3A = tpu.memref_slice %arg8[%mul3A_0] : memref<10240xf32, #tpu.memory_space<hbm>> -> memref<640xf32, #tpu.memory_space<hbm>>
        %dma_start3A_8 = tpu.memref_slice %arg10[%mul3A_0] : memref<10240xf32, #tpu.memory_space<vmem_shared>> -> memref<640xf32, #tpu.memory_space<vmem_shared>>
        tpu.enqueue_dma source(%dma_start3A_8 : memref<640xf32, #tpu.memory_space<vmem_shared>>) target(%dma_start3A : memref<640xf32, #tpu.memory_space<hbm>>) target_semaphore(%run_scoped3A : memref<!tpu.dma_semaphore, #tpu.memory_space<semaphore_mem>>)
        %dma_wait3A = tpu.memref_slice %arg8[%mul3A_0] : memref<10240xf32, #tpu.memory_space<hbm>> -> memref<640xf32, #tpu.memory_space<hbm>>
        %dma_wait3A_9 = tpu.memref_slice %arg10[%mul3A_0] : memref<10240xf32, #tpu.memory_space<vmem_shared>> -> memref<640xf32, #tpu.memory_space<vmem_shared>>
        tpu.wait_dma2 semaphore(%run_scoped3A : memref<!tpu.dma_semaphore, #tpu.memory_space<semaphore_mem>>) src(%dma_wait3A_9 : memref<640xf32, #tpu.memory_space<vmem_shared>>) dst(%dma_wait3A : memref<640xf32, #tpu.memory_space<hbm>>)
        tpu.yield
      }) : () -> ()
    } else {
    }
    return
  }
}

#map = affine_map<(d0, d1) -> (0, 0)>
#map1 = affine_map<(d0, d1) -> (0, 0, 0)>
module attributes {stable_mosaic.version = 14 : i64} {
  func.func @body(%arg0: i32, %arg1: i32, %arg2: memref<10000x128xf32, #tpu.memory_space<hbm>>, %arg3: memref<10000x128xf32, #tpu.memory_space<hbm>>, %arg4: memref<16x106x96xi32, #tpu.memory_space<hbm>>, %arg5: memref<16x106x96xi32, #tpu.memory_space<hbm>>, %arg6: memref<10240x128xf32, #tpu.memory_space<hbm>>, %arg7: memref<10240x128xf32, #tpu.memory_space<hbm>>, %arg8: memref<10240x128xf32, #tpu.memory_space<vmem_shared>>, %arg9: memref<10240xf32, #tpu.memory_space<vmem_shared>>, %arg10: memref<106x96xi32, #tpu.memory_space<vmem>>, %arg11: memref<106x96xi32, #tpu.memory_space<vmem>>, %arg12: memref<!tpu.dma_semaphore, #tpu.memory_space<semaphore_mem>>, %arg13: memref<!tpu.dma_semaphore, #tpu.memory_space<semaphore_mem>>, %arg14: memref<!tpu.dma_semaphore, #tpu.memory_space<semaphore_mem>>, %arg15: memref<!tpu.dma_semaphore, #tpu.memory_space<semaphore_mem>>) attributes {dimension_semantics = [#tpu.dimension_semantics<core_parallel>, #tpu.dimension_semantics<subcore_parallel>], iteration_bounds = array<i64: 2, 16>, scalar_prefetch = 0 : i64, scratch_operands = 8 : i64, tpu.core_type = #tpu.core_type<sc_vector_subcore>, window_params = [{transform_indices = #map}, {transform_indices = #map}, {transform_indices = #map1}, {transform_indices = #map1}, {transform_indices = #map}, {transform_indices = #map}]} {
    %mul3A = arith.constant 640 : i32
    %mul3A_0 = arith.muli %arg1, %mul3A : i32
    "tpu.region"() ({
      %run_scoped3A = memref.alloca() : memref<96x128xf32, #tpu.memory_space<vmem>>
      %run_scoped3A_8 = memref.alloca() : memref<96x128xf32, #tpu.memory_space<vmem>>
      %run_scoped3A_9 = memref.alloca() : memref<96xf32, #tpu.memory_space<vmem>>
      %run_scoped3A_10 = memref.alloca() : memref<640xf32, #tpu.memory_space<vmem>>
      %broadcast_in_dim3A = arith.constant 0.000000e+00 : f32
      %broadcast_in_dim3A_11 = vector.broadcast %broadcast_in_dim3A : f32 to vector<16xf32>
      %scan3A = arith.constant 0 : i32
      %scan3A_12 = arith.constant 0 : i32
      %scan3A_13 = arith.constant 96 : i32
      %scan3A_14 = arith.addi %scan3A_12, %scan3A_13 : i32
      %scan3A_15 = arith.constant 1 : i32
      scf.for %scan3A_42 = %scan3A_12 to %scan3A_14 step %scan3A_15  : i32 {
        %swap3A = arith.index_cast %scan3A_42 : i32 to index
        %swap3A_43 = arith.constant 0 : index
        %swap3A_44 = tpu.vector_load %run_scoped3A[%swap3A, %swap3A_43] {strides = array<i32>} : memref<96x128xf32, #tpu.memory_space<vmem>>, vector<1x16xf32>,
        %swap3A_45 = vector.shape_cast %swap3A_44 : vector<1x16xf32> to vector<16xf32>
        %swap3A_46 = vector.shape_cast %broadcast_in_dim3A_11 : vector<16xf32> to vector<1x16xf32>
        tpu.vector_store %run_scoped3A[%swap3A, %swap3A_43], %swap3A_46 {strides = array<i32>} : memref<96x128xf32, #tpu.memory_space<vmem>>, vector<1x16xf32>,
        %swap3A_47 = arith.index_cast %scan3A_42 : i32 to index
        %swap3A_48 = arith.constant 16 : index
        %swap3A_49 = tpu.vector_load %run_scoped3A[%swap3A_47, %swap3A_48] {strides = array<i32>} : memref<96x128xf32, #tpu.memory_space<vmem>>, vector<1x16xf32>,
        %swap3A_50 = vector.shape_cast %swap3A_49 : vector<1x16xf32> to vector<16xf32>
        %swap3A_51 = vector.shape_cast %broadcast_in_dim3A_11 : vector<16xf32> to vector<1x16xf32>
        tpu.vector_store %run_scoped3A[%swap3A_47, %swap3A_48], %swap3A_51 {strides = array<i32>} : memref<96x128xf32, #tpu.memory_space<vmem>>, vector<1x16xf32>,
        %swap3A_52 = arith.index_cast %scan3A_42 : i32 to index
        %swap3A_53 = arith.constant 32 : index
        %swap3A_54 = tpu.vector_load %run_scoped3A[%swap3A_52, %swap3A_53] {strides = array<i32>} : memref<96x128xf32, #tpu.memory_space<vmem>>, vector<1x16xf32>,
        %swap3A_55 = vector.shape_cast %swap3A_54 : vector<1x16xf32> to vector<16xf32>
        %swap3A_56 = vector.shape_cast %broadcast_in_dim3A_11 : vector<16xf32> to vector<1x16xf32>
        tpu.vector_store %run_scoped3A[%swap3A_52, %swap3A_53], %swap3A_56 {strides = array<i32>} : memref<96x128xf32, #tpu.memory_space<vmem>>, vector<1x16xf32>,
        %swap3A_57 = arith.index_cast %scan3A_42 : i32 to index
        %swap3A_58 = arith.constant 48 : index
        %swap3A_59 = tpu.vector_load %run_scoped3A[%swap3A_57, %swap3A_58] {strides = array<i32>} : memref<96x128xf32, #tpu.memory_space<vmem>>, vector<1x16xf32>,
        %swap3A_60 = vector.shape_cast %swap3A_59 : vector<1x16xf32> to vector<16xf32>
        %swap3A_61 = vector.shape_cast %broadcast_in_dim3A_11 : vector<16xf32> to vector<1x16xf32>
        tpu.vector_store %run_scoped3A[%swap3A_57, %swap3A_58], %swap3A_61 {strides = array<i32>} : memref<96x128xf32, #tpu.memory_space<vmem>>, vector<1x16xf32>,
        %swap3A_62 = arith.index_cast %scan3A_42 : i32 to index
        %swap3A_63 = arith.constant 64 : index
        %swap3A_64 = tpu.vector_load %run_scoped3A[%swap3A_62, %swap3A_63] {strides = array<i32>} : memref<96x128xf32, #tpu.memory_space<vmem>>, vector<1x16xf32>,
        %swap3A_65 = vector.shape_cast %swap3A_64 : vector<1x16xf32> to vector<16xf32>
        %swap3A_66 = vector.shape_cast %broadcast_in_dim3A_11 : vector<16xf32> to vector<1x16xf32>
        tpu.vector_store %run_scoped3A[%swap3A_62, %swap3A_63], %swap3A_66 {strides = array<i32>} : memref<96x128xf32, #tpu.memory_space<vmem>>, vector<1x16xf32>,
        %swap3A_67 = arith.index_cast %scan3A_42 : i32 to index
        %swap3A_68 = arith.constant 80 : index
        %swap3A_69 = tpu.vector_load %run_scoped3A[%swap3A_67, %swap3A_68] {strides = array<i32>} : memref<96x128xf32, #tpu.memory_space<vmem>>, vector<1x16xf32>,
        %swap3A_70 = vector.shape_cast %swap3A_69 : vector<1x16xf32> to vector<16xf32>
        %swap3A_71 = vector.shape_cast %broadcast_in_dim3A_11 : vector<16xf32> to vector<1x16xf32>
        tpu.vector_store %run_scoped3A[%swap3A_67, %swap3A_68], %swap3A_71 {strides = array<i32>} : memref<96x128xf32, #tpu.memory_space<vmem>>, vector<1x16xf32>,
        %swap3A_72 = arith.index_cast %scan3A_42 : i32 to index
        %swap3A_73 = arith.constant 96 : index
        %swap3A_74 = tpu.vector_load %run_scoped3A[%swap3A_72, %swap3A_73] {strides = array<i32>} : memref<96x128xf32, #tpu.memory_space<vmem>>, vector<1x16xf32>,
        %swap3A_75 = vector.shape_cast %swap3A_74 : vector<1x16xf32> to vector<16xf32>
        %swap3A_76 = vector.shape_cast %broadcast_in_dim3A_11 : vector<16xf32> to vector<1x16xf32>
        tpu.vector_store %run_scoped3A[%swap3A_72, %swap3A_73], %swap3A_76 {strides = array<i32>} : memref<96x128xf32, #tpu.memory_space<vmem>>, vector<1x16xf32>,
        %swap3A_77 = arith.index_cast %scan3A_42 : i32 to index
        %swap3A_78 = arith.constant 112 : index
        %swap3A_79 = tpu.vector_load %run_scoped3A[%swap3A_77, %swap3A_78] {strides = array<i32>} : memref<96x128xf32, #tpu.memory_space<vmem>>, vector<1x16xf32>,
        %swap3A_80 = vector.shape_cast %swap3A_79 : vector<1x16xf32> to vector<16xf32>
        %swap3A_81 = vector.shape_cast %broadcast_in_dim3A_11 : vector<16xf32> to vector<1x16xf32>
        tpu.vector_store %run_scoped3A[%swap3A_77, %swap3A_78], %swap3A_81 {strides = array<i32>} : memref<96x128xf32, #tpu.memory_space<vmem>>, vector<1x16xf32>,
      }
      %scan3A_16 = arith.constant 96 : i32
      %add3A = arith.constant 0 : i32
      %add3A_17 = arith.addi %mul3A_0, %add3A : i32
      "tpu.region"() ({
        %run_scoped3A_42 = tpu.sem_alloc : memref<!tpu.dma_semaphore, #tpu.memory_space<semaphore_mem>>
        %dma_start3A = arith.constant 0 : i32
        %dma_start3A_43 = tpu.memref_slice %arg8[%add3A_17, %dma_start3A] : memref<10240x128xf32, #tpu.memory_space<vmem_shared>> -> memref<96x128xf32, #tpu.memory_space<vmem_shared>>
        %dma_start3A_44 = arith.constant 0 : i32
        %dma_start3A_45 = tpu.memref_slice %arg8[%add3A_17, %dma_start3A_44] : memref<10240x128xf32, #tpu.memory_space<vmem_shared>> -> memref<96x128xf32, #tpu.memory_space<vmem_shared>>
        tpu.enqueue_dma source(%run_scoped3A : memref<96x128xf32, #tpu.memory_space<vmem>>) target(%dma_start3A_45 : memref<96x128xf32, #tpu.memory_space<vmem_shared>>) target_semaphore(%run_scoped3A_42 : memref<!tpu.dma_semaphore, #tpu.memory_space<semaphore_mem>>)
        %dma_wait3A = arith.constant 0 : i32
        %dma_wait3A_46 = tpu.memref_slice %arg8[%add3A_17, %dma_wait3A] : memref<10240x128xf32, #tpu.memory_space<vmem_shared>> -> memref<96x128xf32, #tpu.memory_space<vmem_shared>>
        %dma_wait3A_47 = arith.constant 0 : i32
        %dma_wait3A_48 = tpu.memref_slice %arg8[%add3A_17, %dma_wait3A_47] : memref<10240x128xf32, #tpu.memory_space<vmem_shared>> -> memref<96x128xf32, #tpu.memory_space<vmem_shared>>
        tpu.wait_dma2 semaphore(%run_scoped3A_42 : memref<!tpu.dma_semaphore, #tpu.memory_space<semaphore_mem>>) src(%run_scoped3A : memref<96x128xf32, #tpu.memory_space<vmem>>) dst(%dma_wait3A_48 : memref<96x128xf32, #tpu.memory_space<vmem_shared>>)
        tpu.yield
      }) : () -> ()
      %add3A_18 = arith.constant 96 : i32
      %add3A_19 = arith.addi %mul3A_0, %add3A_18 : i32
      "tpu.region"() ({
        %run_scoped3A_42 = tpu.sem_alloc : memref<!tpu.dma_semaphore, #tpu.memory_space<semaphore_mem>>
        %dma_start3A = arith.constant 0 : i32
        %dma_start3A_43 = tpu.memref_slice %arg8[%add3A_19, %dma_start3A] : memref<10240x128xf32, #tpu.memory_space<vmem_shared>> -> memref<96x128xf32, #tpu.memory_space<vmem_shared>>
        %dma_start3A_44 = arith.constant 0 : i32
        %dma_start3A_45 = tpu.memref_slice %arg8[%add3A_19, %dma_start3A_44] : memref<10240x128xf32, #tpu.memory_space<vmem_shared>> -> memref<96x128xf32, #tpu.memory_space<vmem_shared>>
        tpu.enqueue_dma source(%run_scoped3A : memref<96x128xf32, #tpu.memory_space<vmem>>) target(%dma_start3A_45 : memref<96x128xf32, #tpu.memory_space<vmem_shared>>) target_semaphore(%run_scoped3A_42 : memref<!tpu.dma_semaphore, #tpu.memory_space<semaphore_mem>>)
        %dma_wait3A = arith.constant 0 : i32
        %dma_wait3A_46 = tpu.memref_slice %arg8[%add3A_19, %dma_wait3A] : memref<10240x128xf32, #tpu.memory_space<vmem_shared>> -> memref<96x128xf32, #tpu.memory_space<vmem_shared>>
        %dma_wait3A_47 = arith.constant 0 : i32
        %dma_wait3A_48 = tpu.memref_slice %arg8[%add3A_19, %dma_wait3A_47] : memref<10240x128xf32, #tpu.memory_space<vmem_shared>> -> memref<96x128xf32, #tpu.memory_space<vmem_shared>>
        tpu.wait_dma2 semaphore(%run_scoped3A_42 : memref<!tpu.dma_semaphore, #tpu.memory_space<semaphore_mem>>) src(%run_scoped3A : memref<96x128xf32, #tpu.memory_space<vmem>>) dst(%dma_wait3A_48 : memref<96x128xf32, #tpu.memory_space<vmem_shared>>)
        tpu.yield
      }) : () -> ()
      %add3A_20 = arith.constant 192 : i32
      %add3A_21 = arith.addi %mul3A_0, %add3A_20 : i32
      "tpu.region"() ({
        %run_scoped3A_42 = tpu.sem_alloc : memref<!tpu.dma_semaphore, #tpu.memory_space<semaphore_mem>>
        %dma_start3A = arith.constant 0 : i32
        %dma_start3A_43 = tpu.memref_slice %arg8[%add3A_21, %dma_start3A] : memref<10240x128xf32, #tpu.memory_space<vmem_shared>> -> memref<96x128xf32, #tpu.memory_space<vmem_shared>>
        %dma_start3A_44 = arith.constant 0 : i32
        %dma_start3A_45 = tpu.memref_slice %arg8[%add3A_21, %dma_start3A_44] : memref<10240x128xf32, #tpu.memory_space<vmem_shared>> -> memref<96x128xf32, #tpu.memory_space<vmem_shared>>
        tpu.enqueue_dma source(%run_scoped3A : memref<96x128xf32, #tpu.memory_space<vmem>>) target(%dma_start3A_45 : memref<96x128xf32, #tpu.memory_space<vmem_shared>>) target_semaphore(%run_scoped3A_42 : memref<!tpu.dma_semaphore, #tpu.memory_space<semaphore_mem>>)
        %dma_wait3A = arith.constant 0 : i32
        %dma_wait3A_46 = tpu.memref_slice %arg8[%add3A_21, %dma_wait3A] : memref<10240x128xf32, #tpu.memory_space<vmem_shared>> -> memref<96x128xf32, #tpu.memory_space<vmem_shared>>
        %dma_wait3A_47 = arith.constant 0 : i32
        %dma_wait3A_48 = tpu.memref_slice %arg8[%add3A_21, %dma_wait3A_47] : memref<10240x128xf32, #tpu.memory_space<vmem_shared>> -> memref<96x128xf32, #tpu.memory_space<vmem_shared>>
        tpu.wait_dma2 semaphore(%run_scoped3A_42 : memref<!tpu.dma_semaphore, #tpu.memory_space<semaphore_mem>>) src(%run_scoped3A : memref<96x128xf32, #tpu.memory_space<vmem>>) dst(%dma_wait3A_48 : memref<96x128xf32, #tpu.memory_space<vmem_shared>>)
        tpu.yield
      }) : () -> ()
      %add3A_22 = arith.constant 288 : i32
      %add3A_23 = arith.addi %mul3A_0, %add3A_22 : i32
      "tpu.region"() ({
        %run_scoped3A_42 = tpu.sem_alloc : memref<!tpu.dma_semaphore, #tpu.memory_space<semaphore_mem>>
        %dma_start3A = arith.constant 0 : i32
        %dma_start3A_43 = tpu.memref_slice %arg8[%add3A_23, %dma_start3A] : memref<10240x128xf32, #tpu.memory_space<vmem_shared>> -> memref<96x128xf32, #tpu.memory_space<vmem_shared>>
        %dma_start3A_44 = arith.constant 0 : i32
        %dma_start3A_45 = tpu.memref_slice %arg8[%add3A_23, %dma_start3A_44] : memref<10240x128xf32, #tpu.memory_space<vmem_shared>> -> memref<96x128xf32, #tpu.memory_space<vmem_shared>>
        tpu.enqueue_dma source(%run_scoped3A : memref<96x128xf32, #tpu.memory_space<vmem>>) target(%dma_start3A_45 : memref<96x128xf32, #tpu.memory_space<vmem_shared>>) target_semaphore(%run_scoped3A_42 : memref<!tpu.dma_semaphore, #tpu.memory_space<semaphore_mem>>)
        %dma_wait3A = arith.constant 0 : i32
        %dma_wait3A_46 = tpu.memref_slice %arg8[%add3A_23, %dma_wait3A] : memref<10240x128xf32, #tpu.memory_space<vmem_shared>> -> memref<96x128xf32, #tpu.memory_space<vmem_shared>>
        %dma_wait3A_47 = arith.constant 0 : i32
        %dma_wait3A_48 = tpu.memref_slice %arg8[%add3A_23, %dma_wait3A_47] : memref<10240x128xf32, #tpu.memory_space<vmem_shared>> -> memref<96x128xf32, #tpu.memory_space<vmem_shared>>
        tpu.wait_dma2 semaphore(%run_scoped3A_42 : memref<!tpu.dma_semaphore, #tpu.memory_space<semaphore_mem>>) src(%run_scoped3A : memref<96x128xf32, #tpu.memory_space<vmem>>) dst(%dma_wait3A_48 : memref<96x128xf32, #tpu.memory_space<vmem_shared>>)
        tpu.yield
      }) : () -> ()
      %add3A_24 = arith.constant 384 : i32
      %add3A_25 = arith.addi %mul3A_0, %add3A_24 : i32
      "tpu.region"() ({
        %run_scoped3A_42 = tpu.sem_alloc : memref<!tpu.dma_semaphore, #tpu.memory_space<semaphore_mem>>
        %dma_start3A = arith.constant 0 : i32
        %dma_start3A_43 = tpu.memref_slice %arg8[%add3A_25, %dma_start3A] : memref<10240x128xf32, #tpu.memory_space<vmem_shared>> -> memref<96x128xf32, #tpu.memory_space<vmem_shared>>
        %dma_start3A_44 = arith.constant 0 : i32
        %dma_start3A_45 = tpu.memref_slice %arg8[%add3A_25, %dma_start3A_44] : memref<10240x128xf32, #tpu.memory_space<vmem_shared>> -> memref<96x128xf32, #tpu.memory_space<vmem_shared>>
        tpu.enqueue_dma source(%run_scoped3A : memref<96x128xf32, #tpu.memory_space<vmem>>) target(%dma_start3A_45 : memref<96x128xf32, #tpu.memory_space<vmem_shared>>) target_semaphore(%run_scoped3A_42 : memref<!tpu.dma_semaphore, #tpu.memory_space<semaphore_mem>>)
        %dma_wait3A = arith.constant 0 : i32
        %dma_wait3A_46 = tpu.memref_slice %arg8[%add3A_25, %dma_wait3A] : memref<10240x128xf32, #tpu.memory_space<vmem_shared>> -> memref<96x128xf32, #tpu.memory_space<vmem_shared>>
        %dma_wait3A_47 = arith.constant 0 : i32
        %dma_wait3A_48 = tpu.memref_slice %arg8[%add3A_25, %dma_wait3A_47] : memref<10240x128xf32, #tpu.memory_space<vmem_shared>> -> memref<96x128xf32, #tpu.memory_space<vmem_shared>>
        tpu.wait_dma2 semaphore(%run_scoped3A_42 : memref<!tpu.dma_semaphore, #tpu.memory_space<semaphore_mem>>) src(%run_scoped3A : memref<96x128xf32, #tpu.memory_space<vmem>>) dst(%dma_wait3A_48 : memref<96x128xf32, #tpu.memory_space<vmem_shared>>)
        tpu.yield
      }) : () -> ()
      %add3A_26 = arith.constant 480 : i32
      %add3A_27 = arith.addi %mul3A_0, %add3A_26 : i32
      "tpu.region"() ({
        %run_scoped3A_42 = tpu.sem_alloc : memref<!tpu.dma_semaphore, #tpu.memory_space<semaphore_mem>>
        %dma_start3A = arith.constant 0 : i32
        %dma_start3A_43 = tpu.memref_slice %arg8[%add3A_27, %dma_start3A] : memref<10240x128xf32, #tpu.memory_space<vmem_shared>> -> memref<96x128xf32, #tpu.memory_space<vmem_shared>>
        %dma_start3A_44 = arith.constant 0 : i32
        %dma_start3A_45 = tpu.memref_slice %arg8[%add3A_27, %dma_start3A_44] : memref<10240x128xf32, #tpu.memory_space<vmem_shared>> -> memref<96x128xf32, #tpu.memory_space<vmem_shared>>
        tpu.enqueue_dma source(%run_scoped3A : memref<96x128xf32, #tpu.memory_space<vmem>>) target(%dma_start3A_45 : memref<96x128xf32, #tpu.memory_space<vmem_shared>>) target_semaphore(%run_scoped3A_42 : memref<!tpu.dma_semaphore, #tpu.memory_space<semaphore_mem>>)
        %dma_wait3A = arith.constant 0 : i32
        %dma_wait3A_46 = tpu.memref_slice %arg8[%add3A_27, %dma_wait3A] : memref<10240x128xf32, #tpu.memory_space<vmem_shared>> -> memref<96x128xf32, #tpu.memory_space<vmem_shared>>
        %dma_wait3A_47 = arith.constant 0 : i32
        %dma_wait3A_48 = tpu.memref_slice %arg8[%add3A_27, %dma_wait3A_47] : memref<10240x128xf32, #tpu.memory_space<vmem_shared>> -> memref<96x128xf32, #tpu.memory_space<vmem_shared>>
        tpu.wait_dma2 semaphore(%run_scoped3A_42 : memref<!tpu.dma_semaphore, #tpu.memory_space<semaphore_mem>>) src(%run_scoped3A : memref<96x128xf32, #tpu.memory_space<vmem>>) dst(%dma_wait3A_48 : memref<96x128xf32, #tpu.memory_space<vmem_shared>>)
        tpu.yield
      }) : () -> ()
      %add3A_28 = arith.constant 640 : i32
      %add3A_29 = arith.addi %mul3A_0, %add3A_28 : i32
      %sub3A = arith.constant 64 : i32
      %sub3A_30 = arith.subi %add3A_29, %sub3A : i32
      "tpu.region"() ({
        %run_scoped3A_42 = tpu.sem_alloc : memref<!tpu.dma_semaphore, #tpu.memory_space<semaphore_mem>>
        %dma_start3A = arith.constant 0 : i32
        %dma_start3A_43 = arith.constant 0 : i32
        %dma_start3A_44 = tpu.memref_slice %run_scoped3A[%dma_start3A, %dma_start3A_43] : memref<96x128xf32, #tpu.memory_space<vmem>> -> memref<64x128xf32, #tpu.memory_space<vmem>>
        %dma_start3A_45 = arith.constant 0 : i32
        %dma_start3A_46 = tpu.memref_slice %arg8[%sub3A_30, %dma_start3A_45] : memref<10240x128xf32, #tpu.memory_space<vmem_shared>> -> memref<64x128xf32, #tpu.memory_space<vmem_shared>>
        %dma_start3A_47 = arith.constant 0 : i32
        %dma_start3A_48 = tpu.memref_slice %arg8[%sub3A_30, %dma_start3A_47] : memref<10240x128xf32, #tpu.memory_space<vmem_shared>> -> memref<64x128xf32, #tpu.memory_space<vmem_shared>>
        %dma_start3A_49 = arith.constant 0 : i32
        %dma_start3A_50 = arith.constant 0 : i32
        %dma_start3A_51 = tpu.memref_slice %run_scoped3A[%dma_start3A_49, %dma_start3A_50] : memref<96x128xf32, #tpu.memory_space<vmem>> -> memref<64x128xf32, #tpu.memory_space<vmem>>
        tpu.enqueue_dma source(%dma_start3A_51 : memref<64x128xf32, #tpu.memory_space<vmem>>) target(%dma_start3A_48 : memref<64x128xf32, #tpu.memory_space<vmem_shared>>) target_semaphore(%run_scoped3A_42 : memref<!tpu.dma_semaphore, #tpu.memory_space<semaphore_mem>>)
        %dma_wait3A = arith.constant 0 : i32
        %dma_wait3A_52 = arith.constant 0 : i32
        %dma_wait3A_53 = tpu.memref_slice %run_scoped3A[%dma_wait3A, %dma_wait3A_52] : memref<96x128xf32, #tpu.memory_space<vmem>> -> memref<64x128xf32, #tpu.memory_space<vmem>>
        %dma_wait3A_54 = arith.constant 0 : i32
        %dma_wait3A_55 = tpu.memref_slice %arg8[%sub3A_30, %dma_wait3A_54] : memref<10240x128xf32, #tpu.memory_space<vmem_shared>> -> memref<64x128xf32, #tpu.memory_space<vmem_shared>>
        %dma_wait3A_56 = arith.constant 0 : i32
        %dma_wait3A_57 = tpu.memref_slice %arg8[%sub3A_30, %dma_wait3A_56] : memref<10240x128xf32, #tpu.memory_space<vmem_shared>> -> memref<64x128xf32, #tpu.memory_space<vmem_shared>>
        %dma_wait3A_58 = arith.constant 0 : i32
        %dma_wait3A_59 = arith.constant 0 : i32
        %dma_wait3A_60 = tpu.memref_slice %run_scoped3A[%dma_wait3A_58, %dma_wait3A_59] : memref<96x128xf32, #tpu.memory_space<vmem>> -> memref<64x128xf32, #tpu.memory_space<vmem>>
        tpu.wait_dma2 semaphore(%run_scoped3A_42 : memref<!tpu.dma_semaphore, #tpu.memory_space<semaphore_mem>>) src(%dma_wait3A_60 : memref<64x128xf32, #tpu.memory_space<vmem>>) dst(%dma_wait3A_57 : memref<64x128xf32, #tpu.memory_space<vmem_shared>>)
        tpu.yield
      }) : () -> ()
      "tpu.region"() ({
        %run_scoped3A_42 = tpu.sem_alloc : memref<!tpu.dma_semaphore, #tpu.memory_space<semaphore_mem>>
        %dma_start3A = arith.constant 0 : i32
        %dma_start3A_43 = arith.constant 0 : i32
        %dma_start3A_44 = tpu.memref_slice %arg4[%arg1, %dma_start3A, %dma_start3A_43] : memref<16x106x96xi32, #tpu.memory_space<hbm>> -> memref<1x106x96xi32, #tpu.memory_space<hbm>>
        %dma_start3A_45 = tpu.memref_squeeze %dma_start3A_44 : memref<1x106x96xi32, #tpu.memory_space<hbm>> -> memref<106x96xi32, #tpu.memory_space<hbm>>
        %dma_start3A_46 = arith.constant 0 : i32
        %dma_start3A_47 = arith.constant 0 : i32
        %dma_start3A_48 = tpu.memref_slice %arg4[%arg1, %dma_start3A_46, %dma_start3A_47] : memref<16x106x96xi32, #tpu.memory_space<hbm>> -> memref<1x106x96xi32, #tpu.memory_space<hbm>>
        %dma_start3A_49 = tpu.memref_squeeze %dma_start3A_48 : memref<1x106x96xi32, #tpu.memory_space<hbm>> -> memref<106x96xi32, #tpu.memory_space<hbm>>
        tpu.enqueue_dma source(%dma_start3A_49 : memref<106x96xi32, #tpu.memory_space<hbm>>) target(%arg10 : memref<106x96xi32, #tpu.memory_space<vmem>>) target_semaphore(%run_scoped3A_42 : memref<!tpu.dma_semaphore, #tpu.memory_space<semaphore_mem>>)
        %dma_wait3A = arith.constant 0 : i32
        %dma_wait3A_50 = arith.constant 0 : i32
        %dma_wait3A_51 = tpu.memref_slice %arg4[%arg1, %dma_wait3A, %dma_wait3A_50] : memref<16x106x96xi32, #tpu.memory_space<hbm>> -> memref<1x106x96xi32, #tpu.memory_space<hbm>>
        %dma_wait3A_52 = tpu.memref_squeeze %dma_wait3A_51 : memref<1x106x96xi32, #tpu.memory_space<hbm>> -> memref<106x96xi32, #tpu.memory_space<hbm>>
        %dma_wait3A_53 = arith.constant 0 : i32
        %dma_wait3A_54 = arith.constant 0 : i32
        %dma_wait3A_55 = tpu.memref_slice %arg4[%arg1, %dma_wait3A_53, %dma_wait3A_54] : memref<16x106x96xi32, #tpu.memory_space<hbm>> -> memref<1x106x96xi32, #tpu.memory_space<hbm>>
        %dma_wait3A_56 = tpu.memref_squeeze %dma_wait3A_55 : memref<1x106x96xi32, #tpu.memory_space<hbm>> -> memref<106x96xi32, #tpu.memory_space<hbm>>
        tpu.wait_dma2 semaphore(%run_scoped3A_42 : memref<!tpu.dma_semaphore, #tpu.memory_space<semaphore_mem>>) src(%dma_wait3A_56 : memref<106x96xi32, #tpu.memory_space<hbm>>) dst(%arg10 : memref<106x96xi32, #tpu.memory_space<vmem>>)
        tpu.yield
      }) : () -> ()
      "tpu.region"() ({
        %run_scoped3A_42 = tpu.sem_alloc : memref<!tpu.dma_semaphore, #tpu.memory_space<semaphore_mem>>
        %dma_start3A = arith.constant 0 : i32
        %dma_start3A_43 = arith.constant 0 : i32
        %dma_start3A_44 = tpu.memref_slice %arg5[%arg1, %dma_start3A, %dma_start3A_43] : memref<16x106x96xi32, #tpu.memory_space<hbm>> -> memref<1x106x96xi32, #tpu.memory_space<hbm>>
        %dma_start3A_45 = tpu.memref_squeeze %dma_start3A_44 : memref<1x106x96xi32, #tpu.memory_space<hbm>> -> memref<106x96xi32, #tpu.memory_space<hbm>>
        %dma_start3A_46 = arith.constant 0 : i32
        %dma_start3A_47 = arith.constant 0 : i32
        %dma_start3A_48 = tpu.memref_slice %arg5[%arg1, %dma_start3A_46, %dma_start3A_47] : memref<16x106x96xi32, #tpu.memory_space<hbm>> -> memref<1x106x96xi32, #tpu.memory_space<hbm>>
        %dma_start3A_49 = tpu.memref_squeeze %dma_start3A_48 : memref<1x106x96xi32, #tpu.memory_space<hbm>> -> memref<106x96xi32, #tpu.memory_space<hbm>>
        tpu.enqueue_dma source(%dma_start3A_49 : memref<106x96xi32, #tpu.memory_space<hbm>>) target(%arg11 : memref<106x96xi32, #tpu.memory_space<vmem>>) target_semaphore(%run_scoped3A_42 : memref<!tpu.dma_semaphore, #tpu.memory_space<semaphore_mem>>)
        %dma_wait3A = arith.constant 0 : i32
        %dma_wait3A_50 = arith.constant 0 : i32
        %dma_wait3A_51 = tpu.memref_slice %arg5[%arg1, %dma_wait3A, %dma_wait3A_50] : memref<16x106x96xi32, #tpu.memory_space<hbm>> -> memref<1x106x96xi32, #tpu.memory_space<hbm>>
        %dma_wait3A_52 = tpu.memref_squeeze %dma_wait3A_51 : memref<1x106x96xi32, #tpu.memory_space<hbm>> -> memref<106x96xi32, #tpu.memory_space<hbm>>
        %dma_wait3A_53 = arith.constant 0 : i32
        %dma_wait3A_54 = arith.constant 0 : i32
        %dma_wait3A_55 = tpu.memref_slice %arg5[%arg1, %dma_wait3A_53, %dma_wait3A_54] : memref<16x106x96xi32, #tpu.memory_space<hbm>> -> memref<1x106x96xi32, #tpu.memory_space<hbm>>
        %dma_wait3A_56 = tpu.memref_squeeze %dma_wait3A_55 : memref<1x106x96xi32, #tpu.memory_space<hbm>> -> memref<106x96xi32, #tpu.memory_space<hbm>>
        tpu.wait_dma2 semaphore(%run_scoped3A_42 : memref<!tpu.dma_semaphore, #tpu.memory_space<semaphore_mem>>) src(%dma_wait3A_56 : memref<106x96xi32, #tpu.memory_space<hbm>>) dst(%arg11 : memref<106x96xi32, #tpu.memory_space<vmem>>)
        tpu.yield
      }) : () -> ()
      %barrier3A_31 = arith.constant 0 : index
      tpu.barrier barrier_id(%barrier3A_31)
      %eq3A_32 = arith.constant 0 : i32
      %eq3A_33 = arith.cmpi eq, %arg0, %eq3A_32 : i32
      %convert_element_type3A_34 = arith.extui %eq3A_33 : i1 to i32
      %cond3A_35 = arith.constant 0 : i32
      %cond3A_36 = arith.cmpi ne, %convert_element_type3A_34, %cond3A_35 : i32
      scf.if %cond3A_36 {
        %dma_start3A = arith.constant 0 : i32
        %dma_start3A_42 = arith.constant 0 : i32
        %dma_start3A_43 = tpu.memref_slice %arg10[%dma_start3A, %dma_start3A_42] : memref<106x96xi32, #tpu.memory_space<vmem>> -> memref<1x96xi32, #tpu.memory_space<vmem>>
        %dma_start3A_44 = tpu.memref_squeeze %dma_start3A_43 : memref<1x96xi32, #tpu.memory_space<vmem>> -> memref<96xi32, #tpu.memory_space<vmem>>
        %dma_start3A_45 = arith.constant 0 : i32
        %dma_start3A_46 = arith.constant 0 : i32
        %dma_start3A_47 = tpu.memref_slice %arg2[%dma_start3A_45, %dma_start3A_46] : memref<10000x128xf32, #tpu.memory_space<hbm>> -> memref<10000x128xf32, #tpu.memory_space<hbm>>
        tpu.enqueue_indirect_dma source(%dma_start3A_47 : memref<10000x128xf32, #tpu.memory_space<hbm>>) target(%run_scoped3A : memref<96x128xf32, #tpu.memory_space<vmem>>) offsets(%dma_start3A_44 : memref<96xi32, #tpu.memory_space<vmem>>) semaphore(%arg12 : memref<!tpu.dma_semaphore, #tpu.memory_space<semaphore_mem>>)
        %dma_wait3A = arith.constant 0 : i32
        %dma_wait3A_48 = arith.constant 0 : i32
        %dma_wait3A_49 = tpu.memref_slice %arg10[%dma_wait3A, %dma_wait3A_48] : memref<106x96xi32, #tpu.memory_space<vmem>> -> memref<1x96xi32, #tpu.memory_space<vmem>>
        %dma_wait3A_50 = tpu.memref_squeeze %dma_wait3A_49 : memref<1x96xi32, #tpu.memory_space<vmem>> -> memref<96xi32, #tpu.memory_space<vmem>>
        %dma_wait3A_51 = arith.constant 0 : i32
        %dma_wait3A_52 = arith.constant 0 : i32
        %dma_wait3A_53 = tpu.memref_slice %arg2[%dma_wait3A_51, %dma_wait3A_52] : memref<10000x128xf32, #tpu.memory_space<hbm>> -> memref<10000x128xf32, #tpu.memory_space<hbm>>
        tpu.wait_indirect_dma semaphore(%arg12 : memref<!tpu.dma_semaphore, #tpu.memory_space<semaphore_mem>>) src(%dma_wait3A_53 : memref<10000x128xf32, #tpu.memory_space<hbm>>) dst(%run_scoped3A : memref<96x128xf32, #tpu.memory_space<vmem>>)
        %dma_start3A_54 = arith.constant 0 : i32
        %dma_start3A_55 = arith.constant 0 : i32
        %dma_start3A_56 = tpu.memref_slice %arg11[%dma_start3A_54, %dma_start3A_55] : memref<106x96xi32, #tpu.memory_space<vmem>> -> memref<1x96xi32, #tpu.memory_space<vmem>>
        %dma_start3A_57 = tpu.memref_squeeze %dma_start3A_56 : memref<1x96xi32, #tpu.memory_space<vmem>> -> memref<96xi32, #tpu.memory_space<vmem>>
        %dma_start3A_58 = arith.constant 0 : i32
        %dma_start3A_59 = arith.constant 0 : i32
        %dma_start3A_60 = tpu.memref_slice %arg8[%dma_start3A_58, %dma_start3A_59] : memref<10240x128xf32, #tpu.memory_space<vmem_shared>> -> memref<10240x128xf32, #tpu.memory_space<vmem_shared>>
        tpu.enqueue_indirect_dma source(%run_scoped3A : memref<96x128xf32, #tpu.memory_space<vmem>>) target(%dma_start3A_60 : memref<10240x128xf32, #tpu.memory_space<vmem_shared>>) offsets(%dma_start3A_57 : memref<96xi32, #tpu.memory_space<vmem>>) semaphore(%arg14 : memref<!tpu.dma_semaphore, #tpu.memory_space<semaphore_mem>>) {add = true}
        %dma_start3A_61 = arith.constant 1 : i32
        %dma_start3A_62 = arith.constant 0 : i32
        %dma_start3A_63 = tpu.memref_slice %arg10[%dma_start3A_61, %dma_start3A_62] : memref<106x96xi32, #tpu.memory_space<vmem>> -> memref<1x96xi32, #tpu.memory_space<vmem>>
        %dma_start3A_64 = tpu.memref_squeeze %dma_start3A_63 : memref<1x96xi32, #tpu.memory_space<vmem>> -> memref<96xi32, #tpu.memory_space<vmem>>
        %dma_start3A_65 = arith.constant 0 : i32
        %dma_start3A_66 = arith.constant 0 : i32
        %dma_start3A_67 = tpu.memref_slice %arg2[%dma_start3A_65, %dma_start3A_66] : memref<10000x128xf32, #tpu.memory_space<hbm>> -> memref<10000x128xf32, #tpu.memory_space<hbm>>
        tpu.enqueue_indirect_dma source(%dma_start3A_67 : memref<10000x128xf32, #tpu.memory_space<hbm>>) target(%run_scoped3A_8 : memref<96x128xf32, #tpu.memory_space<vmem>>) offsets(%dma_start3A_64 : memref<96xi32, #tpu.memory_space<vmem>>) semaphore(%arg13 : memref<!tpu.dma_semaphore, #tpu.memory_space<semaphore_mem>>)
        %dma_wait3A_68 = arith.constant 0 : i32
        %dma_wait3A_69 = arith.constant 0 : i32
        %dma_wait3A_70 = tpu.memref_slice %arg10[%dma_wait3A_68, %dma_wait3A_69] : memref<106x96xi32, #tpu.memory_space<vmem>> -> memref<1x96xi32, #tpu.memory_space<vmem>>
        %dma_wait3A_71 = tpu.memref_squeeze %dma_wait3A_70 : memref<1x96xi32, #tpu.memory_space<vmem>> -> memref<96xi32, #tpu.memory_space<vmem>>
        %dma_wait3A_72 = arith.constant 0 : i32
        %dma_wait3A_73 = arith.constant 0 : i32
        %dma_wait3A_74 = tpu.memref_slice %arg2[%dma_wait3A_72, %dma_wait3A_73] : memref<10000x128xf32, #tpu.memory_space<hbm>> -> memref<10000x128xf32, #tpu.memory_space<hbm>>
        tpu.wait_indirect_dma semaphore(%arg13 : memref<!tpu.dma_semaphore, #tpu.memory_space<semaphore_mem>>) src(%dma_wait3A_74 : memref<10000x128xf32, #tpu.memory_space<hbm>>) dst(%run_scoped3A_8 : memref<96x128xf32, #tpu.memory_space<vmem>>)
        %dma_start3A_75 = arith.constant 1 : i32
        %dma_start3A_76 = arith.constant 0 : i32
        %dma_start3A_77 = tpu.memref_slice %arg11[%dma_start3A_75, %dma_start3A_76] : memref<106x96xi32, #tpu.memory_space<vmem>> -> memref<1x96xi32, #tpu.memory_space<vmem>>
        %dma_start3A_78 = tpu.memref_squeeze %dma_start3A_77 : memref<1x96xi32, #tpu.memory_space<vmem>> -> memref<96xi32, #tpu.memory_space<vmem>>
        %dma_start3A_79 = arith.constant 0 : i32
        %dma_start3A_80 = arith.constant 0 : i32
        %dma_start3A_81 = tpu.memref_slice %arg8[%dma_start3A_79, %dma_start3A_80] : memref<10240x128xf32, #tpu.memory_space<vmem_shared>> -> memref<10240x128xf32, #tpu.memory_space<vmem_shared>>
        tpu.enqueue_indirect_dma source(%run_scoped3A_8 : memref<96x128xf32, #tpu.memory_space<vmem>>) target(%dma_start3A_81 : memref<10240x128xf32, #tpu.memory_space<vmem_shared>>) offsets(%dma_start3A_78 : memref<96xi32, #tpu.memory_space<vmem>>) semaphore(%arg15 : memref<!tpu.dma_semaphore, #tpu.memory_space<semaphore_mem>>) {add = true}
        %dma_wait3A_82 = arith.constant 0 : i32
        %dma_wait3A_83 = arith.constant 0 : i32
        %dma_wait3A_84 = tpu.memref_slice %arg11[%dma_wait3A_82, %dma_wait3A_83] : memref<106x96xi32, #tpu.memory_space<vmem>> -> memref<1x96xi32, #tpu.memory_space<vmem>>
        %dma_wait3A_85 = tpu.memref_squeeze %dma_wait3A_84 : memref<1x96xi32, #tpu.memory_space<vmem>> -> memref<96xi32, #tpu.memory_space<vmem>>
        %dma_wait3A_86 = arith.constant 0 : i32
        %dma_wait3A_87 = arith.constant 0 : i32
        %dma_wait3A_88 = tpu.memref_slice %arg8[%dma_wait3A_86, %dma_wait3A_87] : memref<10240x128xf32, #tpu.memory_space<vmem_shared>> -> memref<10240x128xf32, #tpu.memory_space<vmem_shared>>
        tpu.wait_indirect_dma semaphore(%arg14 : memref<!tpu.dma_semaphore, #tpu.memory_space<semaphore_mem>>) src(%run_scoped3A : memref<96x128xf32, #tpu.memory_space<vmem>>) dst(%dma_wait3A_88 : memref<10240x128xf32, #tpu.memory_space<vmem_shared>>)
        %dma_start3A_89 = arith.constant 2 : i32
        %dma_start3A_90 = arith.constant 0 : i32
        %dma_start3A_91 = tpu.memref_slice %arg10[%dma_start3A_89, %dma_start3A_90] : memref<106x96xi32, #tpu.memory_space<vmem>> -> memref<1x96xi32, #tpu.memory_space<vmem>>
        %dma_start3A_92 = tpu.memref_squeeze %dma_start3A_91 : memref<1x96xi32, #tpu.memory_space<vmem>> -> memref<96xi32, #tpu.memory_space<vmem>>
        %dma_start3A_93 = arith.constant 0 : i32
        %dma_start3A_94 = arith.constant 0 : i32
        %dma_start3A_95 = tpu.memref_slice %arg2[%dma_start3A_93, %dma_start3A_94] : memref<10000x128xf32, #tpu.memory_space<hbm>> -> memref<10000x128xf32, #tpu.memory_space<hbm>>
        tpu.enqueue_indirect_dma source(%dma_start3A_95 : memref<10000x128xf32, #tpu.memory_space<hbm>>) target(%run_scoped3A : memref<96x128xf32, #tpu.memory_space<vmem>>) offsets(%dma_start3A_92 : memref<96xi32, #tpu.memory_space<vmem>>) semaphore(%arg12 : memref<!tpu.dma_semaphore, #tpu.memory_space<semaphore_mem>>)
        %scan3A_96 = arith.constant 0 : i32
        %scan3A_97 = arith.constant 1 : i32
        %scan3A_98 = arith.constant 51 : i32
        %scan3A_99 = arith.addi %scan3A_97, %scan3A_98 : i32
        %scan3A_100 = arith.constant 1 : i32
        scf.for %scan3A_158 = %scan3A_97 to %scan3A_99 step %scan3A_100  : i32 {
          %mul3A_159 = arith.constant 2 : i32
          %mul3A_160 = arith.muli %scan3A_158, %mul3A_159 : i32
          %add3A_161 = arith.constant 0 : i32
          %add3A_162 = arith.addi %mul3A_160, %add3A_161 : i32
          %dma_wait3A_163 = arith.constant 0 : i32
          %dma_wait3A_164 = arith.constant 0 : i32
          %dma_wait3A_165 = tpu.memref_slice %arg10[%dma_wait3A_163, %dma_wait3A_164] : memref<106x96xi32, #tpu.memory_space<vmem>> -> memref<1x96xi32, #tpu.memory_space<vmem>>
          %dma_wait3A_166 = tpu.memref_squeeze %dma_wait3A_165 : memref<1x96xi32, #tpu.memory_space<vmem>> -> memref<96xi32, #tpu.memory_space<vmem>>
          %dma_wait3A_167 = arith.constant 0 : i32
          %dma_wait3A_168 = arith.constant 0 : i32
          %dma_wait3A_169 = tpu.memref_slice %arg2[%dma_wait3A_167, %dma_wait3A_168] : memref<10000x128xf32, #tpu.memory_space<hbm>> -> memref<10000x128xf32, #tpu.memory_space<hbm>>
          tpu.wait_indirect_dma semaphore(%arg12 : memref<!tpu.dma_semaphore, #tpu.memory_space<semaphore_mem>>) src(%dma_wait3A_169 : memref<10000x128xf32, #tpu.memory_space<hbm>>) dst(%run_scoped3A : memref<96x128xf32, #tpu.memory_space<vmem>>)
          %dma_start3A_170 = arith.constant 0 : i32
          %dma_start3A_171 = tpu.memref_slice %arg11[%add3A_162, %dma_start3A_170] : memref<106x96xi32, #tpu.memory_space<vmem>> -> memref<1x96xi32, #tpu.memory_space<vmem>>
          %dma_start3A_172 = tpu.memref_squeeze %dma_start3A_171 : memref<1x96xi32, #tpu.memory_space<vmem>> -> memref<96xi32, #tpu.memory_space<vmem>>
          %dma_start3A_173 = arith.constant 0 : i32
          %dma_start3A_174 = arith.constant 0 : i32
          %dma_start3A_175 = tpu.memref_slice %arg8[%dma_start3A_173, %dma_start3A_174] : memref<10240x128xf32, #tpu.memory_space<vmem_shared>> -> memref<10240x128xf32, #tpu.memory_space<vmem_shared>>
          tpu.enqueue_indirect_dma source(%run_scoped3A : memref<96x128xf32, #tpu.memory_space<vmem>>) target(%dma_start3A_175 : memref<10240x128xf32, #tpu.memory_space<vmem_shared>>) offsets(%dma_start3A_172 : memref<96xi32, #tpu.memory_space<vmem>>) semaphore(%arg14 : memref<!tpu.dma_semaphore, #tpu.memory_space<semaphore_mem>>) {add = true}
          %dma_wait3A_176 = arith.constant 0 : i32
          %dma_wait3A_177 = arith.constant 0 : i32
          %dma_wait3A_178 = tpu.memref_slice %arg11[%dma_wait3A_176, %dma_wait3A_177] : memref<106x96xi32, #tpu.memory_space<vmem>> -> memref<1x96xi32, #tpu.memory_space<vmem>>
          %dma_wait3A_179 = tpu.memref_squeeze %dma_wait3A_178 : memref<1x96xi32, #tpu.memory_space<vmem>> -> memref<96xi32, #tpu.memory_space<vmem>>
          %dma_wait3A_180 = arith.constant 0 : i32
          %dma_wait3A_181 = arith.constant 0 : i32
          %dma_wait3A_182 = tpu.memref_slice %arg8[%dma_wait3A_180, %dma_wait3A_181] : memref<10240x128xf32, #tpu.memory_space<vmem_shared>> -> memref<10240x128xf32, #tpu.memory_space<vmem_shared>>
          tpu.wait_indirect_dma semaphore(%arg15 : memref<!tpu.dma_semaphore, #tpu.memory_space<semaphore_mem>>) src(%run_scoped3A_8 : memref<96x128xf32, #tpu.memory_space<vmem>>) dst(%dma_wait3A_182 : memref<10240x128xf32, #tpu.memory_space<vmem_shared>>)
          %add3A_183 = arith.constant 1 : i32
          %add3A_184 = arith.addi %add3A_162, %add3A_183 : i32
          %dma_start3A_185 = arith.constant 0 : i32
          %dma_start3A_186 = tpu.memref_slice %arg10[%add3A_184, %dma_start3A_185] : memref<106x96xi32, #tpu.memory_space<vmem>> -> memref<1x96xi32, #tpu.memory_space<vmem>>
          %dma_start3A_187 = tpu.memref_squeeze %dma_start3A_186 : memref<1x96xi32, #tpu.memory_space<vmem>> -> memref<96xi32, #tpu.memory_space<vmem>>
          %dma_start3A_188 = arith.constant 0 : i32
          %dma_start3A_189 = arith.constant 0 : i32
          %dma_start3A_190 = tpu.memref_slice %arg2[%dma_start3A_188, %dma_start3A_189] : memref<10000x128xf32, #tpu.memory_space<hbm>> -> memref<10000x128xf32, #tpu.memory_space<hbm>>
          tpu.enqueue_indirect_dma source(%dma_start3A_190 : memref<10000x128xf32, #tpu.memory_space<hbm>>) target(%run_scoped3A_8 : memref<96x128xf32, #tpu.memory_space<vmem>>) offsets(%dma_start3A_187 : memref<96xi32, #tpu.memory_space<vmem>>) semaphore(%arg13 : memref<!tpu.dma_semaphore, #tpu.memory_space<semaphore_mem>>)
          %add3A_191 = arith.constant 1 : i32
          %add3A_192 = arith.addi %mul3A_160, %add3A_191 : i32
          %dma_wait3A_193 = arith.constant 0 : i32
          %dma_wait3A_194 = arith.constant 0 : i32
          %dma_wait3A_195 = tpu.memref_slice %arg10[%dma_wait3A_193, %dma_wait3A_194] : memref<106x96xi32, #tpu.memory_space<vmem>> -> memref<1x96xi32, #tpu.memory_space<vmem>>
          %dma_wait3A_196 = tpu.memref_squeeze %dma_wait3A_195 : memref<1x96xi32, #tpu.memory_space<vmem>> -> memref<96xi32, #tpu.memory_space<vmem>>
          %dma_wait3A_197 = arith.constant 0 : i32
          %dma_wait3A_198 = arith.constant 0 : i32
          %dma_wait3A_199 = tpu.memref_slice %arg2[%dma_wait3A_197, %dma_wait3A_198] : memref<10000x128xf32, #tpu.memory_space<hbm>> -> memref<10000x128xf32, #tpu.memory_space<hbm>>
          tpu.wait_indirect_dma semaphore(%arg13 : memref<!tpu.dma_semaphore, #tpu.memory_space<semaphore_mem>>) src(%dma_wait3A_199 : memref<10000x128xf32, #tpu.memory_space<hbm>>) dst(%run_scoped3A_8 : memref<96x128xf32, #tpu.memory_space<vmem>>)
          %dma_start3A_200 = arith.constant 0 : i32
          %dma_start3A_201 = tpu.memref_slice %arg11[%add3A_192, %dma_start3A_200] : memref<106x96xi32, #tpu.memory_space<vmem>> -> memref<1x96xi32, #tpu.memory_space<vmem>>
          %dma_start3A_202 = tpu.memref_squeeze %dma_start3A_201 : memref<1x96xi32, #tpu.memory_space<vmem>> -> memref<96xi32, #tpu.memory_space<vmem>>
          %dma_start3A_203 = arith.constant 0 : i32
          %dma_start3A_204 = arith.constant 0 : i32
          %dma_start3A_205 = tpu.memref_slice %arg8[%dma_start3A_203, %dma_start3A_204] : memref<10240x128xf32, #tpu.memory_space<vmem_shared>> -> memref<10240x128xf32, #tpu.memory_space<vmem_shared>>
          tpu.enqueue_indirect_dma source(%run_scoped3A_8 : memref<96x128xf32, #tpu.memory_space<vmem>>) target(%dma_start3A_205 : memref<10240x128xf32, #tpu.memory_space<vmem_shared>>) offsets(%dma_start3A_202 : memref<96xi32, #tpu.memory_space<vmem>>) semaphore(%arg15 : memref<!tpu.dma_semaphore, #tpu.memory_space<semaphore_mem>>) {add = true}
          %dma_wait3A_206 = arith.constant 0 : i32
          %dma_wait3A_207 = arith.constant 0 : i32
          %dma_wait3A_208 = tpu.memref_slice %arg11[%dma_wait3A_206, %dma_wait3A_207] : memref<106x96xi32, #tpu.memory_space<vmem>> -> memref<1x96xi32, #tpu.memory_space<vmem>>
          %dma_wait3A_209 = tpu.memref_squeeze %dma_wait3A_208 : memref<1x96xi32, #tpu.memory_space<vmem>> -> memref<96xi32, #tpu.memory_space<vmem>>
          %dma_wait3A_210 = arith.constant 0 : i32
          %dma_wait3A_211 = arith.constant 0 : i32
          %dma_wait3A_212 = tpu.memref_slice %arg8[%dma_wait3A_210, %dma_wait3A_211] : memref<10240x128xf32, #tpu.memory_space<vmem_shared>> -> memref<10240x128xf32, #tpu.memory_space<vmem_shared>>
          tpu.wait_indirect_dma semaphore(%arg14 : memref<!tpu.dma_semaphore, #tpu.memory_space<semaphore_mem>>) src(%run_scoped3A : memref<96x128xf32, #tpu.memory_space<vmem>>) dst(%dma_wait3A_212 : memref<10240x128xf32, #tpu.memory_space<vmem_shared>>)
          %add3A_213 = arith.constant 1 : i32
          %add3A_214 = arith.addi %add3A_192, %add3A_213 : i32
          %dma_start3A_215 = arith.constant 0 : i32
          %dma_start3A_216 = tpu.memref_slice %arg10[%add3A_214, %dma_start3A_215] : memref<106x96xi32, #tpu.memory_space<vmem>> -> memref<1x96xi32, #tpu.memory_space<vmem>>
          %dma_start3A_217 = tpu.memref_squeeze %dma_start3A_216 : memref<1x96xi32, #tpu.memory_space<vmem>> -> memref<96xi32, #tpu.memory_space<vmem>>
          %dma_start3A_218 = arith.constant 0 : i32
          %dma_start3A_219 = arith.constant 0 : i32
          %dma_start3A_220 = tpu.memref_slice %arg2[%dma_start3A_218, %dma_start3A_219] : memref<10000x128xf32, #tpu.memory_space<hbm>> -> memref<10000x128xf32, #tpu.memory_space<hbm>>
          tpu.enqueue_indirect_dma source(%dma_start3A_220 : memref<10000x128xf32, #tpu.memory_space<hbm>>) target(%run_scoped3A : memref<96x128xf32, #tpu.memory_space<vmem>>) offsets(%dma_start3A_217 : memref<96xi32, #tpu.memory_space<vmem>>) semaphore(%arg12 : memref<!tpu.dma_semaphore, #tpu.memory_space<semaphore_mem>>)
        }
        %scan3A_101 = arith.constant 51 : i32
        %dma_wait3A_102 = arith.constant 0 : i32
        %dma_wait3A_103 = arith.constant 0 : i32
        %dma_wait3A_104 = tpu.memref_slice %arg10[%dma_wait3A_102, %dma_wait3A_103] : memref<106x96xi32, #tpu.memory_space<vmem>> -> memref<1x96xi32, #tpu.memory_space<vmem>>
        %dma_wait3A_105 = tpu.memref_squeeze %dma_wait3A_104 : memref<1x96xi32, #tpu.memory_space<vmem>> -> memref<96xi32, #tpu.memory_space<vmem>>
        %dma_wait3A_106 = arith.constant 0 : i32
        %dma_wait3A_107 = arith.constant 0 : i32
        %dma_wait3A_108 = tpu.memref_slice %arg2[%dma_wait3A_106, %dma_wait3A_107] : memref<10000x128xf32, #tpu.memory_space<hbm>> -> memref<10000x128xf32, #tpu.memory_space<hbm>>
        tpu.wait_indirect_dma semaphore(%arg12 : memref<!tpu.dma_semaphore, #tpu.memory_space<semaphore_mem>>) src(%dma_wait3A_108 : memref<10000x128xf32, #tpu.memory_space<hbm>>) dst(%run_scoped3A : memref<96x128xf32, #tpu.memory_space<vmem>>)
        %dma_start3A_109 = arith.constant 104 : i32
        %dma_start3A_110 = arith.constant 0 : i32
        %dma_start3A_111 = tpu.memref_slice %arg11[%dma_start3A_109, %dma_start3A_110] : memref<106x96xi32, #tpu.memory_space<vmem>> -> memref<1x96xi32, #tpu.memory_space<vmem>>
        %dma_start3A_112 = tpu.memref_squeeze %dma_start3A_111 : memref<1x96xi32, #tpu.memory_space<vmem>> -> memref<96xi32, #tpu.memory_space<vmem>>
        %dma_start3A_113 = arith.constant 0 : i32
        %dma_start3A_114 = arith.constant 0 : i32
        %dma_start3A_115 = tpu.memref_slice %arg8[%dma_start3A_113, %dma_start3A_114] : memref<10240x128xf32, #tpu.memory_space<vmem_shared>> -> memref<10240x128xf32, #tpu.memory_space<vmem_shared>>
        tpu.enqueue_indirect_dma source(%run_scoped3A : memref<96x128xf32, #tpu.memory_space<vmem>>) target(%dma_start3A_115 : memref<10240x128xf32, #tpu.memory_space<vmem_shared>>) offsets(%dma_start3A_112 : memref<96xi32, #tpu.memory_space<vmem>>) semaphore(%arg14 : memref<!tpu.dma_semaphore, #tpu.memory_space<semaphore_mem>>) {add = true}
        %dma_wait3A_116 = arith.constant 0 : i32
        %dma_wait3A_117 = arith.constant 0 : i32
        %dma_wait3A_118 = tpu.memref_slice %arg11[%dma_wait3A_116, %dma_wait3A_117] : memref<106x96xi32, #tpu.memory_space<vmem>> -> memref<1x96xi32, #tpu.memory_space<vmem>>
        %dma_wait3A_119 = tpu.memref_squeeze %dma_wait3A_118 : memref<1x96xi32, #tpu.memory_space<vmem>> -> memref<96xi32, #tpu.memory_space<vmem>>
        %dma_wait3A_120 = arith.constant 0 : i32
        %dma_wait3A_121 = arith.constant 0 : i32
        %dma_wait3A_122 = tpu.memref_slice %arg8[%dma_wait3A_120, %dma_wait3A_121] : memref<10240x128xf32, #tpu.memory_space<vmem_shared>> -> memref<10240x128xf32, #tpu.memory_space<vmem_shared>>
        tpu.wait_indirect_dma semaphore(%arg15 : memref<!tpu.dma_semaphore, #tpu.memory_space<semaphore_mem>>) src(%run_scoped3A_8 : memref<96x128xf32, #tpu.memory_space<vmem>>) dst(%dma_wait3A_122 : memref<10240x128xf32, #tpu.memory_space<vmem_shared>>)
        %dma_start3A_123 = arith.constant 105 : i32
        %dma_start3A_124 = arith.constant 0 : i32
        %dma_start3A_125 = tpu.memref_slice %arg10[%dma_start3A_123, %dma_start3A_124] : memref<106x96xi32, #tpu.memory_space<vmem>> -> memref<1x96xi32, #tpu.memory_space<vmem>>
        %dma_start3A_126 = tpu.memref_squeeze %dma_start3A_125 : memref<1x96xi32, #tpu.memory_space<vmem>> -> memref<96xi32, #tpu.memory_space<vmem>>
        %dma_start3A_127 = arith.constant 0 : i32
        %dma_start3A_128 = arith.constant 0 : i32
        %dma_start3A_129 = tpu.memref_slice %arg2[%dma_start3A_127, %dma_start3A_128] : memref<10000x128xf32, #tpu.memory_space<hbm>> -> memref<10000x128xf32, #tpu.memory_space<hbm>>
        tpu.enqueue_indirect_dma source(%dma_start3A_129 : memref<10000x128xf32, #tpu.memory_space<hbm>>) target(%run_scoped3A_8 : memref<96x128xf32, #tpu.memory_space<vmem>>) offsets(%dma_start3A_126 : memref<96xi32, #tpu.memory_space<vmem>>) semaphore(%arg13 : memref<!tpu.dma_semaphore, #tpu.memory_space<semaphore_mem>>)
        %dma_wait3A_130 = arith.constant 0 : i32
        %dma_wait3A_131 = arith.constant 0 : i32
        %dma_wait3A_132 = tpu.memref_slice %arg10[%dma_wait3A_130, %dma_wait3A_131] : memref<106x96xi32, #tpu.memory_space<vmem>> -> memref<1x96xi32, #tpu.memory_space<vmem>>
        %dma_wait3A_133 = tpu.memref_squeeze %dma_wait3A_132 : memref<1x96xi32, #tpu.memory_space<vmem>> -> memref<96xi32, #tpu.memory_space<vmem>>
        %dma_wait3A_134 = arith.constant 0 : i32
        %dma_wait3A_135 = arith.constant 0 : i32
        %dma_wait3A_136 = tpu.memref_slice %arg2[%dma_wait3A_134, %dma_wait3A_135] : memref<10000x128xf32, #tpu.memory_space<hbm>> -> memref<10000x128xf32, #tpu.memory_space<hbm>>
        tpu.wait_indirect_dma semaphore(%arg13 : memref<!tpu.dma_semaphore, #tpu.memory_space<semaphore_mem>>) src(%dma_wait3A_136 : memref<10000x128xf32, #tpu.memory_space<hbm>>) dst(%run_scoped3A_8 : memref<96x128xf32, #tpu.memory_space<vmem>>)
        %dma_start3A_137 = arith.constant 105 : i32
        %dma_start3A_138 = arith.constant 0 : i32
        %dma_start3A_139 = tpu.memref_slice %arg11[%dma_start3A_137, %dma_start3A_138] : memref<106x96xi32, #tpu.memory_space<vmem>> -> memref<1x96xi32, #tpu.memory_space<vmem>>
        %dma_start3A_140 = tpu.memref_squeeze %dma_start3A_139 : memref<1x96xi32, #tpu.memory_space<vmem>> -> memref<96xi32, #tpu.memory_space<vmem>>
        %dma_start3A_141 = arith.constant 0 : i32
        %dma_start3A_142 = arith.constant 0 : i32
        %dma_start3A_143 = tpu.memref_slice %arg8[%dma_start3A_141, %dma_start3A_142] : memref<10240x128xf32, #tpu.memory_space<vmem_shared>> -> memref<10240x128xf32, #tpu.memory_space<vmem_shared>>
        tpu.enqueue_indirect_dma source(%run_scoped3A_8 : memref<96x128xf32, #tpu.memory_space<vmem>>) target(%dma_start3A_143 : memref<10240x128xf32, #tpu.memory_space<vmem_shared>>) offsets(%dma_start3A_140 : memref<96xi32, #tpu.memory_space<vmem>>) semaphore(%arg15 : memref<!tpu.dma_semaphore, #tpu.memory_space<semaphore_mem>>) {add = true}
        %dma_wait3A_144 = arith.constant 0 : i32
        %dma_wait3A_145 = arith.constant 0 : i32
        %dma_wait3A_146 = tpu.memref_slice %arg11[%dma_wait3A_144, %dma_wait3A_145] : memref<106x96xi32, #tpu.memory_space<vmem>> -> memref<1x96xi32, #tpu.memory_space<vmem>>
        %dma_wait3A_147 = tpu.memref_squeeze %dma_wait3A_146 : memref<1x96xi32, #tpu.memory_space<vmem>> -> memref<96xi32, #tpu.memory_space<vmem>>
        %dma_wait3A_148 = arith.constant 0 : i32
        %dma_wait3A_149 = arith.constant 0 : i32
        %dma_wait3A_150 = tpu.memref_slice %arg8[%dma_wait3A_148, %dma_wait3A_149] : memref<10240x128xf32, #tpu.memory_space<vmem_shared>> -> memref<10240x128xf32, #tpu.memory_space<vmem_shared>>
        tpu.wait_indirect_dma semaphore(%arg14 : memref<!tpu.dma_semaphore, #tpu.memory_space<semaphore_mem>>) src(%run_scoped3A : memref<96x128xf32, #tpu.memory_space<vmem>>) dst(%dma_wait3A_150 : memref<10240x128xf32, #tpu.memory_space<vmem_shared>>)
        %dma_wait3A_151 = arith.constant 0 : i32
        %dma_wait3A_152 = arith.constant 0 : i32
        %dma_wait3A_153 = tpu.memref_slice %arg11[%dma_wait3A_151, %dma_wait3A_152] : memref<106x96xi32, #tpu.memory_space<vmem>> -> memref<1x96xi32, #tpu.memory_space<vmem>>
        %dma_wait3A_154 = tpu.memref_squeeze %dma_wait3A_153 : memref<1x96xi32, #tpu.memory_space<vmem>> -> memref<96xi32, #tpu.memory_space<vmem>>
        %dma_wait3A_155 = arith.constant 0 : i32
        %dma_wait3A_156 = arith.constant 0 : i32
        %dma_wait3A_157 = tpu.memref_slice %arg8[%dma_wait3A_155, %dma_wait3A_156] : memref<10240x128xf32, #tpu.memory_space<vmem_shared>> -> memref<10240x128xf32, #tpu.memory_space<vmem_shared>>
        tpu.wait_indirect_dma semaphore(%arg15 : memref<!tpu.dma_semaphore, #tpu.memory_space<semaphore_mem>>) src(%run_scoped3A_8 : memref<96x128xf32, #tpu.memory_space<vmem>>) dst(%dma_wait3A_157 : memref<10240x128xf32, #tpu.memory_space<vmem_shared>>)
      } else {
      }
      %eq3A_37 = arith.constant 1 : i32
      %eq3A_38 = arith.cmpi eq, %arg0, %eq3A_37 : i32
      %convert_element_type3A_39 = arith.extui %eq3A_38 : i1 to i32
      %cond3A_40 = arith.constant 0 : i32
      %cond3A_41 = arith.cmpi ne, %convert_element_type3A_39, %cond3A_40 : i32
      scf.if %cond3A_41 {
        %dma_start3A = arith.constant 0 : i32
        %dma_start3A_42 = arith.constant 0 : i32
        %dma_start3A_43 = tpu.memref_slice %arg10[%dma_start3A, %dma_start3A_42] : memref<106x96xi32, #tpu.memory_space<vmem>> -> memref<1x96xi32, #tpu.memory_space<vmem>>
        %dma_start3A_44 = tpu.memref_squeeze %dma_start3A_43 : memref<1x96xi32, #tpu.memory_space<vmem>> -> memref<96xi32, #tpu.memory_space<vmem>>
        %dma_start3A_45 = arith.constant 0 : i32
        %dma_start3A_46 = arith.constant 0 : i32
        %dma_start3A_47 = tpu.memref_slice %arg3[%dma_start3A_45, %dma_start3A_46] : memref<10000x128xf32, #tpu.memory_space<hbm>> -> memref<10000x128xf32, #tpu.memory_space<hbm>>
        tpu.enqueue_indirect_dma source(%dma_start3A_47 : memref<10000x128xf32, #tpu.memory_space<hbm>>) target(%run_scoped3A : memref<96x128xf32, #tpu.memory_space<vmem>>) offsets(%dma_start3A_44 : memref<96xi32, #tpu.memory_space<vmem>>) semaphore(%arg12 : memref<!tpu.dma_semaphore, #tpu.memory_space<semaphore_mem>>)
        %dma_wait3A = arith.constant 0 : i32
        %dma_wait3A_48 = arith.constant 0 : i32
        %dma_wait3A_49 = tpu.memref_slice %arg10[%dma_wait3A, %dma_wait3A_48] : memref<106x96xi32, #tpu.memory_space<vmem>> -> memref<1x96xi32, #tpu.memory_space<vmem>>
        %dma_wait3A_50 = tpu.memref_squeeze %dma_wait3A_49 : memref<1x96xi32, #tpu.memory_space<vmem>> -> memref<96xi32, #tpu.memory_space<vmem>>
        %dma_wait3A_51 = arith.constant 0 : i32
        %dma_wait3A_52 = arith.constant 0 : i32
        %dma_wait3A_53 = tpu.memref_slice %arg3[%dma_wait3A_51, %dma_wait3A_52] : memref<10000x128xf32, #tpu.memory_space<hbm>> -> memref<10000x128xf32, #tpu.memory_space<hbm>>
        tpu.wait_indirect_dma semaphore(%arg12 : memref<!tpu.dma_semaphore, #tpu.memory_space<semaphore_mem>>) src(%dma_wait3A_53 : memref<10000x128xf32, #tpu.memory_space<hbm>>) dst(%run_scoped3A : memref<96x128xf32, #tpu.memory_space<vmem>>)
        %dma_start3A_54 = arith.constant 0 : i32
        %dma_start3A_55 = arith.constant 0 : i32
        %dma_start3A_56 = tpu.memref_slice %arg11[%dma_start3A_54, %dma_start3A_55] : memref<106x96xi32, #tpu.memory_space<vmem>> -> memref<1x96xi32, #tpu.memory_space<vmem>>
        %dma_start3A_57 = tpu.memref_squeeze %dma_start3A_56 : memref<1x96xi32, #tpu.memory_space<vmem>> -> memref<96xi32, #tpu.memory_space<vmem>>
        %dma_start3A_58 = arith.constant 0 : i32
        %dma_start3A_59 = arith.constant 0 : i32
        %dma_start3A_60 = tpu.memref_slice %arg8[%dma_start3A_58, %dma_start3A_59] : memref<10240x128xf32, #tpu.memory_space<vmem_shared>> -> memref<10240x128xf32, #tpu.memory_space<vmem_shared>>
        tpu.enqueue_indirect_dma source(%run_scoped3A : memref<96x128xf32, #tpu.memory_space<vmem>>) target(%dma_start3A_60 : memref<10240x128xf32, #tpu.memory_space<vmem_shared>>) offsets(%dma_start3A_57 : memref<96xi32, #tpu.memory_space<vmem>>) semaphore(%arg14 : memref<!tpu.dma_semaphore, #tpu.memory_space<semaphore_mem>>) {add = true}
        %dma_start3A_61 = arith.constant 1 : i32
        %dma_start3A_62 = arith.constant 0 : i32
        %dma_start3A_63 = tpu.memref_slice %arg10[%dma_start3A_61, %dma_start3A_62] : memref<106x96xi32, #tpu.memory_space<vmem>> -> memref<1x96xi32, #tpu.memory_space<vmem>>
        %dma_start3A_64 = tpu.memref_squeeze %dma_start3A_63 : memref<1x96xi32, #tpu.memory_space<vmem>> -> memref<96xi32, #tpu.memory_space<vmem>>
        %dma_start3A_65 = arith.constant 0 : i32
        %dma_start3A_66 = arith.constant 0 : i32
        %dma_start3A_67 = tpu.memref_slice %arg3[%dma_start3A_65, %dma_start3A_66] : memref<10000x128xf32, #tpu.memory_space<hbm>> -> memref<10000x128xf32, #tpu.memory_space<hbm>>
        tpu.enqueue_indirect_dma source(%dma_start3A_67 : memref<10000x128xf32, #tpu.memory_space<hbm>>) target(%run_scoped3A_8 : memref<96x128xf32, #tpu.memory_space<vmem>>) offsets(%dma_start3A_64 : memref<96xi32, #tpu.memory_space<vmem>>) semaphore(%arg13 : memref<!tpu.dma_semaphore, #tpu.memory_space<semaphore_mem>>)
        %dma_wait3A_68 = arith.constant 0 : i32
        %dma_wait3A_69 = arith.constant 0 : i32
        %dma_wait3A_70 = tpu.memref_slice %arg10[%dma_wait3A_68, %dma_wait3A_69] : memref<106x96xi32, #tpu.memory_space<vmem>> -> memref<1x96xi32, #tpu.memory_space<vmem>>
        %dma_wait3A_71 = tpu.memref_squeeze %dma_wait3A_70 : memref<1x96xi32, #tpu.memory_space<vmem>> -> memref<96xi32, #tpu.memory_space<vmem>>
        %dma_wait3A_72 = arith.constant 0 : i32
        %dma_wait3A_73 = arith.constant 0 : i32
        %dma_wait3A_74 = tpu.memref_slice %arg3[%dma_wait3A_72, %dma_wait3A_73] : memref<10000x128xf32, #tpu.memory_space<hbm>> -> memref<10000x128xf32, #tpu.memory_space<hbm>>
        tpu.wait_indirect_dma semaphore(%arg13 : memref<!tpu.dma_semaphore, #tpu.memory_space<semaphore_mem>>) src(%dma_wait3A_74 : memref<10000x128xf32, #tpu.memory_space<hbm>>) dst(%run_scoped3A_8 : memref<96x128xf32, #tpu.memory_space<vmem>>)
        %dma_start3A_75 = arith.constant 1 : i32
        %dma_start3A_76 = arith.constant 0 : i32
        %dma_start3A_77 = tpu.memref_slice %arg11[%dma_start3A_75, %dma_start3A_76] : memref<106x96xi32, #tpu.memory_space<vmem>> -> memref<1x96xi32, #tpu.memory_space<vmem>>
        %dma_start3A_78 = tpu.memref_squeeze %dma_start3A_77 : memref<1x96xi32, #tpu.memory_space<vmem>> -> memref<96xi32, #tpu.memory_space<vmem>>
        %dma_start3A_79 = arith.constant 0 : i32
        %dma_start3A_80 = arith.constant 0 : i32
        %dma_start3A_81 = tpu.memref_slice %arg8[%dma_start3A_79, %dma_start3A_80] : memref<10240x128xf32, #tpu.memory_space<vmem_shared>> -> memref<10240x128xf32, #tpu.memory_space<vmem_shared>>
        tpu.enqueue_indirect_dma source(%run_scoped3A_8 : memref<96x128xf32, #tpu.memory_space<vmem>>) target(%dma_start3A_81 : memref<10240x128xf32, #tpu.memory_space<vmem_shared>>) offsets(%dma_start3A_78 : memref<96xi32, #tpu.memory_space<vmem>>) semaphore(%arg15 : memref<!tpu.dma_semaphore, #tpu.memory_space<semaphore_mem>>) {add = true}
        %dma_wait3A_82 = arith.constant 0 : i32
        %dma_wait3A_83 = arith.constant 0 : i32
        %dma_wait3A_84 = tpu.memref_slice %arg11[%dma_wait3A_82, %dma_wait3A_83] : memref<106x96xi32, #tpu.memory_space<vmem>> -> memref<1x96xi32, #tpu.memory_space<vmem>>
        %dma_wait3A_85 = tpu.memref_squeeze %dma_wait3A_84 : memref<1x96xi32, #tpu.memory_space<vmem>> -> memref<96xi32, #tpu.memory_space<vmem>>
        %dma_wait3A_86 = arith.constant 0 : i32
        %dma_wait3A_87 = arith.constant 0 : i32
        %dma_wait3A_88 = tpu.memref_slice %arg8[%dma_wait3A_86, %dma_wait3A_87] : memref<10240x128xf32, #tpu.memory_space<vmem_shared>> -> memref<10240x128xf32, #tpu.memory_space<vmem_shared>>
        tpu.wait_indirect_dma semaphore(%arg14 : memref<!tpu.dma_semaphore, #tpu.memory_space<semaphore_mem>>) src(%run_scoped3A : memref<96x128xf32, #tpu.memory_space<vmem>>) dst(%dma_wait3A_88 : memref<10240x128xf32, #tpu.memory_space<vmem_shared>>)
        %dma_start3A_89 = arith.constant 2 : i32
        %dma_start3A_90 = arith.constant 0 : i32
        %dma_start3A_91 = tpu.memref_slice %arg10[%dma_start3A_89, %dma_start3A_90] : memref<106x96xi32, #tpu.memory_space<vmem>> -> memref<1x96xi32, #tpu.memory_space<vmem>>
        %dma_start3A_92 = tpu.memref_squeeze %dma_start3A_91 : memref<1x96xi32, #tpu.memory_space<vmem>> -> memref<96xi32, #tpu.memory_space<vmem>>
        %dma_start3A_93 = arith.constant 0 : i32
        %dma_start3A_94 = arith.constant 0 : i32
        %dma_start3A_95 = tpu.memref_slice %arg3[%dma_start3A_93, %dma_start3A_94] : memref<10000x128xf32, #tpu.memory_space<hbm>> -> memref<10000x128xf32, #tpu.memory_space<hbm>>
        tpu.enqueue_indirect_dma source(%dma_start3A_95 : memref<10000x128xf32, #tpu.memory_space<hbm>>) target(%run_scoped3A : memref<96x128xf32, #tpu.memory_space<vmem>>) offsets(%dma_start3A_92 : memref<96xi32, #tpu.memory_space<vmem>>) semaphore(%arg12 : memref<!tpu.dma_semaphore, #tpu.memory_space<semaphore_mem>>)
        %scan3A_96 = arith.constant 0 : i32
        %scan3A_97 = arith.constant 1 : i32
        %scan3A_98 = arith.constant 51 : i32
        %scan3A_99 = arith.addi %scan3A_97, %scan3A_98 : i32
        %scan3A_100 = arith.constant 1 : i32
        scf.for %scan3A_158 = %scan3A_97 to %scan3A_99 step %scan3A_100  : i32 {
          %mul3A_159 = arith.constant 2 : i32
          %mul3A_160 = arith.muli %scan3A_158, %mul3A_159 : i32
          %add3A_161 = arith.constant 0 : i32
          %add3A_162 = arith.addi %mul3A_160, %add3A_161 : i32
          %dma_wait3A_163 = arith.constant 0 : i32
          %dma_wait3A_164 = arith.constant 0 : i32
          %dma_wait3A_165 = tpu.memref_slice %arg10[%dma_wait3A_163, %dma_wait3A_164] : memref<106x96xi32, #tpu.memory_space<vmem>> -> memref<1x96xi32, #tpu.memory_space<vmem>>
          %dma_wait3A_166 = tpu.memref_squeeze %dma_wait3A_165 : memref<1x96xi32, #tpu.memory_space<vmem>> -> memref<96xi32, #tpu.memory_space<vmem>>
          %dma_wait3A_167 = arith.constant 0 : i32
          %dma_wait3A_168 = arith.constant 0 : i32
          %dma_wait3A_169 = tpu.memref_slice %arg3[%dma_wait3A_167, %dma_wait3A_168] : memref<10000x128xf32, #tpu.memory_space<hbm>> -> memref<10000x128xf32, #tpu.memory_space<hbm>>
          tpu.wait_indirect_dma semaphore(%arg12 : memref<!tpu.dma_semaphore, #tpu.memory_space<semaphore_mem>>) src(%dma_wait3A_169 : memref<10000x128xf32, #tpu.memory_space<hbm>>) dst(%run_scoped3A : memref<96x128xf32, #tpu.memory_space<vmem>>)
          %dma_start3A_170 = arith.constant 0 : i32
          %dma_start3A_171 = tpu.memref_slice %arg11[%add3A_162, %dma_start3A_170] : memref<106x96xi32, #tpu.memory_space<vmem>> -> memref<1x96xi32, #tpu.memory_space<vmem>>
          %dma_start3A_172 = tpu.memref_squeeze %dma_start3A_171 : memref<1x96xi32, #tpu.memory_space<vmem>> -> memref<96xi32, #tpu.memory_space<vmem>>
          %dma_start3A_173 = arith.constant 0 : i32
          %dma_start3A_174 = arith.constant 0 : i32
          %dma_start3A_175 = tpu.memref_slice %arg8[%dma_start3A_173, %dma_start3A_174] : memref<10240x128xf32, #tpu.memory_space<vmem_shared>> -> memref<10240x128xf32, #tpu.memory_space<vmem_shared>>
          tpu.enqueue_indirect_dma source(%run_scoped3A : memref<96x128xf32, #tpu.memory_space<vmem>>) target(%dma_start3A_175 : memref<10240x128xf32, #tpu.memory_space<vmem_shared>>) offsets(%dma_start3A_172 : memref<96xi32, #tpu.memory_space<vmem>>) semaphore(%arg14 : memref<!tpu.dma_semaphore, #tpu.memory_space<semaphore_mem>>) {add = true}
          %dma_wait3A_176 = arith.constant 0 : i32
          %dma_wait3A_177 = arith.constant 0 : i32
          %dma_wait3A_178 = tpu.memref_slice %arg11[%dma_wait3A_176, %dma_wait3A_177] : memref<106x96xi32, #tpu.memory_space<vmem>> -> memref<1x96xi32, #tpu.memory_space<vmem>>
          %dma_wait3A_179 = tpu.memref_squeeze %dma_wait3A_178 : memref<1x96xi32, #tpu.memory_space<vmem>> -> memref<96xi32, #tpu.memory_space<vmem>>
          %dma_wait3A_180 = arith.constant 0 : i32
          %dma_wait3A_181 = arith.constant 0 : i32
          %dma_wait3A_182 = tpu.memref_slice %arg8[%dma_wait3A_180, %dma_wait3A_181] : memref<10240x128xf32, #tpu.memory_space<vmem_shared>> -> memref<10240x128xf32, #tpu.memory_space<vmem_shared>>
          tpu.wait_indirect_dma semaphore(%arg15 : memref<!tpu.dma_semaphore, #tpu.memory_space<semaphore_mem>>) src(%run_scoped3A_8 : memref<96x128xf32, #tpu.memory_space<vmem>>) dst(%dma_wait3A_182 : memref<10240x128xf32, #tpu.memory_space<vmem_shared>>)
          %add3A_183 = arith.constant 1 : i32
          %add3A_184 = arith.addi %add3A_162, %add3A_183 : i32
          %dma_start3A_185 = arith.constant 0 : i32
          %dma_start3A_186 = tpu.memref_slice %arg10[%add3A_184, %dma_start3A_185] : memref<106x96xi32, #tpu.memory_space<vmem>> -> memref<1x96xi32, #tpu.memory_space<vmem>>
          %dma_start3A_187 = tpu.memref_squeeze %dma_start3A_186 : memref<1x96xi32, #tpu.memory_space<vmem>> -> memref<96xi32, #tpu.memory_space<vmem>>
          %dma_start3A_188 = arith.constant 0 : i32
          %dma_start3A_189 = arith.constant 0 : i32
          %dma_start3A_190 = tpu.memref_slice %arg3[%dma_start3A_188, %dma_start3A_189] : memref<10000x128xf32, #tpu.memory_space<hbm>> -> memref<10000x128xf32, #tpu.memory_space<hbm>>
          tpu.enqueue_indirect_dma source(%dma_start3A_190 : memref<10000x128xf32, #tpu.memory_space<hbm>>) target(%run_scoped3A_8 : memref<96x128xf32, #tpu.memory_space<vmem>>) offsets(%dma_start3A_187 : memref<96xi32, #tpu.memory_space<vmem>>) semaphore(%arg13 : memref<!tpu.dma_semaphore, #tpu.memory_space<semaphore_mem>>)
          %add3A_191 = arith.constant 1 : i32
          %add3A_192 = arith.addi %mul3A_160, %add3A_191 : i32
          %dma_wait3A_193 = arith.constant 0 : i32
          %dma_wait3A_194 = arith.constant 0 : i32
          %dma_wait3A_195 = tpu.memref_slice %arg10[%dma_wait3A_193, %dma_wait3A_194] : memref<106x96xi32, #tpu.memory_space<vmem>> -> memref<1x96xi32, #tpu.memory_space<vmem>>
          %dma_wait3A_196 = tpu.memref_squeeze %dma_wait3A_195 : memref<1x96xi32, #tpu.memory_space<vmem>> -> memref<96xi32, #tpu.memory_space<vmem>>
          %dma_wait3A_197 = arith.constant 0 : i32
          %dma_wait3A_198 = arith.constant 0 : i32
          %dma_wait3A_199 = tpu.memref_slice %arg3[%dma_wait3A_197, %dma_wait3A_198] : memref<10000x128xf32, #tpu.memory_space<hbm>> -> memref<10000x128xf32, #tpu.memory_space<hbm>>
          tpu.wait_indirect_dma semaphore(%arg13 : memref<!tpu.dma_semaphore, #tpu.memory_space<semaphore_mem>>) src(%dma_wait3A_199 : memref<10000x128xf32, #tpu.memory_space<hbm>>) dst(%run_scoped3A_8 : memref<96x128xf32, #tpu.memory_space<vmem>>)
          %dma_start3A_200 = arith.constant 0 : i32
          %dma_start3A_201 = tpu.memref_slice %arg11[%add3A_192, %dma_start3A_200] : memref<106x96xi32, #tpu.memory_space<vmem>> -> memref<1x96xi32, #tpu.memory_space<vmem>>
          %dma_start3A_202 = tpu.memref_squeeze %dma_start3A_201 : memref<1x96xi32, #tpu.memory_space<vmem>> -> memref<96xi32, #tpu.memory_space<vmem>>
          %dma_start3A_203 = arith.constant 0 : i32
          %dma_start3A_204 = arith.constant 0 : i32
          %dma_start3A_205 = tpu.memref_slice %arg8[%dma_start3A_203, %dma_start3A_204] : memref<10240x128xf32, #tpu.memory_space<vmem_shared>> -> memref<10240x128xf32, #tpu.memory_space<vmem_shared>>
          tpu.enqueue_indirect_dma source(%run_scoped3A_8 : memref<96x128xf32, #tpu.memory_space<vmem>>) target(%dma_start3A_205 : memref<10240x128xf32, #tpu.memory_space<vmem_shared>>) offsets(%dma_start3A_202 : memref<96xi32, #tpu.memory_space<vmem>>) semaphore(%arg15 : memref<!tpu.dma_semaphore, #tpu.memory_space<semaphore_mem>>) {add = true}
          %dma_wait3A_206 = arith.constant 0 : i32
          %dma_wait3A_207 = arith.constant 0 : i32
          %dma_wait3A_208 = tpu.memref_slice %arg11[%dma_wait3A_206, %dma_wait3A_207] : memref<106x96xi32, #tpu.memory_space<vmem>> -> memref<1x96xi32, #tpu.memory_space<vmem>>
          %dma_wait3A_209 = tpu.memref_squeeze %dma_wait3A_208 : memref<1x96xi32, #tpu.memory_space<vmem>> -> memref<96xi32, #tpu.memory_space<vmem>>
          %dma_wait3A_210 = arith.constant 0 : i32
          %dma_wait3A_211 = arith.constant 0 : i32
          %dma_wait3A_212 = tpu.memref_slice %arg8[%dma_wait3A_210, %dma_wait3A_211] : memref<10240x128xf32, #tpu.memory_space<vmem_shared>> -> memref<10240x128xf32, #tpu.memory_space<vmem_shared>>
          tpu.wait_indirect_dma semaphore(%arg14 : memref<!tpu.dma_semaphore, #tpu.memory_space<semaphore_mem>>) src(%run_scoped3A : memref<96x128xf32, #tpu.memory_space<vmem>>) dst(%dma_wait3A_212 : memref<10240x128xf32, #tpu.memory_space<vmem_shared>>)
          %add3A_213 = arith.constant 1 : i32
          %add3A_214 = arith.addi %add3A_192, %add3A_213 : i32
          %dma_start3A_215 = arith.constant 0 : i32
          %dma_start3A_216 = tpu.memref_slice %arg10[%add3A_214, %dma_start3A_215] : memref<106x96xi32, #tpu.memory_space<vmem>> -> memref<1x96xi32, #tpu.memory_space<vmem>>
          %dma_start3A_217 = tpu.memref_squeeze %dma_start3A_216 : memref<1x96xi32, #tpu.memory_space<vmem>> -> memref<96xi32, #tpu.memory_space<vmem>>
          %dma_start3A_218 = arith.constant 0 : i32
          %dma_start3A_219 = arith.constant 0 : i32
          %dma_start3A_220 = tpu.memref_slice %arg3[%dma_start3A_218, %dma_start3A_219] : memref<10000x128xf32, #tpu.memory_space<hbm>> -> memref<10000x128xf32, #tpu.memory_space<hbm>>
          tpu.enqueue_indirect_dma source(%dma_start3A_220 : memref<10000x128xf32, #tpu.memory_space<hbm>>) target(%run_scoped3A : memref<96x128xf32, #tpu.memory_space<vmem>>) offsets(%dma_start3A_217 : memref<96xi32, #tpu.memory_space<vmem>>) semaphore(%arg12 : memref<!tpu.dma_semaphore, #tpu.memory_space<semaphore_mem>>)
        }
        %scan3A_101 = arith.constant 51 : i32
        %dma_wait3A_102 = arith.constant 0 : i32
        %dma_wait3A_103 = arith.constant 0 : i32
        %dma_wait3A_104 = tpu.memref_slice %arg10[%dma_wait3A_102, %dma_wait3A_103] : memref<106x96xi32, #tpu.memory_space<vmem>> -> memref<1x96xi32, #tpu.memory_space<vmem>>
        %dma_wait3A_105 = tpu.memref_squeeze %dma_wait3A_104 : memref<1x96xi32, #tpu.memory_space<vmem>> -> memref<96xi32, #tpu.memory_space<vmem>>
        %dma_wait3A_106 = arith.constant 0 : i32
        %dma_wait3A_107 = arith.constant 0 : i32
        %dma_wait3A_108 = tpu.memref_slice %arg3[%dma_wait3A_106, %dma_wait3A_107] : memref<10000x128xf32, #tpu.memory_space<hbm>> -> memref<10000x128xf32, #tpu.memory_space<hbm>>
        tpu.wait_indirect_dma semaphore(%arg12 : memref<!tpu.dma_semaphore, #tpu.memory_space<semaphore_mem>>) src(%dma_wait3A_108 : memref<10000x128xf32, #tpu.memory_space<hbm>>) dst(%run_scoped3A : memref<96x128xf32, #tpu.memory_space<vmem>>)
        %dma_start3A_109 = arith.constant 104 : i32
        %dma_start3A_110 = arith.constant 0 : i32
        %dma_start3A_111 = tpu.memref_slice %arg11[%dma_start3A_109, %dma_start3A_110] : memref<106x96xi32, #tpu.memory_space<vmem>> -> memref<1x96xi32, #tpu.memory_space<vmem>>
        %dma_start3A_112 = tpu.memref_squeeze %dma_start3A_111 : memref<1x96xi32, #tpu.memory_space<vmem>> -> memref<96xi32, #tpu.memory_space<vmem>>
        %dma_start3A_113 = arith.constant 0 : i32
        %dma_start3A_114 = arith.constant 0 : i32
        %dma_start3A_115 = tpu.memref_slice %arg8[%dma_start3A_113, %dma_start3A_114] : memref<10240x128xf32, #tpu.memory_space<vmem_shared>> -> memref<10240x128xf32, #tpu.memory_space<vmem_shared>>
        tpu.enqueue_indirect_dma source(%run_scoped3A : memref<96x128xf32, #tpu.memory_space<vmem>>) target(%dma_start3A_115 : memref<10240x128xf32, #tpu.memory_space<vmem_shared>>) offsets(%dma_start3A_112 : memref<96xi32, #tpu.memory_space<vmem>>) semaphore(%arg14 : memref<!tpu.dma_semaphore, #tpu.memory_space<semaphore_mem>>) {add = true}
        %dma_wait3A_116 = arith.constant 0 : i32
        %dma_wait3A_117 = arith.constant 0 : i32
        %dma_wait3A_118 = tpu.memref_slice %arg11[%dma_wait3A_116, %dma_wait3A_117] : memref<106x96xi32, #tpu.memory_space<vmem>> -> memref<1x96xi32, #tpu.memory_space<vmem>>
        %dma_wait3A_119 = tpu.memref_squeeze %dma_wait3A_118 : memref<1x96xi32, #tpu.memory_space<vmem>> -> memref<96xi32, #tpu.memory_space<vmem>>
        %dma_wait3A_120 = arith.constant 0 : i32
        %dma_wait3A_121 = arith.constant 0 : i32
        %dma_wait3A_122 = tpu.memref_slice %arg8[%dma_wait3A_120, %dma_wait3A_121] : memref<10240x128xf32, #tpu.memory_space<vmem_shared>> -> memref<10240x128xf32, #tpu.memory_space<vmem_shared>>
        tpu.wait_indirect_dma semaphore(%arg15 : memref<!tpu.dma_semaphore, #tpu.memory_space<semaphore_mem>>) src(%run_scoped3A_8 : memref<96x128xf32, #tpu.memory_space<vmem>>) dst(%dma_wait3A_122 : memref<10240x128xf32, #tpu.memory_space<vmem_shared>>)
        %dma_start3A_123 = arith.constant 105 : i32
        %dma_start3A_124 = arith.constant 0 : i32
        %dma_start3A_125 = tpu.memref_slice %arg10[%dma_start3A_123, %dma_start3A_124] : memref<106x96xi32, #tpu.memory_space<vmem>> -> memref<1x96xi32, #tpu.memory_space<vmem>>
        %dma_start3A_126 = tpu.memref_squeeze %dma_start3A_125 : memref<1x96xi32, #tpu.memory_space<vmem>> -> memref<96xi32, #tpu.memory_space<vmem>>
        %dma_start3A_127 = arith.constant 0 : i32
        %dma_start3A_128 = arith.constant 0 : i32
        %dma_start3A_129 = tpu.memref_slice %arg3[%dma_start3A_127, %dma_start3A_128] : memref<10000x128xf32, #tpu.memory_space<hbm>> -> memref<10000x128xf32, #tpu.memory_space<hbm>>
        tpu.enqueue_indirect_dma source(%dma_start3A_129 : memref<10000x128xf32, #tpu.memory_space<hbm>>) target(%run_scoped3A_8 : memref<96x128xf32, #tpu.memory_space<vmem>>) offsets(%dma_start3A_126 : memref<96xi32, #tpu.memory_space<vmem>>) semaphore(%arg13 : memref<!tpu.dma_semaphore, #tpu.memory_space<semaphore_mem>>)
        %dma_wait3A_130 = arith.constant 0 : i32
        %dma_wait3A_131 = arith.constant 0 : i32
        %dma_wait3A_132 = tpu.memref_slice %arg10[%dma_wait3A_130, %dma_wait3A_131] : memref<106x96xi32, #tpu.memory_space<vmem>> -> memref<1x96xi32, #tpu.memory_space<vmem>>
        %dma_wait3A_133 = tpu.memref_squeeze %dma_wait3A_132 : memref<1x96xi32, #tpu.memory_space<vmem>> -> memref<96xi32, #tpu.memory_space<vmem>>
        %dma_wait3A_134 = arith.constant 0 : i32
        %dma_wait3A_135 = arith.constant 0 : i32
        %dma_wait3A_136 = tpu.memref_slice %arg3[%dma_wait3A_134, %dma_wait3A_135] : memref<10000x128xf32, #tpu.memory_space<hbm>> -> memref<10000x128xf32, #tpu.memory_space<hbm>>
        tpu.wait_indirect_dma semaphore(%arg13 : memref<!tpu.dma_semaphore, #tpu.memory_space<semaphore_mem>>) src(%dma_wait3A_136 : memref<10000x128xf32, #tpu.memory_space<hbm>>) dst(%run_scoped3A_8 : memref<96x128xf32, #tpu.memory_space<vmem>>)
        %dma_start3A_137 = arith.constant 105 : i32
        %dma_start3A_138 = arith.constant 0 : i32
        %dma_start3A_139 = tpu.memref_slice %arg11[%dma_start3A_137, %dma_start3A_138] : memref<106x96xi32, #tpu.memory_space<vmem>> -> memref<1x96xi32, #tpu.memory_space<vmem>>
        %dma_start3A_140 = tpu.memref_squeeze %dma_start3A_139 : memref<1x96xi32, #tpu.memory_space<vmem>> -> memref<96xi32, #tpu.memory_space<vmem>>
        %dma_start3A_141 = arith.constant 0 : i32
        %dma_start3A_142 = arith.constant 0 : i32
        %dma_start3A_143 = tpu.memref_slice %arg8[%dma_start3A_141, %dma_start3A_142] : memref<10240x128xf32, #tpu.memory_space<vmem_shared>> -> memref<10240x128xf32, #tpu.memory_space<vmem_shared>>
        tpu.enqueue_indirect_dma source(%run_scoped3A_8 : memref<96x128xf32, #tpu.memory_space<vmem>>) target(%dma_start3A_143 : memref<10240x128xf32, #tpu.memory_space<vmem_shared>>) offsets(%dma_start3A_140 : memref<96xi32, #tpu.memory_space<vmem>>) semaphore(%arg15 : memref<!tpu.dma_semaphore, #tpu.memory_space<semaphore_mem>>) {add = true}
        %dma_wait3A_144 = arith.constant 0 : i32
        %dma_wait3A_145 = arith.constant 0 : i32
        %dma_wait3A_146 = tpu.memref_slice %arg11[%dma_wait3A_144, %dma_wait3A_145] : memref<106x96xi32, #tpu.memory_space<vmem>> -> memref<1x96xi32, #tpu.memory_space<vmem>>
        %dma_wait3A_147 = tpu.memref_squeeze %dma_wait3A_146 : memref<1x96xi32, #tpu.memory_space<vmem>> -> memref<96xi32, #tpu.memory_space<vmem>>
        %dma_wait3A_148 = arith.constant 0 : i32
        %dma_wait3A_149 = arith.constant 0 : i32
        %dma_wait3A_150 = tpu.memref_slice %arg8[%dma_wait3A_148, %dma_wait3A_149] : memref<10240x128xf32, #tpu.memory_space<vmem_shared>> -> memref<10240x128xf32, #tpu.memory_space<vmem_shared>>
        tpu.wait_indirect_dma semaphore(%arg14 : memref<!tpu.dma_semaphore, #tpu.memory_space<semaphore_mem>>) src(%run_scoped3A : memref<96x128xf32, #tpu.memory_space<vmem>>) dst(%dma_wait3A_150 : memref<10240x128xf32, #tpu.memory_space<vmem_shared>>)
        %dma_wait3A_151 = arith.constant 0 : i32
        %dma_wait3A_152 = arith.constant 0 : i32
        %dma_wait3A_153 = tpu.memref_slice %arg11[%dma_wait3A_151, %dma_wait3A_152] : memref<106x96xi32, #tpu.memory_space<vmem>> -> memref<1x96xi32, #tpu.memory_space<vmem>>
        %dma_wait3A_154 = tpu.memref_squeeze %dma_wait3A_153 : memref<1x96xi32, #tpu.memory_space<vmem>> -> memref<96xi32, #tpu.memory_space<vmem>>
        %dma_wait3A_155 = arith.constant 0 : i32
        %dma_wait3A_156 = arith.constant 0 : i32
        %dma_wait3A_157 = tpu.memref_slice %arg8[%dma_wait3A_155, %dma_wait3A_156] : memref<10240x128xf32, #tpu.memory_space<vmem_shared>> -> memref<10240x128xf32, #tpu.memory_space<vmem_shared>>
        tpu.wait_indirect_dma semaphore(%arg15 : memref<!tpu.dma_semaphore, #tpu.memory_space<semaphore_mem>>) src(%run_scoped3A_8 : memref<96x128xf32, #tpu.memory_space<vmem>>) dst(%dma_wait3A_157 : memref<10240x128xf32, #tpu.memory_space<vmem_shared>>)
      } else {
      }
      tpu.yield
    }) : () -> ()
    %barrier3A = arith.constant 0 : index
    tpu.barrier barrier_id(%barrier3A)
    %eq3A = arith.constant 0 : i32
    %eq3A_1 = arith.cmpi eq, %arg0, %eq3A : i32
    %convert_element_type3A = arith.extui %eq3A_1 : i1 to i32
    %cond3A = arith.constant 0 : i32
    %cond3A_2 = arith.cmpi ne, %convert_element_type3A, %cond3A : i32
    scf.if %cond3A_2 {
      "tpu.region"() ({
        %run_scoped3A = tpu.sem_alloc : memref<!tpu.dma_semaphore, #tpu.memory_space<semaphore_mem>>
        %dma_start3A = arith.constant 0 : i32
        %dma_start3A_8 = tpu.memref_slice %arg6[%mul3A_0, %dma_start3A] : memref<10240x128xf32, #tpu.memory_space<hbm>> -> memref<640x128xf32, #tpu.memory_space<hbm>>
        %dma_start3A_9 = arith.constant 0 : i32
        %dma_start3A_10 = tpu.memref_slice %arg8[%mul3A_0, %dma_start3A_9] : memref<10240x128xf32, #tpu.memory_space<vmem_shared>> -> memref<640x128xf32, #tpu.memory_space<vmem_shared>>
        tpu.enqueue_dma source(%dma_start3A_10 : memref<640x128xf32, #tpu.memory_space<vmem_shared>>) target(%dma_start3A_8 : memref<640x128xf32, #tpu.memory_space<hbm>>) target_semaphore(%run_scoped3A : memref<!tpu.dma_semaphore, #tpu.memory_space<semaphore_mem>>)
        %dma_wait3A = arith.constant 0 : i32
        %dma_wait3A_11 = tpu.memref_slice %arg6[%mul3A_0, %dma_wait3A] : memref<10240x128xf32, #tpu.memory_space<hbm>> -> memref<640x128xf32, #tpu.memory_space<hbm>>
        %dma_wait3A_12 = arith.constant 0 : i32
        %dma_wait3A_13 = tpu.memref_slice %arg8[%mul3A_0, %dma_wait3A_12] : memref<10240x128xf32, #tpu.memory_space<vmem_shared>> -> memref<640x128xf32, #tpu.memory_space<vmem_shared>>
        tpu.wait_dma2 semaphore(%run_scoped3A : memref<!tpu.dma_semaphore, #tpu.memory_space<semaphore_mem>>) src(%dma_wait3A_13 : memref<640x128xf32, #tpu.memory_space<vmem_shared>>) dst(%dma_wait3A_11 : memref<640x128xf32, #tpu.memory_space<hbm>>)
        tpu.yield
      }) : () -> ()
    } else {
    }
    %eq3A_3 = arith.constant 1 : i32
    %eq3A_4 = arith.cmpi eq, %arg0, %eq3A_3 : i32
    %convert_element_type3A_5 = arith.extui %eq3A_4 : i1 to i32
    %cond3A_6 = arith.constant 0 : i32
    %cond3A_7 = arith.cmpi ne, %convert_element_type3A_5, %cond3A_6 : i32
    scf.if %cond3A_7 {
      "tpu.region"() ({
        %run_scoped3A = tpu.sem_alloc : memref<!tpu.dma_semaphore, #tpu.memory_space<semaphore_mem>>
        %dma_start3A = arith.constant 0 : i32
        %dma_start3A_8 = tpu.memref_slice %arg7[%mul3A_0, %dma_start3A] : memref<10240x128xf32, #tpu.memory_space<hbm>> -> memref<640x128xf32, #tpu.memory_space<hbm>>
        %dma_start3A_9 = arith.constant 0 : i32
        %dma_start3A_10 = tpu.memref_slice %arg8[%mul3A_0, %dma_start3A_9] : memref<10240x128xf32, #tpu.memory_space<vmem_shared>> -> memref<640x128xf32, #tpu.memory_space<vmem_shared>>
        tpu.enqueue_dma source(%dma_start3A_10 : memref<640x128xf32, #tpu.memory_space<vmem_shared>>) target(%dma_start3A_8 : memref<640x128xf32, #tpu.memory_space<hbm>>) target_semaphore(%run_scoped3A : memref<!tpu.dma_semaphore, #tpu.memory_space<semaphore_mem>>)
        %dma_wait3A = arith.constant 0 : i32
        %dma_wait3A_11 = tpu.memref_slice %arg7[%mul3A_0, %dma_wait3A] : memref<10240x128xf32, #tpu.memory_space<hbm>> -> memref<640x128xf32, #tpu.memory_space<hbm>>
        %dma_wait3A_12 = arith.constant 0 : i32
        %dma_wait3A_13 = tpu.memref_slice %arg8[%mul3A_0, %dma_wait3A_12] : memref<10240x128xf32, #tpu.memory_space<vmem_shared>> -> memref<640x128xf32, #tpu.memory_space<vmem_shared>>
        tpu.wait_dma2 semaphore(%run_scoped3A : memref<!tpu.dma_semaphore, #tpu.memory_space<semaphore_mem>>) src(%dma_wait3A_13 : memref<640x128xf32, #tpu.memory_space<vmem_shared>>) dst(%dma_wait3A_11 : memref<640x128xf32, #tpu.memory_space<hbm>>)
        tpu.yield
      }) : () -> ()
    } else {
    }
    return
  }
}

module attributes {stable_mosaic.version = 14 : i64} {
  func.func @_tc1_body(%arg0: i32, %arg1: memref<400x128xf32, #tpu.memory_space<vmem>>, %arg2: memref<400x128xf32, #tpu.memory_space<vmem>>, %arg3: memref<400x1xf32, #tpu.memory_space<vmem>>, %arg4: memref<400x256xf32, #tpu.memory_space<vmem>>, %arg5: memref<256x512xf32, #tpu.memory_space<vmem>>, %arg6: memref<1x512xf32, #tpu.memory_space<vmem>>, %arg7: memref<256x512xf32, #tpu.memory_space<vmem>>, %arg8: memref<512x256xf32, #tpu.memory_space<vmem>>, %arg9: memref<512x256xf32, #tpu.memory_space<vmem>>, %arg10: memref<1x256xf32, #tpu.memory_space<vmem>>, %arg11: memref<400x128xf32, #tpu.memory_space<vmem>>, %arg12: memref<400x128xf32, #tpu.memory_space<vmem>>, %arg13: memref<400x256xf32, #tpu.memory_space<vmem>>) attributes {dimension_semantics = [#tpu.dimension_semantics<arbitrary>], iteration_bounds = array<i64: 25>, scalar_prefetch = 0 : i64, scratch_operands = 0 : i64, tpu.core_type = #tpu.core_type<tc>, window_params = [{transform_indices = @transform_0, window_bounds = array<i64: 400, 128>}, {transform_indices = @transform_1, window_bounds = array<i64: 400, 128>}, {transform_indices = @transform_2, window_bounds = array<i64: 400, 1>}, {transform_indices = @transform_3, window_bounds = array<i64: 400, 256>}, {pipeline_mode = #tpu.pipeline_mode<synchronous>, transform_indices = @transform_4, window_bounds = array<i64: 256, 512>}, {pipeline_mode = #tpu.pipeline_mode<synchronous>, transform_indices = @transform_5, window_bounds = array<i64: 1, 512>}, {pipeline_mode = #tpu.pipeline_mode<synchronous>, transform_indices = @transform_6, window_bounds = array<i64: 256, 512>}, {pipeline_mode = #tpu.pipeline_mode<synchronous>, transform_indices = @transform_7, window_bounds = array<i64: 512, 256>}, {pipeline_mode = #tpu.pipeline_mode<synchronous>, transform_indices = @transform_8, window_bounds = array<i64: 512, 256>}, {pipeline_mode = #tpu.pipeline_mode<synchronous>, transform_indices = @transform_9, window_bounds = array<i64: 1, 256>}, {transform_indices = @transform_10, window_bounds = array<i64: 400, 128>}, {transform_indices = @transform_11, window_bounds = array<i64: 400, 128>}, {transform_indices = @transform_12, window_bounds = array<i64: 400, 256>}]} {
    %get3A = arith.constant 0 : index
    %get3A_0 = arith.constant 0 : index
    %get3A_1 = vector.load %arg3[%get3A, %get3A_0] : memref<400x1xf32, #tpu.memory_space<vmem>>, vector<400x1xf32>
    %max3A = arith.constant 1.000000e+00 : f32
    %max3A_2 = vector.broadcast %max3A : f32 to vector<400x1xf32>
    %max3A_3 = arith.maximumf %get3A_1, %max3A_2 : vector<400x1xf32>
    %div3A = arith.constant 1.000000e+00 : f32
    %div3A_4 = vector.broadcast %div3A : f32 to vector<400x1xf32>
    %div3A_5 = arith.divf %div3A_4, %max3A_3 : vector<400x1xf32>
    %get3A_6 = arith.constant 0 : index
    %get3A_7 = arith.constant 0 : index
    %get3A_8 = vector.load %arg1[%get3A_6, %get3A_7] : memref<400x128xf32, #tpu.memory_space<vmem>>, vector<400x128xf32>
    %get3A_9 = arith.constant 0 : index
    %get3A_10 = arith.constant 0 : index
    %get3A_11 = vector.load %arg2[%get3A_9, %get3A_10] : memref<400x128xf32, #tpu.memory_space<vmem>>, vector<400x128xf32>
    %concatenate3A = tpu.concatenate %get3A_8, %get3A_11 in 1 : vector<400x128xf32>, vector<400x128xf32> -> vector<400x256xf32>
    %mul3A = vector.broadcast %div3A_5 : vector<400x1xf32> to vector<400x256xf32>
    %mul3A_12 = arith.mulf %concatenate3A, %mul3A : vector<400x256xf32>
    %get3A_13 = arith.constant 0 : index
    %get3A_14 = arith.constant 0 : index
    %get3A_15 = vector.load %arg5[%get3A_13, %get3A_14] : memref<256x512xf32, #tpu.memory_space<vmem>>, vector<256x512xf32>
    %dot_general3A = arith.constant dense<0.000000e+00> : vector<400x512xf32>
    %dot_general3A_16 = tpu.matmul %mul3A_12, %get3A_15, %dot_general3A {dimension_numbers = #tpu.dot_dimension_numbers<[1], [0], [0], [1], [0, 0, 1, 1], [], []>, transpose_lhs_hint = false} : vector<400x256xf32>, vector<256x512xf32>, vector<400x512xf32> -> vector<400x512xf32>
    %get3A_17 = arith.constant 0 : index
    %get3A_18 = arith.constant 0 : index
    %get3A_19 = vector.load %arg4[%get3A_17, %get3A_18] : memref<400x256xf32, #tpu.memory_space<vmem>>, vector<400x256xf32>
    %get3A_20 = arith.constant 0 : index
    %get3A_21 = arith.constant 0 : index
    %get3A_22 = vector.load %arg7[%get3A_20, %get3A_21] : memref<256x512xf32, #tpu.memory_space<vmem>>, vector<256x512xf32>
    %dot_general3A_23 = arith.constant dense<0.000000e+00> : vector<400x512xf32>
    %dot_general3A_24 = tpu.matmul %get3A_19, %get3A_22, %dot_general3A_23 {dimension_numbers = #tpu.dot_dimension_numbers<[1], [0], [0], [1], [0, 0, 1, 1], [], []>, transpose_lhs_hint = false} : vector<400x256xf32>, vector<256x512xf32>, vector<400x512xf32> -> vector<400x512xf32>
    %add3A = arith.addf %dot_general3A_16, %dot_general3A_24 : vector<400x512xf32>
    %get3A_25 = arith.constant 0 : index
    %get3A_26 = arith.constant 0 : index
    %get3A_27 = vector.load %arg6[%get3A_25, %get3A_26] : memref<1x512xf32, #tpu.memory_space<vmem>>, vector<1x512xf32>
    %add3A_28 = vector.broadcast %get3A_27 : vector<1x512xf32> to vector<400x512xf32>
    %add3A_29 = arith.addf %add3A, %add3A_28 : vector<400x512xf32>
    %max3A_30 = arith.constant 0.000000e+00 : f32
    %max3A_31 = vector.broadcast %max3A_30 : f32 to vector<400x512xf32>
    %max3A_32 = arith.maximumf %add3A_29, %max3A_31 : vector<400x512xf32>
    %get3A_33 = arith.constant 0 : index
    %get3A_34 = arith.constant 0 : index
    %get3A_35 = vector.load %arg8[%get3A_33, %get3A_34] : memref<512x256xf32, #tpu.memory_space<vmem>>, vector<512x256xf32>
    %dot_general3A_36 = arith.constant dense<0.000000e+00> : vector<400x256xf32>
    %dot_general3A_37 = tpu.matmul %max3A_32, %get3A_35, %dot_general3A_36 {dimension_numbers = #tpu.dot_dimension_numbers<[1], [0], [0], [1], [0, 0, 1, 1], [], []>, transpose_lhs_hint = false} : vector<400x512xf32>, vector<512x256xf32>, vector<400x256xf32> -> vector<400x256xf32>
    %slice3A = vector.extract_strided_slice %dot_general3A_37 {offsets = [0, 0], sizes = [400, 128], strides = [1, 1]} : vector<400x256xf32> to vector<400x128xf32>
    %swap3A = arith.constant 0 : index
    %swap3A_38 = arith.constant 0 : index
    %swap3A_39 = vector.load %arg11[%swap3A, %swap3A_38] : memref<400x128xf32, #tpu.memory_space<vmem>>, vector<400x128xf32>
    tpu.vector_store %arg11[%swap3A, %swap3A_38], %slice3A {strides = array<i32>} : memref<400x128xf32, #tpu.memory_space<vmem>>, vector<400x128xf32>,
    %slice3A_40 = vector.extract_strided_slice %dot_general3A_37 {offsets = [0, 128], sizes = [400, 128], strides = [1, 1]} : vector<400x256xf32> to vector<400x128xf32>
    %swap3A_41 = arith.constant 0 : index
    %swap3A_42 = arith.constant 0 : index
    %swap3A_43 = vector.load %arg12[%swap3A_41, %swap3A_42] : memref<400x128xf32, #tpu.memory_space<vmem>>, vector<400x128xf32>
    tpu.vector_store %arg12[%swap3A_41, %swap3A_42], %slice3A_40 {strides = array<i32>} : memref<400x128xf32, #tpu.memory_space<vmem>>, vector<400x128xf32>,
    %get3A_44 = arith.constant 0 : index
    %get3A_45 = arith.constant 0 : index
    %get3A_46 = vector.load %arg9[%get3A_44, %get3A_45] : memref<512x256xf32, #tpu.memory_space<vmem>>, vector<512x256xf32>
    %dot_general3A_47 = arith.constant dense<0.000000e+00> : vector<400x256xf32>
    %dot_general3A_48 = tpu.matmul %max3A_32, %get3A_46, %dot_general3A_47 {dimension_numbers = #tpu.dot_dimension_numbers<[1], [0], [0], [1], [0, 0, 1, 1], [], []>, transpose_lhs_hint = false} : vector<400x512xf32>, vector<512x256xf32>, vector<400x256xf32> -> vector<400x256xf32>
    %get3A_49 = arith.constant 0 : index
    %get3A_50 = arith.constant 0 : index
    %get3A_51 = vector.load %arg10[%get3A_49, %get3A_50] : memref<1x256xf32, #tpu.memory_space<vmem>>, vector<1x256xf32>
    %add3A_52 = vector.broadcast %get3A_51 : vector<1x256xf32> to vector<400x256xf32>
    %add3A_53 = arith.addf %dot_general3A_48, %add3A_52 : vector<400x256xf32>
    %swap3A_54 = arith.constant 0 : index
    %swap3A_55 = arith.constant 0 : index
    %swap3A_56 = vector.load %arg13[%swap3A_54, %swap3A_55] : memref<400x256xf32, #tpu.memory_space<vmem>>, vector<400x256xf32>
    tpu.vector_store %arg13[%swap3A_54, %swap3A_55], %add3A_53 {strides = array<i32>} : memref<400x256xf32, #tpu.memory_space<vmem>>, vector<400x256xf32>,
    return
  }
  func.func @transform_0(%arg0: i32) -> (i32, i32) {
    %c0_i32 = arith.constant 0 : i32
    %c0_i32_0 = arith.constant 0 : i32
    return %arg0, %c0_i32 : i32, i32
  }
  func.func @transform_1(%arg0: i32) -> (i32, i32) {
    %c0_i32 = arith.constant 0 : i32
    %c0_i32_0 = arith.constant 0 : i32
    return %arg0, %c0_i32 : i32, i32
  }
  func.func @transform_2(%arg0: i32) -> (i32, i32) {
    %c0_i32 = arith.constant 0 : i32
    %c0_i32_0 = arith.constant 0 : i32
    return %arg0, %c0_i32 : i32, i32
  }
  func.func @transform_3(%arg0: i32) -> (i32, i32) {
    %c0_i32 = arith.constant 0 : i32
    %c0_i32_0 = arith.constant 0 : i32
    return %arg0, %c0_i32 : i32, i32
  }
  func.func @transform_4(%arg0: i32) -> (i32, i32) {
    %c0_i32 = arith.constant 0 : i32
    %c0_i32_0 = arith.constant 0 : i32
    %c0_i32_1 = arith.constant 0 : i32
    return %c0_i32, %c0_i32_0 : i32, i32
  }
  func.func @transform_5(%arg0: i32) -> (i32, i32) {
    %c0_i32 = arith.constant 0 : i32
    %c0_i32_0 = arith.constant 0 : i32
    %c0_i32_1 = arith.constant 0 : i32
    return %c0_i32, %c0_i32_0 : i32, i32
  }
  func.func @transform_6(%arg0: i32) -> (i32, i32) {
    %c0_i32 = arith.constant 0 : i32
    %c0_i32_0 = arith.constant 0 : i32
    %c0_i32_1 = arith.constant 0 : i32
    return %c0_i32, %c0_i32_0 : i32, i32
  }
  func.func @transform_7(%arg0: i32) -> (i32, i32) {
    %c0_i32 = arith.constant 0 : i32
    %c0_i32_0 = arith.constant 0 : i32
    %c0_i32_1 = arith.constant 0 : i32
    return %c0_i32, %c0_i32_0 : i32, i32
  }
  func.func @transform_8(%arg0: i32) -> (i32, i32) {
    %c0_i32 = arith.constant 0 : i32
    %c0_i32_0 = arith.constant 0 : i32
    %c0_i32_1 = arith.constant 0 : i32
    return %c0_i32, %c0_i32_0 : i32, i32
  }
  func.func @transform_9(%arg0: i32) -> (i32, i32) {
    %c0_i32 = arith.constant 0 : i32
    %c0_i32_0 = arith.constant 0 : i32
    %c0_i32_1 = arith.constant 0 : i32
    return %c0_i32, %c0_i32_0 : i32, i32
  }
  func.func @transform_10(%arg0: i32) -> (i32, i32) {
    %c0_i32 = arith.constant 0 : i32
    %c0_i32_0 = arith.constant 0 : i32
    return %arg0, %c0_i32 : i32, i32
  }
  func.func @transform_11(%arg0: i32) -> (i32, i32) {
    %c0_i32 = arith.constant 0 : i32
    %c0_i32_0 = arith.constant 0 : i32
    return %arg0, %c0_i32 : i32, i32
  }
  func.func @transform_12(%arg0: i32) -> (i32, i32) {
    %c0_i32 = arith.constant 0 : i32
    %c0_i32_0 = arith.constant 0 : i32
    return %arg0, %c0_i32 : i32, i32
  }
}

module attributes {stable_mosaic.version = 14 : i64} {
  func.func @_tc2_body(%arg0: i32, %arg1: memref<400x128xf32, #tpu.memory_space<vmem>>, %arg2: memref<400x128xf32, #tpu.memory_space<vmem>>, %arg3: memref<400x1xf32, #tpu.memory_space<vmem>>, %arg4: memref<400x256xf32, #tpu.memory_space<vmem>>, %arg5: memref<400x256xf32, #tpu.memory_space<vmem>>) attributes {dimension_semantics = [#tpu.dimension_semantics<arbitrary>], iteration_bounds = array<i64: 25>, scalar_prefetch = 0 : i64, scratch_operands = 0 : i64, tpu.core_type = #tpu.core_type<tc>, window_params = [{transform_indices = @transform_0, window_bounds = array<i64: 400, 128>}, {transform_indices = @transform_1, window_bounds = array<i64: 400, 128>}, {transform_indices = @transform_2, window_bounds = array<i64: 400, 1>}, {transform_indices = @transform_3, window_bounds = array<i64: 400, 256>}, {transform_indices = @transform_4, window_bounds = array<i64: 400, 256>}]} {
    %get3A = arith.constant 0 : index
    %get3A_0 = arith.constant 0 : index
    %get3A_1 = vector.load %arg3[%get3A, %get3A_0] : memref<400x1xf32, #tpu.memory_space<vmem>>, vector<400x1xf32>
    %max3A = arith.constant 1.000000e+00 : f32
    %max3A_2 = vector.broadcast %max3A : f32 to vector<400x1xf32>
    %max3A_3 = arith.maximumf %get3A_1, %max3A_2 : vector<400x1xf32>
    %div3A = arith.constant 1.000000e+00 : f32
    %div3A_4 = vector.broadcast %div3A : f32 to vector<400x1xf32>
    %div3A_5 = arith.divf %div3A_4, %max3A_3 : vector<400x1xf32>
    %get3A_6 = arith.constant 0 : index
    %get3A_7 = arith.constant 0 : index
    %get3A_8 = vector.load %arg1[%get3A_6, %get3A_7] : memref<400x128xf32, #tpu.memory_space<vmem>>, vector<400x128xf32>
    %get3A_9 = arith.constant 0 : index
    %get3A_10 = arith.constant 0 : index
    %get3A_11 = vector.load %arg2[%get3A_9, %get3A_10] : memref<400x128xf32, #tpu.memory_space<vmem>>, vector<400x128xf32>
    %concatenate3A = tpu.concatenate %get3A_8, %get3A_11 in 1 : vector<400x128xf32>, vector<400x128xf32> -> vector<400x256xf32>
    %mul3A = vector.broadcast %div3A_5 : vector<400x1xf32> to vector<400x256xf32>
    %mul3A_12 = arith.mulf %concatenate3A, %mul3A : vector<400x256xf32>
    %get3A_13 = arith.constant 0 : index
    %get3A_14 = arith.constant 0 : index
    %get3A_15 = vector.load %arg4[%get3A_13, %get3A_14] : memref<400x256xf32, #tpu.memory_space<vmem>>, vector<400x256xf32>
    %add3A = arith.addf %mul3A_12, %get3A_15 : vector<400x256xf32>
    %max3A_16 = arith.constant 0.000000e+00 : f32
    %max3A_17 = vector.broadcast %max3A_16 : f32 to vector<400x256xf32>
    %max3A_18 = arith.maximumf %add3A, %max3A_17 : vector<400x256xf32>
    %swap3A = arith.constant 0 : index
    %swap3A_19 = arith.constant 0 : index
    %swap3A_20 = vector.load %arg5[%swap3A, %swap3A_19] : memref<400x256xf32, #tpu.memory_space<vmem>>, vector<400x256xf32>
    tpu.vector_store %arg5[%swap3A, %swap3A_19], %max3A_18 {strides = array<i32>} : memref<400x256xf32, #tpu.memory_space<vmem>>, vector<400x256xf32>,
    return
  }
  func.func @transform_0(%arg0: i32) -> (i32, i32) {
    %c0_i32 = arith.constant 0 : i32
    %c0_i32_0 = arith.constant 0 : i32
    return %arg0, %c0_i32 : i32, i32
  }
  func.func @transform_1(%arg0: i32) -> (i32, i32) {
    %c0_i32 = arith.constant 0 : i32
    %c0_i32_0 = arith.constant 0 : i32
    return %arg0, %c0_i32 : i32, i32
  }
  func.func @transform_2(%arg0: i32) -> (i32, i32) {
    %c0_i32 = arith.constant 0 : i32
    %c0_i32_0 = arith.constant 0 : i32
    return %arg0, %c0_i32 : i32, i32
  }
  func.func @transform_3(%arg0: i32) -> (i32, i32) {
    %c0_i32 = arith.constant 0 : i32
    %c0_i32_0 = arith.constant 0 : i32
    return %arg0, %c0_i32 : i32, i32
  }
  func.func @transform_4(%arg0: i32) -> (i32, i32) {
    %c0_i32 = arith.constant 0 : i32
    %c0_i32_0 = arith.constant 0 : i32
    return %arg0, %c0_i32 : i32, i32
  }
}

</mosaic_0001>

<sc_bundles>
// kernel: kernel.6.cloned.1.call-start
scs
__scs_entry_jumppad:
0x0: {  	(pc) =	sbr.rel $0x88, $3  }
0x1: {  	(tag) =	ssettag $0x0;
	lr =	simm.s32 $0x1  }
0x2: {  	[smem:$0x3F99] =	sst lr;
	_ =	strace $0xD0000000  }
0x3: {  	_ = 	snop  }
0x4: {  	_ = 	snop  }
0x5: {  	_ = 	snop  }
0x6: {  	_ = 	snop  }
0x7: {  	_ = 	snop  }
__scs_overlays_trampoline_lowered:
0x8: {  	[smem:$0x3FA8] =	sst s0  }
0x9: {  	[smem:$0x3FA9] =	sst s1  }
0xa: {  	[smem:$0x3FAA] =	sst s2  }
0xb: {  	[smem:$0x3FAB] =	sst s3  }
0xc: {  	[smem:$0x3FAC] =	sst s4  }
0xd: {  	[smem:$0x3FAD] =	sst s5  }
0xe: {  	[smem:$0x3FAE] =	sst s6  }
0xf: {  	[smem:$0x3FAF] =	sst s7  }
0x10: {  	[smem:$0x3FB0] =	sst s8  }
0x11: {  	[smem:$0x3FB1] =	sst s9;
	s0 =	simm.s32 @!p0 $0x0  }
0x12: {  	s1 =	sld [smem:$0x3F97];
	s0 =	simm.s32 @p0 $0x1  }
0x13: {  	[smem:$0x3FB2] =	sst s0;
	s0 =	simm.s32 @!p1 $0x0  }
0x14: {  	s2 =	sld [smem:$0x3F96];
	s0 =	simm.s32 @p1 $0x1  }
0x15: {  	[smem:$0x3FB3] =	sst s0;
	s0 =	simm.s32 @!p2 $0x0  }
0x16: {  	s3 =	sld [smem:$0x3FDB];
	s0 =	simm.s32 @p2 $0x1  }
0x17: {  	s4 =	simm.s32 $0x1BF5;
	[smem:$0x3FB5] =	sst s0  }
0x18: {  	s0 =	sld [smem:$0x3F98];
	_ =	swait.ge [sflag:s4], $0x0  }
0x19: {  	s7 =	sld [smem:$0x3F99]  }
0x1a: {  	s8 =	sadd.s32 $0xFFFFE003, lr  }
0x1b: {  	s9 =	sadd.s32 $0xFFFFFEF7, lr;
	s5 =	simm.s32 $0xFFFFFFFF;
	p2 =	slt.u32 s8, $0xFFFFF086  }
0x1c: {  	p1 =	slt.u32 s9, $0xF7A;
	s5 =	simm.s32 @!p2 $0x0  }
0x1d: {  	s5 =	simm.s32 @p1 $0x1;
	p0 =	seq.s32 s7, s2  }
0x1e: {  	s7 =	smul.u32 @!p0 $0xF7A, s2;
	p2 =	seq.s32 @!p0 s5, $0x0  }
0x1f: {  	s9 =	smul.u32 $0xF7A, s1;
	s8 =	simm.s32 @!p0 $0x1BF5;
	p2 =	por !p2, p0  }
0x20: {  	[sflag:s8] =	ssyncset.s32 @!p0 $0xFFFFF086;
	s6 =	sadd.s32 @!p0 s3, s7;
	s7 =	simm.s32 @!p0 $0x108  }
0x21: {  	s3 =	sadd.s32 s3, s9;
	s6 =	sadd.s32 @!p0 $0x88, s6;
	s7 =	simm.s32 @p2 $0x1082  }
0x22: {  	[simem:s7], [sflag:s8] =	dma.local @!p0 [hbm:s6], $0xF7A  }
0x23: {  	s9 =	sor.u32 $0xD0000000, s2;
	s6 =	simm.s32 $0x108;
	_ =	swait.ge @!p0 [sflag:s8], $0x0  }
0x24: {  	s3 =	sadd.s32 $0x88, s3;
	s6 =	simm.s32 @!p1 $0x1082;
	[sflag:s4] =	ssyncset.s32 $0xFFFFF086  }
0x25: {  	[simem:s6], [sflag:s4] =	dma.local [hbm:s3], $0xF7A  }
0x26: {  	[smem:$0x3F99] =	sst s1;
	(tag) =	ssettag s2;
	_ =	strace s9  }
0x27: {  	s1 =	sld [smem:$0x3FA9]  }
0x28: {  	s2 =	sld [smem:$0x3FAA]  }
0x29: {  	s4 =	sld [smem:$0x3FAC]  }
0x2a: {  	p0 =	seq.s32 s5, $0x0;
	s5 =	sld [smem:$0x3FAD]  }
0x2b: {  	s6 =	sld [smem:$0x3FAE]  }
0x2c: {  	s7 =	sld [smem:$0x3FAF]  }
0x2d: {  	s3 =	simm.s32 $0x108;
	s8 =	sld [smem:$0x3FB0]  }
0x2e: {  	s3 =	simm.s32 @!p0 $0x1082;
	s9 =	sld [smem:$0x3FB1]  }
0x2f: {  	lr =	sadd.s32 s0, s3;
	s0 =	sld [smem:$0x3FA8]  }
0x30: {  	s3 =	sld [smem:$0x3FAB]  }
0x31: {  	[smem:$0x3FB4] =	sst s10  }
0x32: {  	s10 =	sld [smem:$0x3FB2];
	_ =	sdelay $0x3  }
0x33: {  	p0 =	seq.s32 s10, $0x1;
	s10 =	sld [smem:$0x3FB4];
	_ =	sdelay $0x3  }
0x34: {  	[smem:$0x3FB4] =	sst s10  }
0x35: {  	s10 =	sld [smem:$0x3FB3];
	_ =	sdelay $0x3  }
0x36: {  	p1 =	seq.s32 s10, $0x1;
	s10 =	sld [smem:$0x3FB4];
	_ =	sdelay $0x3  }
0x37: {  	[smem:$0x3FB4] =	sst s10  }
0x38: {  	s10 =	sld [smem:$0x3FB5]  }
0x39: {  	_ = 	snop;
	(pc) =	sbr.ind lr, $3  }
0x3a: {  	_ = 	snop  }
0x3b: {  	_ = 	snop  }
0x3c: {  	p2 =	seq.s32 s10, $0x1;
	s10 =	sld [smem:$0x3FB4]  }
0x3d: {  	_ =	shalt  }
0x3e: {  	_ =	shalt  }
0x3f: {  	_ =	shalt  }
0x40: {  	_ =	shalt  }
0x41: {  	_ =	shalt  }
0x42: {  	_ =	shalt  }
0x43: {  	_ =	shalt  }
0x44: {  	_ =	shalt  }
0x45: {  	_ =	shalt  }
0x46: {  	_ =	shalt  }
0x47: {  	_ =	shalt  }
0x48: {  	_ =	shalt  }
0x49: {  	_ =	shalt  }
0x4a: {  	_ =	shalt  }
0x4b: {  	_ =	shalt  }
0x4c: {  	_ =	shalt  }
0x4d: {  	_ =	shalt  }
0x4e: {  	_ =	shalt  }
0x4f: {  	_ =	shalt  }
0x50: {  	_ =	shalt  }
0x51: {  	_ =	shalt  }
0x52: {  	_ =	shalt  }
0x53: {  	_ =	shalt  }
0x54: {  	_ =	shalt  }
0x55: {  	_ =	shalt  }
0x56: {  	_ =	shalt  }
0x57: {  	_ =	shalt  }
0x58: {  	_ =	shalt  }
0x59: {  	_ =	shalt  }
0x5a: {  	_ =	shalt  }
0x5b: {  	_ =	shalt  }
0x5c: {  	_ =	shalt  }
0x5d: {  	_ =	shalt  }
0x5e: {  	_ =	shalt  }
0x5f: {  	_ =	shalt  }
0x60: {  	_ =	shalt  }
0x61: {  	_ =	shalt  }
0x62: {  	_ =	shalt  }
0x63: {  	_ =	shalt  }
0x64: {  	_ =	shalt  }
0x65: {  	_ =	shalt  }
0x66: {  	_ =	shalt  }
0x67: {  	_ =	shalt  }
0x68: {  	_ =	shalt  }
0x69: {  	_ =	shalt  }
0x6a: {  	_ =	shalt  }
0x6b: {  	_ =	shalt  }
0x6c: {  	_ =	shalt  }
0x6d: {  	_ =	shalt  }
0x6e: {  	_ =	shalt  }
0x6f: {  	_ =	shalt  }
0x70: {  	_ =	shalt  }
0x71: {  	_ =	shalt  }
0x72: {  	_ =	shalt  }
0x73: {  	_ =	shalt  }
0x74: {  	_ =	shalt  }
0x75: {  	_ =	shalt  }
0x76: {  	_ =	shalt  }
0x77: {  	_ =	shalt  }
0x78: {  	_ =	shalt  }
0x79: {  	_ =	shalt  }
0x7a: {  	_ =	shalt  }
0x7b: {  	_ =	shalt  }
0x7c: {  	_ =	shalt  }
0x7d: {  	_ =	shalt  }
0x7e: {  	_ =	shalt  }
0x7f: {  	_ =	shalt  }
0x80: {  	_ =	shalt  }
0x81: {  	_ =	shalt  }
0x82: {  	_ =	shalt  }
0x83: {  	_ =	shalt  }
0x84: {  	_ =	shalt  }
0x85: {  	_ =	shalt  }
0x86: {  	_ =	shalt  }
0x87: {  	_ =	shalt  }
.Lfunc_end0:
.L_simem_size_0:
called_computation_lowered:
.L_overlay_start_0:
0x88: {  	s2 =	sld [smem:$0x3FD9]  }
0x89: {  	s3 =	sld [smem:$0x3FFE];
	_ =	sdelay $0x1  }
0x8a: {  	s1 =	srdreg.scid  }
0x8b: {  	s0 =	sand.u32 $0x1, s1  }
0x8c: {  	s17 =	sshll.u32 s0, $0xA;
	s2 =	sadd.s32 s3, s2  }
0x8d: {  	s2 =	sadd.s32 s2, s17  }
0x8e: {  	[smem:$0x3FC0] =	sst s2  }
0x8f: {  	_ = 	snop  }
0x90: {  	s2 =	sld [smem:$0x3FD0];
	(tm) =	ssettm $0x1  }
0x91: {  	s18 =	sld [smem:$0x3FFB];
	_ =	sdelay $0x3  }
0x92: {  	_ =	strace s18  }
0x93: {  	s3 =	sld [smem:$0x3FFC];
	_ =	sdelay $0x3  }
0x94: {  	_ =	strace s3  }
0x95: {  	s3 =	sld [smem:$0x3FFD];
	_ =	sdelay $0x3  }
0x96: {  	_ =	strace s3  }
0x97: {  	_ =	strace $0x8FFFFFFF  }
0x98: {  	s19 =	sld [smem:$0x3FDB];
	_ =	sdelay $0x1  }
0x99: {  	s4 =	simm.s32 $_scs_section_size  }
0x9a: {  	s5 =	simm.s32 $_size__tile_overlayer_lowered;
	s6 =	simm.s32 $_tile_overlayer_lowered  }
0x9b: {  	s22 =	simm.s32 $0x1BFF;
	s21 =	sshll.u32 s6, $0x1;
	s3 =	sadd.s32 s4, s19  }
0x9c: {  	s7 =	simm.s32 $0x0;
	s20 =	sshll.u32 s5, $0x1;
	s5 =	sadd.s32 s21, s3  }
0x9d: {  	[timem:s7], [sflag:s22] =	dma.local [hbm:s5], s20  }
0x9e: {  	_ =	swait.ge [sflag:s22], s20  }
0x9f: {  	s4 =	ssub.s32 $0x0, s20;
	[sflag:s22] =	ssyncset.done $0x0  }
0xa0: {  	[sflag:s22] =	ssyncadd.s32 s4;
	_ =	sdelay $0x1  }
0xa1: {  	s23 =	simm.s32 $0x1B8B  }
0xa2: {  	_ =	swait.ge [sflag:s23], $0x1  }
0xa3: {  	[sflag:s23] =	ssyncset.done $0x0  }
0xa4: {  	s25 =	simm.s32 $0x1B8E;
	s24 =	sld [smem:$0x3FFE];
	[sflag:s23] =	ssyncadd.s32 $0xFFFFFFFF  }
0xa5: {  	s26 =	simm.s32 $execute0_lowered;
	[smem:$0x3FD2] =	sst s25  }
0xa6: {  	s5 =	sshll.u32 s26, $0x1;
	_ =	strace $0x80000046;
	[dreg:$0x1] =	wrdreg $0xFFFFFFFF  }
0xa7: {  	s28 =	simm.s32 $_size_execute0_lowered;
	s3 =	sadd.s32 s3, s5;
	[dreg:$0x0] =	wrdreg $0x0  }
0xa8: {  	s5 =	sshll.u32 s28, $0x1;
	[dreg:$0x2] =	wrdreg s3  }
0xa9: {  	[dreg:$0x3] =	wrdreg s5  }
0xaa: {  	[dreg:$0x4] =	wrdreg $0xC0  }
0xab: {  	_ =	task [dreg:s7], $0x5FFFF  }
0xac: {  	[dreg:$0x1] =	wrdreg $0xFFFFFFFF  }
0xad: {  	[dreg:$0x0] =	wrdreg $0x60  }
0xae: {  	[dreg:$0x2] =	wrdreg s24  }
0xaf: {  	[dreg:$0x3] =	wrdreg s2  }
0xb0: {  	[dreg:$0x4] =	wrdreg $0x0  }
0xb1: {  	[dreg:$0x5] =	wrdreg $0x140000  }
0xb2: {  	[dreg:$0x6] =	wrdreg $0x9  }
0xb3: {  	_ =	task.clear_ibuf [dreg:s7], $0x7FFFF;
	_ =	strace $0x90000046  }
0xb4: {  	s29 =	simm.s32 $0x9;
	_ =	strace $0x80000048  }
0xb5: {  	_ =	swait.ge [sflag:s29], $0x1  }
0xb6: {  	[sflag:s29] =	ssyncadd.s32 $0xFFFFFFFF  }
0xb7: {  	_ =	strace $0x90000048  }
0xb8: {  	_ =	sfence  }
0xb9: {  	s30 =	sld [smem:$0x0];
	_ =	sdelay $0x2  }
0xba: {  	s31 =	sshll.u32 s1, $0xD;
	s1 =	sshrl.u32 s1, $0x2  }
0xbb: {  	s3 =	sand.u32 $0x4000, s31;
	s1 =	sadd.s32 s1, s30  }
0xbc: {  	s0 =	sor.u32 s3, s0;
	s1 =	sshll.u32 s1, $0x11  }
0xbd: {  	s0 =	sor.u32 s1, s0  }
0xbe: {  	s0 =	sadd.s32 $0x8F2B, s0  }
0xbf: {  	[sflag:s0] =	ssyncadd.remote.s32 $0x1  }
0xc0: {  	_ =	sfence.sel $0xFFFF  }
0xc1: {  	[dreg:$0x0] =	wrdreg $0xFFFFFFFF;
	(pc) =	sbr.abs _section_cstart, $3  }
0xc2: {  	[dreg:$0x1] =	wrdreg $0xFFFFFFFF  }
0xc3: {  	_ =	task.clear_ibuf [dreg:s7], $0x2FFFF;
	_ =	strace $0x9FFFFFFF  }
0xc4: {  	(tm) =	ssettm $0x7FFFFFFF  }
0xc5: {  	_ =	shalt  }
tec
execute0_lowered:
.L_overlay_start_1:
0x0: {  	(tag) =	ssettag $0x1  }
0x1: {  	s0 =	rddreg [dreg:$0x0]  }
0x2: {  	s1 =	rddreg [dreg:$0x1]  }
0x3: {  	s3 =	rddreg [dreg:$0x2]  }
0x4: {  	s4 =	rddreg [dreg:$0x3];
	s5 =	stileid.u32  }
0x5: {  	s2 =	simm.s32 $0x0;
	s8 =	srdreg.scid;
	s20 =	smul.u32 $0x4F8, s5  }
0x6: {  	s29 =	simm.s32 $0x1C200;
	s30 =	simm.s32 $0x2;
	s7 =	smul.u32 $0x14000, s5  }
0x7: {  	s31 =	simm.s32 $0x0;
	[smem:$0x7FF] =	sst s2;
	s14 =	smul.u32 $0x280, s5  }
0x8: {  	s6 =	sadd.s32 $0xCE00, s0;
	s18 =	sand.u32 $0x1, s8;
	s21 =	smul.u32 $0x50000, s5  }
0x9: {  	_ =	strace $0x80000047;
	s10 =	ssub.s32 $0x2, s18;
	p0 =	seq.s32 s18, $0x1  }
0xa: {  	p1 =	seq.s32 s18, $0x0;
	p2 =	sne.s32 s18, $0x0;
	s2 =	sadd.s32 s20, s0  }
0xb: {  	s9 =	sshrl.u32 s7, $0x3;
	s22 =	sshrl.u32 s14, $0x3;
	s23 =	sshrl.u32 s10, $0x1  }
0xc: {  	s8 =	sshrl.u32 s21, $0x2;
	s7 =	sadd.s32 s7, s3;
	s14 =	sadd.s32 s14, s4  }
0xd: {  	s21 =	simm.s32 $0x19200;
	p3 =	seq.s32 @!p0 s18, $0x0;
	s18 =	simm.s32 $0x4  }
0xe: {  	s19 =	sadd.s32 s9, s0;
	s0 =	sadd.s32 s22, s0;
	s20 =	ssub.s32 s10, s23  }
0xf: {  	s13 =	sadd.s32 s8, s3;
	s15 =	sadd.s32 $0x7E00, s2;
	s16 =	sadd.s32 $0x2E00, s2  }
0x10: {  	s22 =	simm.s32 $0x5;
	s23 =	simm.s32 $0x14280;
	p3 =	por p0, !p3  }
0x11: {  	s8 =	simm.s32 $0x16AA0;
	s9 =	simm.s32 $0x19140;
	s10 =	simm.s32 $0x191A0  }
0x12: {  	s2 =	simm.s32 $0x1F200;
	s24 =	sadd.s32 $0x3000, s13;
	s25 =	sadd.s32 $0x6000, s13  }
0x13: {  	s26 =	sadd.s32 $0x9000, s13;
	s11 =	sadd.s32 $0xC000, s13;
	[dreg:$0x7] =	wrdreg s24  }
.Ltmp0:
0x14: {  	s12 =	sadd.s32 $0xF000, s13;
	[dreg:$0x8] =	wrdreg s25;
	(pc) =	sbr.rel .LBB2_1-.Ltmp0, $4  }
0x15: {  	s13 =	sadd.s32 $0x12000, s13;
	s28 =	sadd.s32 $0x5C600, s19;
	[dreg:$0x9] =	wrdreg s26  }
0x16: {  	s17 =	sadd.s32 $0x34600, s19;
	s0 =	sadd.s32 $0x34000, s0;
	[dreg:$0x5] =	wrdreg s28  }
0x17: {  	s20 =	smax.u32 s20, $0x1;
	[dreg:$0x6] =	wrdreg s0;
	s24 =	simm.s32 $0x16A40  }
0x18: {  	v0 =	vimm.f32 $0.0e+00;
	v1 =	vimm.f32 $1.000000000e+00;
	s25 =	simm.s32 $0x60;
	s26 =	simm.s32 $0x1;
	s0 =	simm.s32 $0x3  }
.LBB2_9:
0x19: {  	[tilespmem:s21], [sflag:$0x1] =	stream.indirect.gather [hbm4b:s1+s25], $0x80, s28, s25, $0xb8;
	[tilespmem:$0x1F4E0] =	vst v63  }
0x1a: {  	_ =	swait.ge [sflag:s26], $0x3000  }
0x1b: {  	[sflag:s26] =	ssyncset.done $0x0  }
0x1c: {  	s5 =	simm.s32 $0x19140;
	[sflag:s26] =	ssyncadd.s32 $0xFFFFD000  }
0x1d: {  	[spmem:s3] =	stream.indirect.scatter.add.f32 [tilespmem:s21], [sflag:$0x3], $0x80, s5, s25, $0xb8;
	[tilespmem:$0x1F4E0] =	vst v63  }
0x1e: {  	_ = 	snop  }
0x1f: {  	[spmem:s4] =	stream.indirect.scatter.add.f32 [tilespmem:s2], [sflag:$0x3], $0x1, s5, s25, $0xb8;
	[tilespmem:$0x1F4E0] =	vst v63  }
0x20: {  	_ =	swait.ge [sflag:s18], $0x3000  }
0x21: {  	[sflag:s18] =	ssyncset.done $0x0  }
0x22: {  	[sflag:s18] =	ssyncadd.s32 $0xFFFFD000  }
0x23: {  	_ =	swait.ge [sflag:s18], $0x60  }
0x24: {  	[sflag:s18] =	ssyncset.done $0x0  }
0x25: {  	s19 =	simm.s32 $0x169E0;
	[sflag:s18] =	ssyncadd.s32 $0xFFFFFFA0  }
0x26: {  	[tilespmem:s29], [sflag:$0x2] =	stream.indirect.gather [hbm4b:s1+s25], $0x80, s19, s25, $0xb8;
	[tilespmem:$0x1F4E0] =	vst v63  }
0x27: {  	_ =	swait.ge [sflag:s30], $0x3000  }
0x28: {  	[sflag:s30] =	ssyncset.done $0x0  }
0x29: {  	s28 =	simm.s32 $0x191A0;
	[sflag:s30] =	ssyncadd.s32 $0xFFFFD000  }
0x2a: {  	[spmem:s3] =	stream.indirect.scatter.add.f32 [tilespmem:s29], [sflag:$0x4], $0x80, s28, s25, $0xb8;
	[tilespmem:$0x1F4E0] =	vst v63  }
0x2b: {  	_ = 	snop  }
0x2c: {  	[spmem:s4] =	stream.indirect.scatter.add.f32 [tilespmem:s2], [sflag:$0x4], $0x1, s28, s25, $0xb8;
	[tilespmem:$0x1F4E0] =	vst v63  }
0x2d: {  	_ =	swait.ge [sflag:s0], $0x3000  }
0x2e: {  	[sflag:s0] =	ssyncset.done $0x0  }
0x2f: {  	[sflag:s0] =	ssyncadd.s32 $0xFFFFD000  }
0x30: {  	_ =	swait.ge [sflag:s0], $0x60  }
0x31: {  	[sflag:s0] =	ssyncset.done $0x0  }
0x32: {  	[sflag:s0] =	ssyncadd.s32 $0xFFFFFFA0  }
0x33: {  	_ =	swait.ge [sflag:s18], $0x3000  }
0x34: {  	[sflag:s18] =	ssyncset.done $0x0  }
0x35: {  	[sflag:s18] =	ssyncadd.s32 $0xFFFFD000  }
0x36: {  	_ =	swait.ge [sflag:s18], $0x60  }
0x37: {  	[sflag:s18] =	ssyncset.done $0x0  }
0x38: {  	s9 =	simm.s32 $0x19140;
	s10 =	simm.s32 $0x191A0;
	[sflag:s18] =	ssyncadd.s32 $0xFFFFFFA0  }
.LBB2_10:
0x39: {  	s5 =	stileid.u32  }
0x3a: {  	s5 =	sshll.u32 @!p0 s5, $0x6  }
0x3b: {  	[bflag:$0x0] =	sbarrier.arrive $0xFFFF;
	s19 =	sshrl.u32 @!p0 s7, $0x3;
	s5 =	sor.u32 @!p0 $0x1C05, s5  }
0x3c: {  	[hbm:s17], [sflag:s5] =	dma.local @!p0 [spmem:s19], $0x2800  }
0x3d: {  	s5 =	simm.s32 @!p0 $0x5  }
0x3e: {  	_ =	swait.ge @!p0 [sflag:s5], $0x2800  }
0x3f: {  	[sflag:s5] =	ssyncset.done @!p0 $0x0  }
0x40: {  	[sflag:s5] =	ssyncadd.s32 @!p0 $0xFFFFD800;
	s5 =	stileid.u32 @p3  }
0x41: {  	s5 =	sshll.u32 @p3 s5, $0x6  }
0x42: {  	s19 =	sshrl.u32 @p3 s7, $0x3;
	s28 =	rddreg @p3 [dreg:$0x5];
	s5 =	sor.u32 @p3 $0x1C05, s5  }
0x43: {  	[hbm:s28], [sflag:s5] =	dma.local @p3 [spmem:s19], $0x2800  }
0x44: {  	s31 =	sadd.s32 $0x1, s31;
	_ =	swait.ge @p3 [sflag:s22], $0x2800  }
0x45: {  	p4 =	sne.s32 s31, s20;
	s19 =	sshrl.u32 @p3 s14, $0x3;
	[sflag:s22] =	ssyncset.done @p3 $0x0  }
.Ltmp1:
0x46: {  	s28 =	rddreg @p3 [dreg:$0x6];
	[sflag:s22] =	ssyncadd.s32 @p3 $0xFFFFD800;
	(pc) =	sbr.rel @!p4 .LBB2_11-.Ltmp1, $4  }
0x47: {  	[hbm:s28], [sflag:s5] =	dma.local @p3 [spmem:s19], $0x50  }
0x48: {  	_ =	swait.ge @p3 [sflag:s22], $0x50  }
0x49: {  	[sflag:s22] =	ssyncset.done @p3 $0x0  }
0x4a: {  	[sflag:s22] =	ssyncadd.s32 @p3 $0xFFFFFFB0  }
.LBB2_1:
0x4b: {  	s19 =	simm.s32 $0x0;
	s28 =	simm.s32 $0x200  }
.LBB2_2:
0x4c: {  	p4 =	sne.s32 s28, $0xBE00;
	[tilespmem:s19+$0x19270] =	vst v0  }
0x4d: {  	[tilespmem:s19+$0x19200] =	vst v0  }
0x4e: {  	[tilespmem:s19+$0x19210] =	vst v0  }
.Ltmp2:
0x4f: {  	[tilespmem:s19+$0x19220] =	vst v0;
	(pc) =	sbr.rel @p4 .LBB2_2-.Ltmp2, $4  }
0x50: {  	[tilespmem:s19+$0x19230] =	vst v0  }
0x51: {  	[tilespmem:s19+$0x19240] =	vst v0  }
0x52: {  	[tilespmem:s19+$0x19250] =	vst v0  }
0x53: {  	[tilespmem:s19+$0x19260] =	vst v0;
	s19 =	sshra.s32 s28, $0x2;
	s28 =	sadd.s32 $0x200, s28  }
0x54: {  	[tilespmem:s19+$0x19270] =	vst v0  }
0x55: {  	[tilespmem:s19+$0x19200] =	vst v0  }
0x56: {  	[tilespmem:s19+$0x19210] =	vst v0  }
0x57: {  	[tilespmem:s19+$0x19220] =	vst v0  }
0x58: {  	[tilespmem:s19+$0x19230] =	vst v0  }
0x59: {  	[tilespmem:s19+$0x19240] =	vst v0  }
0x5a: {  	[tilespmem:s19+$0x19250] =	vst v0  }
0x5b: {  	[tilespmem:s19+$0x19260] =	vst v0  }
0x5c: {  	[spmem:s7] =	stream.linear.scatter [tilespmem:s21], [sflag:$0x5], $0x3000, $0x38;
	[tilespmem:$0x1F4E0] =	vst v63  }
0x5d: {  	_ =	swait.ge [sflag:s22], $0x3000  }
0x5e: {  	[sflag:s22] =	ssyncset.done $0x0  }
0x5f: {  	s5 =	rddreg [dreg:$0x7];
	[sflag:s22] =	ssyncadd.s32 $0xFFFFD000  }
0x60: {  	[spmem:s5] =	stream.linear.scatter [tilespmem:s21], [sflag:$0x5], $0x3000, $0x38;
	[tilespmem:$0x1F4E0] =	vst v63  }
0x61: {  	_ =	swait.ge [sflag:s22], $0x3000  }
0x62: {  	[sflag:s22] =	ssyncset.done $0x0  }
0x63: {  	s28 =	rddreg [dreg:$0x8];
	[sflag:s22] =	ssyncadd.s32 $0xFFFFD000  }
0x64: {  	[spmem:s28] =	stream.linear.scatter [tilespmem:s21], [sflag:$0x5], $0x3000, $0x38;
	[tilespmem:$0x1F4E0] =	vst v63  }
0x65: {  	_ =	swait.ge [sflag:s22], $0x3000  }
0x66: {  	[sflag:s22] =	ssyncset.done $0x0  }
0x67: {  	s19 =	rddreg [dreg:$0x9];
	[sflag:s22] =	ssyncadd.s32 $0xFFFFD000  }
0x68: {  	[spmem:s19] =	stream.linear.scatter [tilespmem:s21], [sflag:$0x5], $0x3000, $0x38;
	[tilespmem:$0x1F4E0] =	vst v63  }
0x69: {  	_ =	swait.ge [sflag:s22], $0x3000  }
0x6a: {  	[sflag:s22] =	ssyncset.done $0x0  }
0x6b: {  	[sflag:s22] =	ssyncadd.s32 $0xFFFFD000  }
0x6c: {  	[spmem:s11] =	stream.linear.scatter [tilespmem:s21], [sflag:$0x5], $0x3000, $0x38;
	[tilespmem:$0x1F4E0] =	vst v63  }
0x6d: {  	_ =	swait.ge [sflag:s22], $0x3000  }
0x6e: {  	[sflag:s22] =	ssyncset.done $0x0  }
0x6f: {  	[sflag:s22] =	ssyncadd.s32 $0xFFFFD000  }
0x70: {  	[spmem:s12] =	stream.linear.scatter [tilespmem:s21], [sflag:$0x5], $0x3000, $0x38;
	[tilespmem:$0x1F4E0] =	vst v63  }
0x71: {  	_ =	swait.ge [sflag:s22], $0x3000  }
0x72: {  	[sflag:s22] =	ssyncset.done $0x0  }
0x73: {  	[sflag:s22] =	ssyncadd.s32 $0xFFFFD000  }
0x74: {  	[spmem:s13] =	stream.linear.scatter [tilespmem:s21], [sflag:$0x5], $0x2000, $0x38;
	[tilespmem:$0x1F4E0] =	vst v63  }
0x75: {  	_ =	swait.ge [sflag:s22], $0x2000  }
0x76: {  	[sflag:s22] =	ssyncset.done $0x0  }
0x77: {  	[sflag:s22] =	ssyncadd.s32 $0xFFFFE000  }
0x78: {  	[tilespmem:$0x1F260] =	vst v0  }
0x79: {  	[tilespmem:$0x1F270] =	vst v0  }
0x7a: {  	[tilespmem:$0x1F280] =	vst v0  }
0x7b: {  	[tilespmem:$0x1F290] =	vst v0  }
0x7c: {  	[tilespmem:$0x1F2A0] =	vst v0  }
0x7d: {  	[tilespmem:$0x1F2B0] =	vst v0  }
0x7e: {  	[tilespmem:$0x1F2C0] =	vst v0  }
0x7f: {  	[tilespmem:$0x1F2D0] =	vst v0  }
0x80: {  	[tilespmem:$0x1F2E0] =	vst v0  }
0x81: {  	[tilespmem:$0x1F2F0] =	vst v0  }
0x82: {  	[tilespmem:$0x1F300] =	vst v0  }
0x83: {  	[tilespmem:$0x1F310] =	vst v0  }
0x84: {  	[tilespmem:$0x1F320] =	vst v0  }
0x85: {  	[tilespmem:$0x1F330] =	vst v0  }
0x86: {  	[tilespmem:$0x1F340] =	vst v0  }
0x87: {  	[tilespmem:$0x1F350] =	vst v0  }
0x88: {  	[tilespmem:$0x1F360] =	vst v0  }
0x89: {  	[tilespmem:$0x1F370] =	vst v0  }
0x8a: {  	[tilespmem:$0x1F380] =	vst v0  }
0x8b: {  	[tilespmem:$0x1F390] =	vst v0  }
0x8c: {  	[tilespmem:$0x1F3A0] =	vst v0  }
0x8d: {  	[tilespmem:$0x1F3B0] =	vst v0  }
0x8e: {  	[tilespmem:$0x1F3C0] =	vst v0  }
0x8f: {  	[tilespmem:$0x1F3D0] =	vst v0  }
0x90: {  	[tilespmem:$0x1F3E0] =	vst v0  }
0x91: {  	[tilespmem:$0x1F3F0] =	vst v0  }
0x92: {  	[tilespmem:$0x1F400] =	vst v0  }
0x93: {  	[tilespmem:$0x1F410] =	vst v0  }
0x94: {  	[tilespmem:$0x1F420] =	vst v0  }
0x95: {  	[tilespmem:$0x1F430] =	vst v0  }
0x96: {  	[tilespmem:$0x1F440] =	vst v0  }
0x97: {  	[tilespmem:$0x1F450] =	vst v0  }
0x98: {  	[tilespmem:$0x1F460] =	vst v0  }
0x99: {  	[tilespmem:$0x1F470] =	vst v0  }
0x9a: {  	[tilespmem:$0x1F480] =	vst v0  }
0x9b: {  	[tilespmem:$0x1F490] =	vst v0  }
0x9c: {  	[tilespmem:$0x1F4A0] =	vst v0  }
0x9d: {  	[tilespmem:$0x1F4B0] =	vst v0  }
0x9e: {  	[tilespmem:$0x1F4C0] =	vst v0  }
0x9f: {  	s19 =	simm.s32 @!p1 $0x1F260;
	[tilespmem:$0x1F4D0] =	vst v0  }
0xa0: {  	[spmem:s14] =	stream.linear.scatter @!p1 [tilespmem:s19], [sflag:$0x5], $0x280, $0x38;
	[tilespmem:$0x1F4E0] =	vst v63  }
0xa1: {  	s19 =	simm.s32 @!p1 $0x5  }
0xa2: {  	_ =	swait.ge @!p1 [sflag:s19], $0x280  }
0xa3: {  	[sflag:s19] =	ssyncset.done @!p1 $0x0  }
0xa4: {  	s28 =	simm.s32 $0x0;
	[sflag:s19] =	ssyncadd.s32 @!p1 $0xFFFFFD80  }
0xa5: {  	[tilespmem:s23], [sflag:$0x5] =	stream.linear.gather [hbm4b:s15+s28], $0x27C0, $0x38;
	[tilespmem:$0x1F4E0] =	vst v63  }
0xa6: {  	_ =	swait.ge [sflag:s22], $0x27C0  }
0xa7: {  	[sflag:s22] =	ssyncset.done $0x0  }
0xa8: {  	[sflag:s22] =	ssyncadd.s32 $0xFFFFD840  }
0xa9: {  	[tilespmem:s24], [sflag:$0x5] =	stream.linear.gather [hbm4b:s16+s28], $0x27C0, $0x38;
	[tilespmem:$0x1F4E0] =	vst v63  }
0xaa: {  	_ =	swait.ge [sflag:s22], $0x27C0  }
0xab: {  	[sflag:s22] =	ssyncset.done $0x0  }
0xac: {  	[sflag:s22] =	ssyncadd.s32 $0xFFFFD840  }
0xad: {  	[tilespmem:$0x1F200] =	vst v1  }
0xae: {  	[tilespmem:$0x1F210] =	vst v1  }
0xaf: {  	[tilespmem:$0x1F220] =	vst v1  }
.Ltmp3:
0xb0: {  	[tilespmem:$0x1F230] =	vst v1;
	(pc) =	sbr.rel @p2 .LBB2_7-.Ltmp3, $3  }
0xb1: {  	[tilespmem:$0x1F240] =	vst v1  }
0xb2: {  	[tilespmem:$0x1F250] =	vst v1  }
0xb3: {  	[bflag:$0x0] =	sbarrier.arrive $0xFFFF;
	_ =	sdelay $0x1  }
0xb4: {  	[tilespmem:s21], [sflag:$0x1] =	stream.indirect.gather [hbm4b:s6+s25], $0x80, s23, s25, $0xb8;
	[tilespmem:$0x1F4E0] =	vst v63  }
0xb5: {  	_ =	swait.ge [sflag:s26], $0x3000  }
0xb6: {  	[sflag:s26] =	ssyncset.done $0x0  }
0xb7: {  	[sflag:s26] =	ssyncadd.s32 $0xFFFFD000  }
0xb8: {  	[spmem:s3] =	stream.indirect.scatter.add.f32 [tilespmem:s21], [sflag:$0x3], $0x80, s24, s25, $0xb8;
	[tilespmem:$0x1F4E0] =	vst v63  }
0xb9: {  	s5 =	simm.s32 $0x142E0  }
0xba: {  	[tilespmem:s29], [sflag:$0x2] =	stream.indirect.gather [hbm4b:s6+s25], $0x80, s5, s25, $0xb8;
	[tilespmem:$0x1F4E0] =	vst v63  }
0xbb: {  	_ =	swait.ge [sflag:s30], $0x3000  }
0xbc: {  	[sflag:s30] =	ssyncset.done $0x0  }
0xbd: {  	[sflag:s30] =	ssyncadd.s32 $0xFFFFD000  }
0xbe: {  	[spmem:s3] =	stream.indirect.scatter.add.f32 [tilespmem:s29], [sflag:$0x4], $0x80, s8, s25, $0xb8;
	[tilespmem:$0x1F4E0] =	vst v63  }
0xbf: {  	_ =	swait.ge [sflag:s0], $0x3000  }
0xc0: {  	[sflag:s0] =	ssyncset.done $0x0  }
0xc1: {  	s19 =	simm.s32 $0x14340;
	[sflag:s0] =	ssyncadd.s32 $0xFFFFD000  }
0xc2: {  	[tilespmem:s21], [sflag:$0x1] =	stream.indirect.gather [hbm4b:s6+s25], $0x80, s19, s25, $0xb8;
	[tilespmem:$0x1F4E0] =	vst v63  }
0xc3: {  	_ =	swait.ge [sflag:s26], $0x3000  }
0xc4: {  	[sflag:s26] =	ssyncset.done $0x0  }
0xc5: {  	s19 =	simm.s32 $0x16B00;
	[sflag:s26] =	ssyncadd.s32 $0xFFFFD000  }
0xc6: {  	[spmem:s3] =	stream.indirect.scatter.add.f32 [tilespmem:s21], [sflag:$0x3], $0x80, s19, s25, $0xb8;
	[tilespmem:$0x1F4E0] =	vst v63  }
0xc7: {  	_ =	swait.ge [sflag:s18], $0x3000  }
0xc8: {  	[sflag:s18] =	ssyncset.done $0x0  }
0xc9: {  	s5 =	simm.s32 $0x143A0;
	[sflag:s18] =	ssyncadd.s32 $0xFFFFD000  }
0xca: {  	[tilespmem:s29], [sflag:$0x2] =	stream.indirect.gather [hbm4b:s6+s25], $0x80, s5, s25, $0xb8;
	[tilespmem:$0x1F4E0] =	vst v63  }
0xcb: {  	_ =	swait.ge [sflag:s30], $0x3000  }
0xcc: {  	[sflag:s30] =	ssyncset.done $0x0  }
0xcd: {  	s5 =	simm.s32 $0x16B60;
	[sflag:s30] =	ssyncadd.s32 $0xFFFFD000  }
0xce: {  	[spmem:s3] =	stream.indirect.scatter.add.f32 [tilespmem:s29], [sflag:$0x4], $0x80, s5, s25, $0xb8;
	[tilespmem:$0x1F4E0] =	vst v63  }
0xcf: {  	_ =	swait.ge [sflag:s0], $0x3000  }
0xd0: {  	[sflag:s0] =	ssyncset.done $0x0  }
0xd1: {  	s28 =	simm.s32 $0x14400;
	s19 =	simm.s32 $0xFFFF6A00;
	[sflag:s0] =	ssyncadd.s32 $0xFFFFD000  }
.LBB2_5:
0xd2: {  	[tilespmem:s21], [sflag:$0x1] =	stream.indirect.gather [hbm4b:s6+s25], $0x80, s28, s25, $0xb8;
	[tilespmem:$0x1F4E0] =	vst v63  }
0xd3: {  	s28 =	smov.u32 s19  }
0xd4: {  	p4 =	sne.s32 s19, $0xFFFFFD00;
	s19 =	sadd.s32 $0x300, s19;
	_ =	swait.ge [sflag:s26], $0x3000  }
0xd5: {  	s28 =	sshra.s32 s28, $0x2;
	[sflag:s26] =	ssyncset.done $0x0  }
0xd6: {  	s5 =	sadd.s32 $0x19140, s28;
	[sflag:s26] =	ssyncadd.s32 $0xFFFFD000  }
0xd7: {  	[spmem:s3] =	stream.indirect.scatter.add.f32 [tilespmem:s21], [sflag:$0x3], $0x80, s5, s25, $0xb8;
	[tilespmem:$0x1F4E0] =	vst v63  }
0xd8: {  	_ =	swait.ge [sflag:s18], $0x3000  }
0xd9: {  	[sflag:s18] =	ssyncset.done $0x0  }
0xda: {  	s5 =	sadd.s32 $0x169E0, s28;
	[sflag:s18] =	ssyncadd.s32 $0xFFFFD000  }
0xdb: {  	[tilespmem:s29], [sflag:$0x2] =	stream.indirect.gather [hbm4b:s6+s25], $0x80, s5, s25, $0xb8;
	[tilespmem:$0x1F4E0] =	vst v63  }
0xdc: {  	_ =	swait.ge [sflag:s30], $0x3000  }
0xdd: {  	[sflag:s30] =	ssyncset.done $0x0  }
.Ltmp4:
0xde: {  	s5 =	sadd.s32 $0x191A0, s28;
	[sflag:s30] =	ssyncadd.s32 $0xFFFFD000;
	(pc) =	sbr.rel @p4 .LBB2_5-.Ltmp4, $4  }
0xdf: {  	[spmem:s3] =	stream.indirect.scatter.add.f32 [tilespmem:s29], [sflag:$0x4], $0x80, s5, s25, $0xb8;
	[tilespmem:$0x1F4E0] =	vst v63  }
0xe0: {  	_ =	swait.ge [sflag:s0], $0x3000  }
0xe1: {  	[sflag:s0] =	ssyncset.done $0x0  }
0xe2: {  	s28 =	sadd.s32 $0x16A40, s28;
	[sflag:s0] =	ssyncadd.s32 $0xFFFFD000  }
0xe3: {  	[tilespmem:s21], [sflag:$0x1] =	stream.indirect.gather [hbm4b:s6+s25], $0x80, s28, s25, $0xb8;
	[tilespmem:$0x1F4E0] =	vst v63  }
0xe4: {  	_ =	swait.ge [sflag:s26], $0x3000  }
0xe5: {  	[sflag:s26] =	ssyncset.done $0x0  }
0xe6: {  	[sflag:s26] =	ssyncadd.s32 $0xFFFFD000  }
0xe7: {  	[spmem:s3] =	stream.indirect.scatter.add.f32 [tilespmem:s21], [sflag:$0x3], $0x80, s9, s25, $0xb8;
	[tilespmem:$0x1F4E0] =	vst v63  }
0xe8: {  	_ =	swait.ge [sflag:s18], $0x3000  }
0xe9: {  	[sflag:s18] =	ssyncset.done $0x0  }
0xea: {  	s5 =	simm.s32 $0x169E0;
	[sflag:s18] =	ssyncadd.s32 $0xFFFFD000  }
0xeb: {  	[tilespmem:s29], [sflag:$0x2] =	stream.indirect.gather [hbm4b:s6+s25], $0x80, s5, s25, $0xb8;
	[tilespmem:$0x1F4E0] =	vst v63  }
0xec: {  	_ =	swait.ge [sflag:s30], $0x3000  }
0xed: {  	[sflag:s30] =	ssyncset.done $0x0  }
0xee: {  	[sflag:s30] =	ssyncadd.s32 $0xFFFFD000  }
0xef: {  	[spmem:s3] =	stream.indirect.scatter.add.f32 [tilespmem:s29], [sflag:$0x4], $0x80, s10, s25, $0xb8;
	[tilespmem:$0x1F4E0] =	vst v63  }
0xf0: {  	_ =	swait.ge [sflag:s0], $0x3000  }
.Ltmp5:
0xf1: {  	[sflag:s0] =	ssyncset.done $0x0;
	(pc) =	sbr.rel .LBB2_10-.Ltmp5, $4  }
0xf2: {  	[sflag:s0] =	ssyncadd.s32 $0xFFFFD000  }
0xf3: {  	_ =	swait.ge [sflag:s18], $0x3000  }
0xf4: {  	[sflag:s18] =	ssyncset.done $0x0  }
0xf5: {  	[sflag:s18] =	ssyncadd.s32 $0xFFFFD000  }
.LBB2_7:
0xf6: {  	[tilespmem:s21], [sflag:$0x1] =	stream.indirect.gather [hbm4b:s1+s25], $0x80, s23, s25, $0xb8;
	[tilespmem:$0x1F4E0] =	vst v63  }
0xf7: {  	_ =	swait.ge [sflag:s26], $0x3000  }
0xf8: {  	[sflag:s26] =	ssyncset.done $0x0  }
0xf9: {  	[sflag:s26] =	ssyncadd.s32 $0xFFFFD000  }
0xfa: {  	[spmem:s3] =	stream.indirect.scatter.add.f32 [tilespmem:s21], [sflag:$0x3], $0x80, s24, s25, $0xb8;
	[tilespmem:$0x1F4E0] =	vst v63  }
0xfb: {  	_ = 	snop  }
0xfc: {  	[spmem:s4] =	stream.indirect.scatter.add.f32 [tilespmem:s2], [sflag:$0x3], $0x1, s24, s25, $0xb8;
	[tilespmem:$0x1F4E0] =	vst v63  }
0xfd: {  	s5 =	simm.s32 $0x142E0  }
0xfe: {  	[tilespmem:s29], [sflag:$0x2] =	stream.indirect.gather [hbm4b:s1+s25], $0x80, s5, s25, $0xb8;
	[tilespmem:$0x1F4E0] =	vst v63  }
0xff: {  	_ =	swait.ge [sflag:s30], $0x3000  }
0x100: {  	[sflag:s30] =	ssyncset.done $0x0  }
0x101: {  	s10 =	simm.s32 $0x16AA0;
	[sflag:s30] =	ssyncadd.s32 $0xFFFFD000  }
0x102: {  	[spmem:s3] =	stream.indirect.scatter.add.f32 [tilespmem:s29], [sflag:$0x4], $0x80, s10, s25, $0xb8;
	[tilespmem:$0x1F4E0] =	vst v63  }
0x103: {  	_ = 	snop  }
0x104: {  	[spmem:s4] =	stream.indirect.scatter.add.f32 [tilespmem:s2], [sflag:$0x4], $0x1, s10, s25, $0xb8;
	[tilespmem:$0x1F4E0] =	vst v63  }
0x105: {  	_ =	swait.ge [sflag:s0], $0x3000  }
0x106: {  	[sflag:s0] =	ssyncset.done $0x0  }
0x107: {  	[sflag:s0] =	ssyncadd.s32 $0xFFFFD000  }
0x108: {  	_ =	swait.ge [sflag:s0], $0x60  }
0x109: {  	[sflag:s0] =	ssyncset.done $0x0  }
0x10a: {  	s19 =	simm.s32 $0x14340;
	[sflag:s0] =	ssyncadd.s32 $0xFFFFFFA0  }
0x10b: {  	[tilespmem:s21], [sflag:$0x1] =	stream.indirect.gather [hbm4b:s1+s25], $0x80, s19, s25, $0xb8;
	[tilespmem:$0x1F4E0] =	vst v63  }
0x10c: {  	_ =	swait.ge [sflag:s26], $0x3000  }
0x10d: {  	[sflag:s26] =	ssyncset.done $0x0  }
0x10e: {  	s9 =	simm.s32 $0x16B00;
	[sflag:s26] =	ssyncadd.s32 $0xFFFFD000  }
0x10f: {  	[spmem:s3] =	stream.indirect.scatter.add.f32 [tilespmem:s21], [sflag:$0x3], $0x80, s9, s25, $0xb8;
	[tilespmem:$0x1F4E0] =	vst v63  }
0x110: {  	_ = 	snop  }
0x111: {  	[spmem:s4] =	stream.indirect.scatter.add.f32 [tilespmem:s2], [sflag:$0x3], $0x1, s9, s25, $0xb8;
	[tilespmem:$0x1F4E0] =	vst v63  }
0x112: {  	_ =	swait.ge [sflag:s18], $0x3000  }
0x113: {  	[sflag:s18] =	ssyncset.done $0x0  }
0x114: {  	[sflag:s18] =	ssyncadd.s32 $0xFFFFD000  }
0x115: {  	_ =	swait.ge [sflag:s18], $0x60  }
0x116: {  	[sflag:s18] =	ssyncset.done $0x0  }
0x117: {  	s10 =	simm.s32 $0x143A0;
	[sflag:s18] =	ssyncadd.s32 $0xFFFFFFA0  }
0x118: {  	[tilespmem:s29], [sflag:$0x2] =	stream.indirect.gather [hbm4b:s1+s25], $0x80, s10, s25, $0xb8;
	[tilespmem:$0x1F4E0] =	vst v63  }
0x119: {  	_ =	swait.ge [sflag:s30], $0x3000  }
0x11a: {  	[sflag:s30] =	ssyncset.done $0x0  }
0x11b: {  	s19 =	simm.s32 $0x16B60;
	[sflag:s30] =	ssyncadd.s32 $0xFFFFD000  }
0x11c: {  	[spmem:s3] =	stream.indirect.scatter.add.f32 [tilespmem:s29], [sflag:$0x4], $0x80, s19, s25, $0xb8;
	[tilespmem:$0x1F4E0] =	vst v63  }
0x11d: {  	_ = 	snop  }
0x11e: {  	[spmem:s4] =	stream.indirect.scatter.add.f32 [tilespmem:s2], [sflag:$0x4], $0x1, s19, s25, $0xb8;
	[tilespmem:$0x1F4E0] =	vst v63  }
0x11f: {  	_ =	swait.ge [sflag:s0], $0x3000  }
0x120: {  	[sflag:s0] =	ssyncset.done $0x0  }
0x121: {  	[sflag:s0] =	ssyncadd.s32 $0xFFFFD000  }
0x122: {  	_ =	swait.ge [sflag:s0], $0x60  }
0x123: {  	s8 =	simm.s32 $0x16AA0;
	[sflag:s0] =	ssyncset.done $0x0  }
0x124: {  	s28 =	simm.s32 $0x14400;
	s19 =	simm.s32 $0xFFFF6A00;
	[sflag:s0] =	ssyncadd.s32 $0xFFFFFFA0  }
.LBB2_8:
0x125: {  	[tilespmem:s21], [sflag:$0x1] =	stream.indirect.gather [hbm4b:s1+s25], $0x80, s28, s25, $0xb8;
	[tilespmem:$0x1F4E0] =	vst v63  }
0x126: {  	s5 =	smov.u32 s19  }
0x127: {  	p4 =	sne.s32 s19, $0xFFFFFD00;
	s19 =	sadd.s32 $0x300, s19;
	_ =	swait.ge [sflag:s26], $0x3000  }
0x128: {  	s5 =	sshra.s32 s5, $0x2;
	[sflag:s26] =	ssyncset.done $0x0  }
0x129: {  	s28 =	sadd.s32 $0x19140, s5;
	[sflag:s26] =	ssyncadd.s32 $0xFFFFD000  }
0x12a: {  	[spmem:s3] =	stream.indirect.scatter.add.f32 [tilespmem:s21], [sflag:$0x3], $0x80, s28, s25, $0xb8;
	[tilespmem:$0x1F4E0] =	vst v63  }
0x12b: {  	_ = 	snop  }
0x12c: {  	[spmem:s4] =	stream.indirect.scatter.add.f32 [tilespmem:s2], [sflag:$0x3], $0x1, s28, s25, $0xb8;
	[tilespmem:$0x1F4E0] =	vst v63  }
0x12d: {  	_ =	swait.ge [sflag:s18], $0x3000  }
0x12e: {  	[sflag:s18] =	ssyncset.done $0x0  }
0x12f: {  	[sflag:s18] =	ssyncadd.s32 $0xFFFFD000  }
0x130: {  	_ =	swait.ge [sflag:s18], $0x60  }
0x131: {  	[sflag:s18] =	ssyncset.done $0x0  }
0x132: {  	s28 =	sadd.s32 $0x169E0, s5;
	[sflag:s18] =	ssyncadd.s32 $0xFFFFFFA0  }
0x133: {  	[tilespmem:s29], [sflag:$0x2] =	stream.indirect.gather [hbm4b:s1+s25], $0x80, s28, s25, $0xb8;
	[tilespmem:$0x1F4E0] =	vst v63  }
0x134: {  	_ =	swait.ge [sflag:s30], $0x3000  }
0x135: {  	[sflag:s30] =	ssyncset.done $0x0  }
0x136: {  	s28 =	sadd.s32 $0x191A0, s5;
	[sflag:s30] =	ssyncadd.s32 $0xFFFFD000  }
0x137: {  	[spmem:s3] =	stream.indirect.scatter.add.f32 [tilespmem:s29], [sflag:$0x4], $0x80, s28, s25, $0xb8;
	[tilespmem:$0x1F4E0] =	vst v63  }
0x138: {  	_ = 	snop  }
0x139: {  	[spmem:s4] =	stream.indirect.scatter.add.f32 [tilespmem:s2], [sflag:$0x4], $0x1, s28, s25, $0xb8;
	[tilespmem:$0x1F4E0] =	vst v63  }
0x13a: {  	_ =	swait.ge [sflag:s0], $0x3000  }
.Ltmp6:
0x13b: {  	[sflag:s0] =	ssyncset.done $0x0;
	(pc) =	sbr.rel @p4 .LBB2_8-.Ltmp6, $4  }
0x13c: {  	[sflag:s0] =	ssyncadd.s32 $0xFFFFD000  }
0x13d: {  	_ =	swait.ge [sflag:s0], $0x60  }
0x13e: {  	[sflag:s0] =	ssyncset.done $0x0  }
0x13f: {  	s28 =	sadd.s32 $0x16A40, s5;
	[sflag:s0] =	ssyncadd.s32 $0xFFFFFFA0  }
.Ltmp7:
0x140: {  	_ = 	snop;
	(pc) =	sbr.rel .LBB2_9-.Ltmp7, $1  }
0x141: {  	_ =	sdelay $0x3  }
.LBB2_11:
0x142: {  	_ =	sfence.sel $0x180000  }
0x143: {  	[bflag:$0x0] =	sbarrier.arrive $0xFFFF  }
0x144: {  	_ =	strace $0x90000047  }
0x145: {  	s0 =	stileid.u32;
	[bflag:$0x2] =	sbarrier.arrive $0xFFFF  }
0x146: {  	p0 =	sne.s32 s0, $0x0;
	s0 =	rddreg [dreg:$0x4]  }
0x147: {  	s0 =	sadd.s32 @!p0 $0x100000, s0  }
0x148: {  	[sflag:s0] =	ssyncadd.tile.s32 @!p0 $0x1;
	_ =	shalt  }
.Lfunc_end2:
_tile_overlayer_lowered:
.L_overlay_start_2:
0x149: {  	(tag) =	ssettag $0x2  }
0x14a: {  	s0 =	rddreg [dreg:$0x0];
	s2 =	stileid.u32  }
0x14b: {  	s1 =	rddreg [dreg:$0x1];
	p0 =	sne.s32 s2, $0x0  }
0x14c: {  	s3 =	rddreg [dreg:$0x2];
	[bflag:$0x3] =	sbarrier.arrive $0xFFFF;
	s2 =	simm.s32 @!p0 $0x1C05  }
0x14d: {  	[timem:s3], [sflag:s2] =	dma.local @!p0 [hbm:s0], s1  }
0x14e: {  	s0 =	simm.s32 @!p0 $0x5  }
0x14f: {  	_ =	swait.ge @!p0 [sflag:s0], s1  }
0x150: {  	s1 =	ssub.s32 @!p0 $0x0, s1;
	[sflag:s0] =	ssyncset.done @!p0 $0x0  }
0x151: {  	[sflag:s0] =	ssyncadd.s32 @!p0 s1  }
0x152: {  	[bflag:$0x3] =	sbarrier.arrive $0xFFFF  }
0x153: {  	_ =	shalt  }

// kernel: kernel.9.cloned.1.call-start
scs
__scs_entry_jumppad:
0x0: {  	(pc) =	sbr.rel $0x88, $3  }
0x1: {  	(tag) =	ssettag $0x0;
	lr =	simm.s32 $0x1  }
0x2: {  	[smem:$0x3F99] =	sst lr;
	_ =	strace $0xD0000000  }
0x3: {  	_ = 	snop  }
0x4: {  	_ = 	snop  }
0x5: {  	_ = 	snop  }
0x6: {  	_ = 	snop  }
0x7: {  	_ = 	snop  }
__scs_overlays_trampoline_lowered:
0x8: {  	[smem:$0x3FA8] =	sst s0  }
0x9: {  	[smem:$0x3FA9] =	sst s1  }
0xa: {  	[smem:$0x3FAA] =	sst s2  }
0xb: {  	[smem:$0x3FAB] =	sst s3  }
0xc: {  	[smem:$0x3FAC] =	sst s4  }
0xd: {  	[smem:$0x3FAD] =	sst s5  }
0xe: {  	[smem:$0x3FAE] =	sst s6  }
0xf: {  	[smem:$0x3FAF] =	sst s7  }
0x10: {  	[smem:$0x3FB0] =	sst s8  }
0x11: {  	[smem:$0x3FB1] =	sst s9;
	s0 =	simm.s32 @!p0 $0x0  }
0x12: {  	s1 =	sld [smem:$0x3F97];
	s0 =	simm.s32 @p0 $0x1  }
0x13: {  	[smem:$0x3FB2] =	sst s0;
	s0 =	simm.s32 @!p1 $0x0  }
0x14: {  	s2 =	sld [smem:$0x3F96];
	s0 =	simm.s32 @p1 $0x1  }
0x15: {  	[smem:$0x3FB3] =	sst s0;
	s0 =	simm.s32 @!p2 $0x0  }
0x16: {  	s3 =	sld [smem:$0x3FDB];
	s0 =	simm.s32 @p2 $0x1  }
0x17: {  	s4 =	simm.s32 $0x1BF5;
	[smem:$0x3FB5] =	sst s0  }
0x18: {  	s0 =	sld [smem:$0x3F98];
	_ =	swait.ge [sflag:s4], $0x0  }
0x19: {  	s7 =	sld [smem:$0x3F99]  }
0x1a: {  	s8 =	sadd.s32 $0xFFFFE003, lr  }
0x1b: {  	s9 =	sadd.s32 $0xFFFFFEF7, lr;
	s5 =	simm.s32 $0xFFFFFFFF;
	p2 =	slt.u32 s8, $0xFFFFF086  }
0x1c: {  	p1 =	slt.u32 s9, $0xF7A;
	s5 =	simm.s32 @!p2 $0x0  }
0x1d: {  	s5 =	simm.s32 @p1 $0x1;
	p0 =	seq.s32 s7, s2  }
0x1e: {  	s7 =	smul.u32 @!p0 $0xF7A, s2;
	p2 =	seq.s32 @!p0 s5, $0x0  }
0x1f: {  	s9 =	smul.u32 $0xF7A, s1;
	s8 =	simm.s32 @!p0 $0x1BF5;
	p2 =	por !p2, p0  }
0x20: {  	[sflag:s8] =	ssyncset.s32 @!p0 $0xFFFFF086;
	s6 =	sadd.s32 @!p0 s3, s7;
	s7 =	simm.s32 @!p0 $0x108  }
0x21: {  	s3 =	sadd.s32 s3, s9;
	s6 =	sadd.s32 @!p0 $0x88, s6;
	s7 =	simm.s32 @p2 $0x1082  }
0x22: {  	[simem:s7], [sflag:s8] =	dma.local @!p0 [hbm:s6], $0xF7A  }
0x23: {  	s9 =	sor.u32 $0xD0000000, s2;
	s6 =	simm.s32 $0x108;
	_ =	swait.ge @!p0 [sflag:s8], $0x0  }
0x24: {  	s3 =	sadd.s32 $0x88, s3;
	s6 =	simm.s32 @!p1 $0x1082;
	[sflag:s4] =	ssyncset.s32 $0xFFFFF086  }
0x25: {  	[simem:s6], [sflag:s4] =	dma.local [hbm:s3], $0xF7A  }
0x26: {  	[smem:$0x3F99] =	sst s1;
	(tag) =	ssettag s2;
	_ =	strace s9  }
0x27: {  	s1 =	sld [smem:$0x3FA9]  }
0x28: {  	s2 =	sld [smem:$0x3FAA]  }
0x29: {  	s4 =	sld [smem:$0x3FAC]  }
0x2a: {  	p0 =	seq.s32 s5, $0x0;
	s5 =	sld [smem:$0x3FAD]  }
0x2b: {  	s6 =	sld [smem:$0x3FAE]  }
0x2c: {  	s7 =	sld [smem:$0x3FAF]  }
0x2d: {  	s3 =	simm.s32 $0x108;
	s8 =	sld [smem:$0x3FB0]  }
0x2e: {  	s3 =	simm.s32 @!p0 $0x1082;
	s9 =	sld [smem:$0x3FB1]  }
0x2f: {  	lr =	sadd.s32 s0, s3;
	s0 =	sld [smem:$0x3FA8]  }
0x30: {  	s3 =	sld [smem:$0x3FAB]  }
0x31: {  	[smem:$0x3FB4] =	sst s10  }
0x32: {  	s10 =	sld [smem:$0x3FB2];
	_ =	sdelay $0x3  }
0x33: {  	p0 =	seq.s32 s10, $0x1;
	s10 =	sld [smem:$0x3FB4];
	_ =	sdelay $0x3  }
0x34: {  	[smem:$0x3FB4] =	sst s10  }
0x35: {  	s10 =	sld [smem:$0x3FB3];
	_ =	sdelay $0x3  }
0x36: {  	p1 =	seq.s32 s10, $0x1;
	s10 =	sld [smem:$0x3FB4];
	_ =	sdelay $0x3  }
0x37: {  	[smem:$0x3FB4] =	sst s10  }
0x38: {  	s10 =	sld [smem:$0x3FB5]  }
0x39: {  	_ = 	snop;
	(pc) =	sbr.ind lr, $3  }
0x3a: {  	_ = 	snop  }
0x3b: {  	_ = 	snop  }
0x3c: {  	p2 =	seq.s32 s10, $0x1;
	s10 =	sld [smem:$0x3FB4]  }
0x3d: {  	_ =	shalt  }
0x3e: {  	_ =	shalt  }
0x3f: {  	_ =	shalt  }
0x40: {  	_ =	shalt  }
0x41: {  	_ =	shalt  }
0x42: {  	_ =	shalt  }
0x43: {  	_ =	shalt  }
0x44: {  	_ =	shalt  }
0x45: {  	_ =	shalt  }
0x46: {  	_ =	shalt  }
0x47: {  	_ =	shalt  }
0x48: {  	_ =	shalt  }
0x49: {  	_ =	shalt  }
0x4a: {  	_ =	shalt  }
0x4b: {  	_ =	shalt  }
0x4c: {  	_ =	shalt  }
0x4d: {  	_ =	shalt  }
0x4e: {  	_ =	shalt  }
0x4f: {  	_ =	shalt  }
0x50: {  	_ =	shalt  }
0x51: {  	_ =	shalt  }
0x52: {  	_ =	shalt  }
0x53: {  	_ =	shalt  }
0x54: {  	_ =	shalt  }
0x55: {  	_ =	shalt  }
0x56: {  	_ =	shalt  }
0x57: {  	_ =	shalt  }
0x58: {  	_ =	shalt  }
0x59: {  	_ =	shalt  }
0x5a: {  	_ =	shalt  }
0x5b: {  	_ =	shalt  }
0x5c: {  	_ =	shalt  }
0x5d: {  	_ =	shalt  }
0x5e: {  	_ =	shalt  }
0x5f: {  	_ =	shalt  }
0x60: {  	_ =	shalt  }
0x61: {  	_ =	shalt  }
0x62: {  	_ =	shalt  }
0x63: {  	_ =	shalt  }
0x64: {  	_ =	shalt  }
0x65: {  	_ =	shalt  }
0x66: {  	_ =	shalt  }
0x67: {  	_ =	shalt  }
0x68: {  	_ =	shalt  }
0x69: {  	_ =	shalt  }
0x6a: {  	_ =	shalt  }
0x6b: {  	_ =	shalt  }
0x6c: {  	_ =	shalt  }
0x6d: {  	_ =	shalt  }
0x6e: {  	_ =	shalt  }
0x6f: {  	_ =	shalt  }
0x70: {  	_ =	shalt  }
0x71: {  	_ =	shalt  }
0x72: {  	_ =	shalt  }
0x73: {  	_ =	shalt  }
0x74: {  	_ =	shalt  }
0x75: {  	_ =	shalt  }
0x76: {  	_ =	shalt  }
0x77: {  	_ =	shalt  }
0x78: {  	_ =	shalt  }
0x79: {  	_ =	shalt  }
0x7a: {  	_ =	shalt  }
0x7b: {  	_ =	shalt  }
0x7c: {  	_ =	shalt  }
0x7d: {  	_ =	shalt  }
0x7e: {  	_ =	shalt  }
0x7f: {  	_ =	shalt  }
0x80: {  	_ =	shalt  }
0x81: {  	_ =	shalt  }
0x82: {  	_ =	shalt  }
0x83: {  	_ =	shalt  }
0x84: {  	_ =	shalt  }
0x85: {  	_ =	shalt  }
0x86: {  	_ =	shalt  }
0x87: {  	_ =	shalt  }
.Lfunc_end0:
.L_simem_size_0:
called_computation.1_lowered:
.L_overlay_start_0:
0x88: {  	s2 =	sld [smem:$0x3FD9]  }
0x89: {  	s3 =	sld [smem:$0x3FFE];
	_ =	sdelay $0x1  }
0x8a: {  	s1 =	srdreg.scid  }
0x8b: {  	s0 =	sand.u32 $0x1, s1  }
0x8c: {  	s16 =	sshll.u32 s0, $0xA;
	s2 =	sadd.s32 s3, s2  }
0x8d: {  	s2 =	sadd.s32 s2, s16  }
0x8e: {  	[smem:$0x3FC0] =	sst s2  }
0x8f: {  	_ = 	snop  }
0x90: {  	(tm) =	ssettm $0x1  }
0x91: {  	s17 =	sld [smem:$0x3FFB];
	_ =	sdelay $0x3  }
0x92: {  	_ =	strace s17  }
0x93: {  	s2 =	sld [smem:$0x3FFC];
	_ =	sdelay $0x3  }
0x94: {  	_ =	strace s2  }
0x95: {  	s2 =	sld [smem:$0x3FFD];
	_ =	sdelay $0x3  }
0x96: {  	_ =	strace s2  }
0x97: {  	_ =	strace $0x8FFFFFFF  }
0x98: {  	s18 =	sld [smem:$0x3FDB];
	_ =	sdelay $0x1  }
0x99: {  	s19 =	simm.s32 $_scs_section_size  }
0x9a: {  	s4 =	simm.s32 $_size__tile_overlayer_lowered;
	s5 =	simm.s32 $_tile_overlayer_lowered  }
0x9b: {  	s22 =	simm.s32 $0x1BFF;
	s21 =	sshll.u32 s5, $0x1;
	s2 =	sadd.s32 s19, s18  }
0x9c: {  	s6 =	simm.s32 $0x0;
	s20 =	sshll.u32 s4, $0x1;
	s4 =	sadd.s32 s21, s2  }
0x9d: {  	[timem:s6], [sflag:s22] =	dma.local [hbm:s4], s20  }
0x9e: {  	_ =	swait.ge [sflag:s22], s20  }
0x9f: {  	s3 =	ssub.s32 $0x0, s20;
	[sflag:s22] =	ssyncset.done $0x0  }
0xa0: {  	[sflag:s22] =	ssyncadd.s32 s3;
	_ =	sdelay $0x1  }
0xa1: {  	s23 =	simm.s32 $0x1B8B  }
0xa2: {  	_ =	swait.ge [sflag:s23], $0x1  }
0xa3: {  	[sflag:s23] =	ssyncset.done $0x0  }
0xa4: {  	s25 =	simm.s32 $0x1B8E;
	s24 =	sld [smem:$0x3FFE];
	[sflag:s23] =	ssyncadd.s32 $0xFFFFFFFF  }
0xa5: {  	s26 =	simm.s32 $execute0_lowered;
	[smem:$0x3FD2] =	sst s25  }
0xa6: {  	s4 =	sshll.u32 s26, $0x1;
	_ =	strace $0x80000049;
	[dreg:$0x1] =	wrdreg $0xFFFFFFFF  }
0xa7: {  	s28 =	simm.s32 $_size_execute0_lowered;
	s2 =	sadd.s32 s2, s4;
	[dreg:$0x0] =	wrdreg $0x0  }
0xa8: {  	s4 =	sshll.u32 s28, $0x1;
	[dreg:$0x2] =	wrdreg s2  }
0xa9: {  	[dreg:$0x3] =	wrdreg s4  }
0xaa: {  	[dreg:$0x4] =	wrdreg $0xC0  }
0xab: {  	_ =	task [dreg:s6], $0x5FFFF  }
0xac: {  	[dreg:$0x1] =	wrdreg $0xFFFFFFFF  }
0xad: {  	[dreg:$0x0] =	wrdreg $0x60  }
0xae: {  	[dreg:$0x2] =	wrdreg s24  }
0xaf: {  	[dreg:$0x3] =	wrdreg $0x0  }
0xb0: {  	[dreg:$0x4] =	wrdreg $0x9  }
0xb1: {  	_ =	task.clear_ibuf [dreg:s6], $0x5FFFF;
	_ =	strace $0x90000049  }
0xb2: {  	s29 =	simm.s32 $0x9;
	_ =	strace $0x8000004B  }
0xb3: {  	_ =	swait.ge [sflag:s29], $0x1  }
0xb4: {  	[sflag:s29] =	ssyncadd.s32 $0xFFFFFFFF  }
0xb5: {  	_ =	strace $0x9000004B  }
0xb6: {  	_ =	sfence  }
0xb7: {  	s30 =	sld [smem:$0x0];
	_ =	sdelay $0x2  }
0xb8: {  	s31 =	sshll.u32 s1, $0xD;
	s1 =	sshrl.u32 s1, $0x2  }
0xb9: {  	s3 =	sand.u32 $0x4000, s31;
	s1 =	sadd.s32 s1, s30  }
0xba: {  	s0 =	sor.u32 s3, s0;
	s1 =	sshll.u32 s1, $0x11  }
0xbb: {  	s0 =	sor.u32 s1, s0  }
0xbc: {  	s0 =	sadd.s32 $0x8F2B, s0  }
0xbd: {  	[sflag:s0] =	ssyncadd.remote.s32 $0x1  }
0xbe: {  	_ =	sfence.sel $0xFFFF  }
0xbf: {  	[dreg:$0x0] =	wrdreg $0xFFFFFFFF;
	(pc) =	sbr.abs _section_cstart, $3  }
0xc0: {  	[dreg:$0x1] =	wrdreg $0xFFFFFFFF  }
0xc1: {  	_ =	task.clear_ibuf [dreg:s6], $0x2FFFF;
	_ =	strace $0x9FFFFFFF  }
0xc2: {  	(tm) =	ssettm $0x7FFFFFFF  }
0xc3: {  	_ =	shalt  }
tec
execute0_lowered:
.L_overlay_start_1:
0x0: {  	(tag) =	ssettag $0x1  }
0x1: {  	s0 =	rddreg [dreg:$0x0]  }
0x2: {  	s2 =	rddreg [dreg:$0x1];
	s3 =	simm.s32 $0x0;
	s9 =	stileid.u32  }
0x3: {  	s6 =	srdreg.scid;
	s19 =	simm.s32 $0x18F80;
	s20 =	simm.s32 $0x5  }
0x4: {  	s21 =	simm.s32 $0x14000;
	s22 =	simm.s32 $0x167C0;
	s23 =	simm.s32 $0x60  }
0x5: {  	s24 =	simm.s32 $0x1;
	s26 =	simm.s32 $0x1BF80;
	s28 =	simm.s32 $0x2  }
0x6: {  	s30 =	simm.s32 $0x3;
	s25 =	simm.s32 $0x0;
	[smem:$0x7FF] =	sst s3  }
0x7: {  	s4 =	sadd.s32 $0x5B000, s0;
	s1 =	smul.u32 $0x4F8, s9;
	s5 =	sadd.s32 $0x82200, s0  }
0x8: {  	s7 =	smul.u32 $0x50000, s9;
	s8 =	sadd.s32 $0xA9400, s0;
	s6 =	sand.u32 $0x1, s6  }
0x9: {  	s17 =	smul.u32 $0x14000, s9;
	_ =	strace $0x8000004A;
	[dreg:$0x3] =	wrdreg s8  }
0xa: {  	s29 =	ssub.s32 $0x2, s6;
	p0 =	seq.s32 s6, $0x1;
	s1 =	sadd.s32 s1, s0  }
0xb: {  	s7 =	sshrl.u32 s7, $0x2;
	s0 =	sadd.s32 $0xD1400, s0;
	s31 =	sshrl.u32 s29, $0x1  }
0xc: {  	s8 =	sadd.s32 s17, s2;
	s17 =	sshrl.u32 s17, $0x3;
	[dreg:$0x4] =	wrdreg s0  }
.Ltmp0:
0xd: {  	s7 =	sadd.s32 s7, s2;
	s0 =	ssub.s32 s29, s31;
	(pc) =	sbr.rel .LBB2_1-.Ltmp0, $4  }
0xe: {  	s15 =	sadd.s32 $0x7E00, s1;
	s16 =	sadd.s32 $0x2E00, s1;
	s1 =	simm.s32 $0x18F20  }
0xf: {  	s9 =	sadd.s32 $0x3000, s7;
	s10 =	sadd.s32 $0x6000, s7;
	s11 =	sadd.s32 $0x9000, s7  }
0x10: {  	s12 =	sadd.s32 $0xC000, s7;
	s13 =	sadd.s32 $0xF000, s7;
	s14 =	sadd.s32 $0x12000, s7  }
0x11: {  	v0 =	vimm.f32 $0.0e+00;
	s18 =	smax.u32 s0, $0x1;
	s0 =	simm.s32 $0x4;
	s7 =	simm.s32 $0x16760  }
.LBB2_6:
0x12: {  	[tilespmem:s19], [sflag:$0x1] =	stream.indirect.gather [hbm4b:s4+s23], $0x80, s31, s23, $0xb8;
	[tilespmem:$0x1EF80] =	vst v63  }
0x13: {  	s31 =	smov.u32 s4;
	s29 =	rddreg [dreg:$0x3]  }
.LBB2_10:
0x14: {  	_ =	swait.ge [sflag:s24], $0x3000  }
0x15: {  	[sflag:s24] =	ssyncset.done $0x0  }
0x16: {  	s6 =	simm.s32 $0x18EC0;
	[sflag:s24] =	ssyncadd.s32 $0xFFFFD000  }
0x17: {  	[spmem:s2] =	stream.indirect.scatter.add.f32 [tilespmem:s19], [sflag:$0x3], $0x80, s6, s23, $0xb8;
	[tilespmem:$0x1EF80] =	vst v63  }
0x18: {  	_ =	swait.ge [sflag:s0], $0x3000  }
0x19: {  	[sflag:s0] =	ssyncset.done $0x0  }
0x1a: {  	[sflag:s0] =	ssyncadd.s32 $0xFFFFD000  }
0x1b: {  	[tilespmem:s26], [sflag:$0x2] =	stream.indirect.gather [hbm4b:s31+s23], $0x80, s7, s23, $0xb8;
	[tilespmem:$0x1EF80] =	vst v63  }
0x1c: {  	_ =	swait.ge [sflag:s28], $0x3000  }
0x1d: {  	[sflag:s28] =	ssyncset.done $0x0  }
0x1e: {  	[sflag:s28] =	ssyncadd.s32 $0xFFFFD000  }
0x1f: {  	[spmem:s2] =	stream.indirect.scatter.add.f32 [tilespmem:s26], [sflag:$0x4], $0x80, s1, s23, $0xb8;
	[tilespmem:$0x1EF80] =	vst v63  }
0x20: {  	_ =	swait.ge [sflag:s30], $0x3000  }
0x21: {  	[sflag:s30] =	ssyncset.done $0x0  }
0x22: {  	s25 =	sadd.s32 $0x1, s25;
	[sflag:s30] =	ssyncadd.s32 $0xFFFFD000  }
0x23: {  	p1 =	sne.s32 s25, s18;
	_ =	swait.ge [sflag:s0], $0x3000  }
0x24: {  	s6 =	sadd.s32 s29, s17;
	s31 =	stileid.u32;
	[sflag:s0] =	ssyncset.done $0x0  }
0x25: {  	s29 =	sshll.u32 s31, $0x6;
	s31 =	sshrl.u32 s8, $0x3;
	[sflag:s0] =	ssyncadd.s32 $0xFFFFD000  }
.Ltmp1:
0x26: {  	s29 =	sor.u32 $0x1C05, s29;
	[bflag:$0x0] =	sbarrier.arrive $0xFFFF;
	(pc) =	sbr.rel @!p1 .LBB2_11-.Ltmp1, $4  }
0x27: {  	[hbm:s6], [sflag:s29] =	dma.local [spmem:s31], $0x2800  }
0x28: {  	_ =	swait.ge [sflag:s20], $0x2800  }
0x29: {  	[sflag:s20] =	ssyncset.done $0x0  }
0x2a: {  	[sflag:s20] =	ssyncadd.s32 $0xFFFFD800  }
.LBB2_1:
0x2b: {  	s29 =	simm.s32 $0x0;
	s31 =	simm.s32 $0x200  }
.LBB2_2:
0x2c: {  	p1 =	sne.s32 s31, $0xBE00;
	[tilespmem:s29+$0x18FF0] =	vst v0  }
0x2d: {  	[tilespmem:s29+$0x18F80] =	vst v0  }
0x2e: {  	[tilespmem:s29+$0x18F90] =	vst v0  }
.Ltmp2:
0x2f: {  	[tilespmem:s29+$0x18FA0] =	vst v0;
	(pc) =	sbr.rel @p1 .LBB2_2-.Ltmp2, $4  }
0x30: {  	[tilespmem:s29+$0x18FB0] =	vst v0  }
0x31: {  	[tilespmem:s29+$0x18FC0] =	vst v0  }
0x32: {  	[tilespmem:s29+$0x18FD0] =	vst v0  }
0x33: {  	[tilespmem:s29+$0x18FE0] =	vst v0;
	s29 =	sshra.s32 s31, $0x2;
	s31 =	sadd.s32 $0x200, s31  }
0x34: {  	[tilespmem:s29+$0x18FF0] =	vst v0  }
0x35: {  	[tilespmem:s29+$0x18F80] =	vst v0  }
0x36: {  	[tilespmem:s29+$0x18F90] =	vst v0  }
0x37: {  	[tilespmem:s29+$0x18FA0] =	vst v0  }
0x38: {  	[tilespmem:s29+$0x18FB0] =	vst v0  }
0x39: {  	[tilespmem:s29+$0x18FC0] =	vst v0  }
0x3a: {  	[tilespmem:s29+$0x18FD0] =	vst v0  }
0x3b: {  	[tilespmem:s29+$0x18FE0] =	vst v0  }
0x3c: {  	[spmem:s8] =	stream.linear.scatter [tilespmem:s19], [sflag:$0x5], $0x3000, $0x38;
	[tilespmem:$0x1EF80] =	vst v63  }
0x3d: {  	_ =	swait.ge [sflag:s20], $0x3000  }
0x3e: {  	[sflag:s20] =	ssyncset.done $0x0  }
0x3f: {  	[sflag:s20] =	ssyncadd.s32 $0xFFFFD000  }
0x40: {  	[spmem:s9] =	stream.linear.scatter [tilespmem:s19], [sflag:$0x5], $0x3000, $0x38;
	[tilespmem:$0x1EF80] =	vst v63  }
0x41: {  	_ =	swait.ge [sflag:s20], $0x3000  }
0x42: {  	[sflag:s20] =	ssyncset.done $0x0  }
0x43: {  	[sflag:s20] =	ssyncadd.s32 $0xFFFFD000  }
0x44: {  	[spmem:s10] =	stream.linear.scatter [tilespmem:s19], [sflag:$0x5], $0x3000, $0x38;
	[tilespmem:$0x1EF80] =	vst v63  }
0x45: {  	_ =	swait.ge [sflag:s20], $0x3000  }
0x46: {  	[sflag:s20] =	ssyncset.done $0x0  }
0x47: {  	[sflag:s20] =	ssyncadd.s32 $0xFFFFD000  }
0x48: {  	[spmem:s11] =	stream.linear.scatter [tilespmem:s19], [sflag:$0x5], $0x3000, $0x38;
	[tilespmem:$0x1EF80] =	vst v63  }
0x49: {  	_ =	swait.ge [sflag:s20], $0x3000  }
0x4a: {  	[sflag:s20] =	ssyncset.done $0x0  }
0x4b: {  	[sflag:s20] =	ssyncadd.s32 $0xFFFFD000  }
0x4c: {  	[spmem:s12] =	stream.linear.scatter [tilespmem:s19], [sflag:$0x5], $0x3000, $0x38;
	[tilespmem:$0x1EF80] =	vst v63  }
0x4d: {  	_ =	swait.ge [sflag:s20], $0x3000  }
0x4e: {  	[sflag:s20] =	ssyncset.done $0x0  }
0x4f: {  	[sflag:s20] =	ssyncadd.s32 $0xFFFFD000  }
0x50: {  	[spmem:s13] =	stream.linear.scatter [tilespmem:s19], [sflag:$0x5], $0x3000, $0x38;
	[tilespmem:$0x1EF80] =	vst v63  }
0x51: {  	_ =	swait.ge [sflag:s20], $0x3000  }
0x52: {  	[sflag:s20] =	ssyncset.done $0x0  }
0x53: {  	[sflag:s20] =	ssyncadd.s32 $0xFFFFD000  }
0x54: {  	[spmem:s14] =	stream.linear.scatter [tilespmem:s19], [sflag:$0x5], $0x2000, $0x38;
	[tilespmem:$0x1EF80] =	vst v63  }
0x55: {  	_ =	swait.ge [sflag:s20], $0x2000  }
0x56: {  	[sflag:s20] =	ssyncset.done $0x0  }
0x57: {  	[sflag:s20] =	ssyncadd.s32 $0xFFFFE000  }
0x58: {  	[tilespmem:s21], [sflag:$0x5] =	stream.linear.gather [hbm4b:s15+s3], $0x27C0, $0x38;
	[tilespmem:$0x1EF80] =	vst v63  }
0x59: {  	_ =	swait.ge [sflag:s20], $0x27C0  }
0x5a: {  	[sflag:s20] =	ssyncset.done $0x0  }
0x5b: {  	[sflag:s20] =	ssyncadd.s32 $0xFFFFD840  }
0x5c: {  	[tilespmem:s22], [sflag:$0x5] =	stream.linear.gather [hbm4b:s16+s3], $0x27C0, $0x38;
	[tilespmem:$0x1EF80] =	vst v63  }
.Ltmp3:
0x5d: {  	_ =	swait.ge [sflag:s20], $0x27C0;
	(pc) =	sbr.rel @!p0 .LBB2_4-.Ltmp3, $3  }
0x5e: {  	[sflag:s20] =	ssyncset.done $0x0  }
0x5f: {  	[sflag:s20] =	ssyncadd.s32 $0xFFFFD840  }
0x60: {  	[bflag:$0x0] =	sbarrier.arrive $0xFFFF;
	_ =	sdelay $0x1  }
0x61: {  	[tilespmem:s19], [sflag:$0x1] =	stream.indirect.gather [hbm4b:s5+s23], $0x80, s21, s23, $0xb8;
	[tilespmem:$0x1EF80] =	vst v63  }
0x62: {  	_ =	swait.ge [sflag:s24], $0x3000  }
0x63: {  	[sflag:s24] =	ssyncset.done $0x0  }
0x64: {  	[sflag:s24] =	ssyncadd.s32 $0xFFFFD000  }
0x65: {  	[spmem:s2] =	stream.indirect.scatter.add.f32 [tilespmem:s19], [sflag:$0x3], $0x80, s22, s23, $0xb8;
	[tilespmem:$0x1EF80] =	vst v63  }
0x66: {  	s6 =	simm.s32 $0x14060  }
0x67: {  	[tilespmem:s26], [sflag:$0x2] =	stream.indirect.gather [hbm4b:s5+s23], $0x80, s6, s23, $0xb8;
	[tilespmem:$0x1EF80] =	vst v63  }
0x68: {  	_ =	swait.ge [sflag:s28], $0x3000  }
0x69: {  	[sflag:s28] =	ssyncset.done $0x0  }
0x6a: {  	s6 =	simm.s32 $0x16820;
	[sflag:s28] =	ssyncadd.s32 $0xFFFFD000  }
0x6b: {  	[spmem:s2] =	stream.indirect.scatter.add.f32 [tilespmem:s26], [sflag:$0x4], $0x80, s6, s23, $0xb8;
	[tilespmem:$0x1EF80] =	vst v63  }
0x6c: {  	_ =	swait.ge [sflag:s30], $0x3000  }
0x6d: {  	[sflag:s30] =	ssyncset.done $0x0  }
0x6e: {  	s6 =	simm.s32 $0x140C0;
	[sflag:s30] =	ssyncadd.s32 $0xFFFFD000  }
0x6f: {  	[tilespmem:s19], [sflag:$0x1] =	stream.indirect.gather [hbm4b:s5+s23], $0x80, s6, s23, $0xb8;
	[tilespmem:$0x1EF80] =	vst v63  }
0x70: {  	_ =	swait.ge [sflag:s24], $0x3000  }
0x71: {  	[sflag:s24] =	ssyncset.done $0x0  }
0x72: {  	s6 =	simm.s32 $0x16880;
	[sflag:s24] =	ssyncadd.s32 $0xFFFFD000  }
0x73: {  	[spmem:s2] =	stream.indirect.scatter.add.f32 [tilespmem:s19], [sflag:$0x3], $0x80, s6, s23, $0xb8;
	[tilespmem:$0x1EF80] =	vst v63  }
0x74: {  	_ =	swait.ge [sflag:s0], $0x3000  }
0x75: {  	[sflag:s0] =	ssyncset.done $0x0  }
0x76: {  	s6 =	simm.s32 $0x14120;
	[sflag:s0] =	ssyncadd.s32 $0xFFFFD000  }
0x77: {  	[tilespmem:s26], [sflag:$0x2] =	stream.indirect.gather [hbm4b:s5+s23], $0x80, s6, s23, $0xb8;
	[tilespmem:$0x1EF80] =	vst v63  }
0x78: {  	_ =	swait.ge [sflag:s28], $0x3000  }
0x79: {  	[sflag:s28] =	ssyncset.done $0x0  }
0x7a: {  	s6 =	simm.s32 $0x168E0;
	[sflag:s28] =	ssyncadd.s32 $0xFFFFD000  }
0x7b: {  	[spmem:s2] =	stream.indirect.scatter.add.f32 [tilespmem:s26], [sflag:$0x4], $0x80, s6, s23, $0xb8;
	[tilespmem:$0x1EF80] =	vst v63  }
0x7c: {  	_ =	swait.ge [sflag:s30], $0x3000  }
0x7d: {  	[sflag:s30] =	ssyncset.done $0x0  }
0x7e: {  	s29 =	simm.s32 $0xFFFF6A00;
	s31 =	simm.s32 $0x14180;
	[sflag:s30] =	ssyncadd.s32 $0xFFFFD000  }
.LBB2_8:
0x7f: {  	[tilespmem:s19], [sflag:$0x1] =	stream.indirect.gather [hbm4b:s5+s23], $0x80, s31, s23, $0xb8;
	[tilespmem:$0x1EF80] =	vst v63  }
0x80: {  	s6 =	smov.u32 s29  }
0x81: {  	p1 =	sne.s32 s29, $0xFFFFFD00;
	s29 =	sadd.s32 $0x300, s29;
	_ =	swait.ge [sflag:s24], $0x3000  }
0x82: {  	s6 =	sshra.s32 s6, $0x2;
	[sflag:s24] =	ssyncset.done $0x0  }
0x83: {  	s31 =	sadd.s32 $0x18EC0, s6;
	[sflag:s24] =	ssyncadd.s32 $0xFFFFD000  }
0x84: {  	[spmem:s2] =	stream.indirect.scatter.add.f32 [tilespmem:s19], [sflag:$0x3], $0x80, s31, s23, $0xb8;
	[tilespmem:$0x1EF80] =	vst v63  }
0x85: {  	_ =	swait.ge [sflag:s0], $0x3000  }
0x86: {  	[sflag:s0] =	ssyncset.done $0x0  }
0x87: {  	s31 =	sadd.s32 $0x16760, s6;
	[sflag:s0] =	ssyncadd.s32 $0xFFFFD000  }
0x88: {  	[tilespmem:s26], [sflag:$0x2] =	stream.indirect.gather [hbm4b:s5+s23], $0x80, s31, s23, $0xb8;
	[tilespmem:$0x1EF80] =	vst v63  }
0x89: {  	_ =	swait.ge [sflag:s28], $0x3000  }
0x8a: {  	[sflag:s28] =	ssyncset.done $0x0  }
.Ltmp4:
0x8b: {  	s31 =	sadd.s32 $0x18F20, s6;
	[sflag:s28] =	ssyncadd.s32 $0xFFFFD000;
	(pc) =	sbr.rel @p1 .LBB2_8-.Ltmp4, $4  }
0x8c: {  	[spmem:s2] =	stream.indirect.scatter.add.f32 [tilespmem:s26], [sflag:$0x4], $0x80, s31, s23, $0xb8;
	[tilespmem:$0x1EF80] =	vst v63  }
0x8d: {  	_ =	swait.ge [sflag:s30], $0x3000  }
0x8e: {  	[sflag:s30] =	ssyncset.done $0x0  }
0x8f: {  	s31 =	sadd.s32 $0x167C0, s6;
	[sflag:s30] =	ssyncadd.s32 $0xFFFFD000  }
.Ltmp5:
0x90: {  	(pc) =	sbr.rel .LBB2_10-.Ltmp5, $3  }
0x91: {  	_ =	sdelay $0x1  }
0x92: {  	[tilespmem:s19], [sflag:$0x1] =	stream.indirect.gather [hbm4b:s5+s23], $0x80, s31, s23, $0xb8;
	[tilespmem:$0x1EF80] =	vst v63  }
0x93: {  	s31 =	smov.u32 s5;
	s29 =	rddreg [dreg:$0x4]  }
.LBB2_4:
0x94: {  	[tilespmem:s19], [sflag:$0x1] =	stream.indirect.gather [hbm4b:s4+s23], $0x80, s21, s23, $0xb8;
	[tilespmem:$0x1EF80] =	vst v63  }
0x95: {  	_ =	swait.ge [sflag:s24], $0x3000  }
0x96: {  	[sflag:s24] =	ssyncset.done $0x0  }
0x97: {  	[sflag:s24] =	ssyncadd.s32 $0xFFFFD000  }
0x98: {  	[spmem:s2] =	stream.indirect.scatter.add.f32 [tilespmem:s19], [sflag:$0x3], $0x80, s22, s23, $0xb8;
	[tilespmem:$0x1EF80] =	vst v63  }
0x99: {  	s6 =	simm.s32 $0x14060  }
0x9a: {  	[tilespmem:s26], [sflag:$0x2] =	stream.indirect.gather [hbm4b:s4+s23], $0x80, s6, s23, $0xb8;
	[tilespmem:$0x1EF80] =	vst v63  }
0x9b: {  	_ =	swait.ge [sflag:s28], $0x3000  }
0x9c: {  	[sflag:s28] =	ssyncset.done $0x0  }
0x9d: {  	s6 =	simm.s32 $0x16820;
	[sflag:s28] =	ssyncadd.s32 $0xFFFFD000  }
0x9e: {  	[spmem:s2] =	stream.indirect.scatter.add.f32 [tilespmem:s26], [sflag:$0x4], $0x80, s6, s23, $0xb8;
	[tilespmem:$0x1EF80] =	vst v63  }
0x9f: {  	_ =	swait.ge [sflag:s30], $0x3000  }
0xa0: {  	[sflag:s30] =	ssyncset.done $0x0  }
0xa1: {  	s6 =	simm.s32 $0x140C0;
	[sflag:s30] =	ssyncadd.s32 $0xFFFFD000  }
0xa2: {  	[tilespmem:s19], [sflag:$0x1] =	stream.indirect.gather [hbm4b:s4+s23], $0x80, s6, s23, $0xb8;
	[tilespmem:$0x1EF80] =	vst v63  }
0xa3: {  	_ =	swait.ge [sflag:s24], $0x3000  }
0xa4: {  	[sflag:s24] =	ssyncset.done $0x0  }
0xa5: {  	s29 =	simm.s32 $0x16880;
	[sflag:s24] =	ssyncadd.s32 $0xFFFFD000  }
0xa6: {  	[spmem:s2] =	stream.indirect.scatter.add.f32 [tilespmem:s19], [sflag:$0x3], $0x80, s29, s23, $0xb8;
	[tilespmem:$0x1EF80] =	vst v63  }
0xa7: {  	_ =	swait.ge [sflag:s0], $0x3000  }
0xa8: {  	[sflag:s0] =	ssyncset.done $0x0  }
0xa9: {  	s29 =	simm.s32 $0x14120;
	[sflag:s0] =	ssyncadd.s32 $0xFFFFD000  }
0xaa: {  	[tilespmem:s26], [sflag:$0x2] =	stream.indirect.gather [hbm4b:s4+s23], $0x80, s29, s23, $0xb8;
	[tilespmem:$0x1EF80] =	vst v63  }
0xab: {  	_ =	swait.ge [sflag:s28], $0x3000  }
0xac: {  	[sflag:s28] =	ssyncset.done $0x0  }
0xad: {  	s29 =	simm.s32 $0x168E0;
	[sflag:s28] =	ssyncadd.s32 $0xFFFFD000  }
0xae: {  	[spmem:s2] =	stream.indirect.scatter.add.f32 [tilespmem:s26], [sflag:$0x4], $0x80, s29, s23, $0xb8;
	[tilespmem:$0x1EF80] =	vst v63  }
0xaf: {  	_ =	swait.ge [sflag:s30], $0x3000  }
0xb0: {  	[sflag:s30] =	ssyncset.done $0x0  }
0xb1: {  	s31 =	simm.s32 $0x14180;
	s29 =	simm.s32 $0xFFFF6A00;
	[sflag:s30] =	ssyncadd.s32 $0xFFFFD000  }
.LBB2_5:
0xb2: {  	[tilespmem:s19], [sflag:$0x1] =	stream.indirect.gather [hbm4b:s4+s23], $0x80, s31, s23, $0xb8;
	[tilespmem:$0x1EF80] =	vst v63  }
0xb3: {  	s31 =	smov.u32 s29  }
0xb4: {  	p1 =	seq.s32 s29, $0xFFFFFD00;
	s29 =	sadd.s32 $0x300, s29;
	_ =	swait.ge [sflag:s24], $0x3000  }
0xb5: {  	s31 =	sshra.s32 s31, $0x2;
	[sflag:s24] =	ssyncset.done $0x0  }
0xb6: {  	s6 =	sadd.s32 $0x18EC0, s31;
	[sflag:s24] =	ssyncadd.s32 $0xFFFFD000  }
0xb7: {  	[spmem:s2] =	stream.indirect.scatter.add.f32 [tilespmem:s19], [sflag:$0x3], $0x80, s6, s23, $0xb8;
	[tilespmem:$0x1EF80] =	vst v63  }
0xb8: {  	_ =	swait.ge [sflag:s0], $0x3000  }
0xb9: {  	[sflag:s0] =	ssyncset.done $0x0  }
0xba: {  	s6 =	sadd.s32 $0x16760, s31;
	[sflag:s0] =	ssyncadd.s32 $0xFFFFD000  }
0xbb: {  	[tilespmem:s26], [sflag:$0x2] =	stream.indirect.gather [hbm4b:s4+s23], $0x80, s6, s23, $0xb8;
	[tilespmem:$0x1EF80] =	vst v63  }
0xbc: {  	_ =	swait.ge [sflag:s28], $0x3000  }
0xbd: {  	[sflag:s28] =	ssyncset.done $0x0  }
.Ltmp6:
0xbe: {  	s6 =	sadd.s32 $0x18F20, s31;
	[sflag:s28] =	ssyncadd.s32 $0xFFFFD000;
	(pc) =	sbr.rel @!p1 .LBB2_5-.Ltmp6, $4  }
0xbf: {  	[spmem:s2] =	stream.indirect.scatter.add.f32 [tilespmem:s26], [sflag:$0x4], $0x80, s6, s23, $0xb8;
	[tilespmem:$0x1EF80] =	vst v63  }
0xc0: {  	_ =	swait.ge [sflag:s30], $0x3000  }
0xc1: {  	[sflag:s30] =	ssyncset.done $0x0  }
0xc2: {  	s31 =	sadd.s32 $0x167C0, s31;
	[sflag:s30] =	ssyncadd.s32 $0xFFFFD000  }
.Ltmp7:
0xc3: {  	_ = 	snop;
	(pc) =	sbr.rel .LBB2_6-.Ltmp7, $1  }
0xc4: {  	_ =	sdelay $0x3  }
.LBB2_11:
0xc5: {  	_ =	sfence.sel $0x180000  }
0xc6: {  	[bflag:$0x0] =	sbarrier.arrive $0xFFFF  }
0xc7: {  	_ =	strace $0x9000004A  }
0xc8: {  	s0 =	stileid.u32;
	[bflag:$0x2] =	sbarrier.arrive $0xFFFF  }
0xc9: {  	p0 =	sne.s32 s0, $0x0;
	s0 =	rddreg [dreg:$0x2]  }
0xca: {  	s0 =	sadd.s32 @!p0 $0x100000, s0  }
0xcb: {  	[sflag:s0] =	ssyncadd.tile.s32 @!p0 $0x1;
	_ =	shalt  }
.Lfunc_end2:
_tile_overlayer_lowered:
.L_overlay_start_2:
0xcc: {  	(tag) =	ssettag $0x2  }
0xcd: {  	s0 =	rddreg [dreg:$0x0];
	s2 =	stileid.u32  }
0xce: {  	s1 =	rddreg [dreg:$0x1];
	p0 =	sne.s32 s2, $0x0  }
0xcf: {  	s3 =	rddreg [dreg:$0x2];
	[bflag:$0x3] =	sbarrier.arrive $0xFFFF;
	s2 =	simm.s32 @!p0 $0x1C05  }
0xd0: {  	[timem:s3], [sflag:s2] =	dma.local @!p0 [hbm:s0], s1  }
0xd1: {  	s0 =	simm.s32 @!p0 $0x5  }
0xd2: {  	_ =	swait.ge @!p0 [sflag:s0], s1  }
0xd3: {  	s1 =	ssub.s32 @!p0 $0x0, s1;
	[sflag:s0] =	ssyncset.done @!p0 $0x0  }
0xd4: {  	[sflag:s0] =	ssyncadd.s32 @!p0 s1  }
0xd5: {  	[bflag:$0x3] =	sbarrier.arrive $0xFFFF  }
0xd6: {  	_ =	shalt  }

</sc_bundles>
